<compile_context>
chip_gen: v7x
topology: tpu7x:2x2x1
jax: 0.10.2.dev20260603
libtpu: 0.0.44.dev20260713+nightly
codegen_flags: <defaults>
</compile_context>

<pallas_src>
import functools

import jax
import jax.numpy as jnp
from jax import lax
from jax.experimental import pallas as pl
from jax.experimental.pallas import tpu as pltpu
from jax.experimental.pallas import tpu_sc as plsc

B = 1024
S = 200
D = 128
K = 50

NC = 2
NS = 16
NW = NC * NS
NWK = K // 2
CH = 128
NCHB = B // CH
NCHK = 2 * NCHB
NBUF = 4
L = 16

_mesh = plsc.VectorSubcoreMesh(core_axis_name="c", subcore_axis_name="s")


@functools.partial(
    pl.kernel,
    mesh=_mesh,
    out_type=jax.ShapeDtypeStruct((K * B, D), jnp.float32),
    scratch_types=[
        pltpu.VMEM((K * L,), jnp.int32),
        pltpu.VMEM((NCHK, CH), jnp.int32),
        pltpu.VMEM((NBUF, CH, D), jnp.float32),
        pltpu.SemaphoreType.DMA,
        pltpu.SemaphoreType.DMA,
    ],
)
def _gather(x_hbm, idxr_hbm, out_hbm, idx_v, gidx, buf, gsem, wsem):
    wid = lax.axis_index("s") * NC + lax.axis_index("c")

    @pl.when(wid < NWK)
    def _body():
        k0 = wid * 2
        pltpu.sync_copy(idxr_hbm, idx_v)

        iota = lax.iota(jnp.int32, L)

        def build_row(c):
            k = k0 + c // NCHB
            rep = idx_v[pl.ds(k * L, L)]
            b_base = (c % NCHB) * CH
            for h in range(CH // L):
                bv = jnp.full((L,), b_base + h * L, jnp.int32) + iota
                gidx[c, pl.ds(h * L, L)] = bv * S + rep

        def gstart(c):
            build_row(c)
            return pltpu.async_copy(
                x_hbm.at[gidx.at[c]], buf.at[c % NBUF], gsem)

        def wtarget(c):
            k = k0 + c // NCHB
            return out_hbm.at[pl.ds(k * B + (c % NCHB) * CH, CH)]

        gh = [None] * NCHK
        wh = [None] * NCHK
        for c in range(NBUF):
            gh[c] = gstart(c)
        for c in range(NCHK):
            gh[c].wait()
            wh[c] = pltpu.async_copy(buf.at[c % NBUF], wtarget(c), wsem)
            nc_ = c + NBUF
            if nc_ < NCHK:
                wh[c].wait()
                gh[nc_] = gstart(nc_)
        for c in range(NCHK - NBUF, NCHK):
            wh[c].wait()


def kernel(x, index):
    x2d = x.reshape(B * S, D)
    idx_rep = jnp.repeat(index, L)
    out2d = _gather(x2d, idx_rep)
    return out2d.reshape(K, B, D).transpose(1, 0, 2)

# --- scband reference (transcript-rebuilt; emitter-appended) ---
"""Pipeline reference for scband-index-select-8847632630050 (READ-ONLY COPY).

The authoritative reference and input builder live on the scoring server;
editing this copy changes nothing except your own understanding.
"""

import jax, jax.numpy as jnp
import numpy as np

INDEX = [1, 5, 9, 13, 17, 21, 25, 29, 33, 37, 41, 45, 49, 53, 57, 61, 65, 69, 73, 77, 81, 85, 89, 93, 97, 101, 105, 109, 113, 117, 121, 125, 129, 133, 137, 141, 145, 149, 153, 157, 161, 165, 169, 173, 177, 181, 185, 189, 193, 197]


def setup_inputs(seed: int = 0) -> dict:
    key = jax.random.key(seed)
    x = jax.random.normal(key, (1024, 200, 128), dtype=jnp.float32)
    index = jnp.array(INDEX, dtype=jnp.int32)
    return {"x": x, "index": index}


def reference(x, index):
    # torch.index_select(x, dim=1, index=index)
    return jnp.take(x, index, axis=1)

if __name__ == "__main__":
    import jax
    _d = setup_inputs()
    print(jax.jit(kernel)(*tuple(_d.values())))

</pallas_src>

<mosaic_0001>
#map = affine_map<(d0, d1) -> (0, 0)>
#map1 = affine_map<(d0, d1) -> (0)>
module attributes {stable_mosaic.version = 14 : i64} {
  func.func @_gather(%arg0: i32, %arg1: i32, %arg2: memref<204800x128xf32, #tpu.memory_space<hbm>>, %arg3: memref<800xi32, #tpu.memory_space<hbm>>, %arg4: memref<51200x128xf32, #tpu.memory_space<hbm>>, %arg5: memref<800xi32, #tpu.memory_space<vmem>>, %arg6: memref<16x128xi32, #tpu.memory_space<vmem>>, %arg7: memref<4x128x128xf32, #tpu.memory_space<vmem>>, %arg8: memref<!tpu.dma_semaphore, #tpu.memory_space<semaphore_mem>>, %arg9: memref<!tpu.dma_semaphore, #tpu.memory_space<semaphore_mem>>) attributes {dimension_semantics = [#tpu.dimension_semantics<core_parallel>, #tpu.dimension_semantics<subcore_parallel>], iteration_bounds = array<i64: 2, 16>, scalar_prefetch = 0 : i64, scratch_operands = 5 : i64, tpu.core_type = #tpu.core_type<sc_vector_subcore>, window_params = [{transform_indices = #map}, {transform_indices = #map1}, {transform_indices = #map}]} {
    %mul3A = arith.constant 2 : i32
    %mul3A_0 = arith.muli %arg1, %mul3A : i32
    %add3A = arith.addi %mul3A_0, %arg0 : i32
    %lt3A = arith.constant 25 : i32
    %lt3A_1 = arith.cmpi slt, %add3A, %lt3A : i32
    %convert_element_type3A = arith.extui %lt3A_1 : i1 to i32
    %cond3A = arith.constant 0 : i32
    %cond3A_2 = arith.cmpi ne, %convert_element_type3A, %cond3A : i32
    scf.if %cond3A_2 {
      %mul3A_3 = arith.constant 2 : i32
      %mul3A_4 = arith.muli %add3A, %mul3A_3 : i32
      "tpu.region"() ({
        %run_scoped3A = tpu.sem_alloc : memref<!tpu.dma_semaphore, #tpu.memory_space<semaphore_mem>>
        tpu.enqueue_dma source(%arg3 : memref<800xi32, #tpu.memory_space<hbm>>) target(%arg5 : memref<800xi32, #tpu.memory_space<vmem>>) target_semaphore(%run_scoped3A : memref<!tpu.dma_semaphore, #tpu.memory_space<semaphore_mem>>)
        tpu.wait_dma2 semaphore(%run_scoped3A : memref<!tpu.dma_semaphore, #tpu.memory_space<semaphore_mem>>) src(%arg3 : memref<800xi32, #tpu.memory_space<hbm>>) dst(%arg5 : memref<800xi32, #tpu.memory_space<vmem>>)
        tpu.yield
      }) : () -> ()
      %iota3A = tpu.iota {dimensions = array<i32: 0>} : vector<16xi32>
      %add3A_5 = arith.constant 0 : i32
      %add3A_6 = arith.addi %mul3A_4, %add3A_5 : i32
      %mul3A_7 = arith.constant 16 : i32
      %mul3A_8 = arith.muli %add3A_6, %mul3A_7 : i32
      %get3A = arith.index_cast %mul3A_8 : i32 to index
      %get3A_9 = tpu.vector_load %arg5[%get3A] {strides = array<i32>} : memref<800xi32, #tpu.memory_space<vmem>>, vector<16xi32>,
      %get3A_10 = vector.shape_cast %get3A_9 : vector<16xi32> to vector<16xi32>
      %broadcast_in_dim3A = arith.constant 0 : i32
      %broadcast_in_dim3A_11 = vector.broadcast %broadcast_in_dim3A : i32 to vector<16xi32>
      %add3A_12 = arith.addi %broadcast_in_dim3A_11, %iota3A : vector<16xi32>
      %mul3A_13 = arith.constant 200 : i32
      %mul3A_14 = vector.broadcast %mul3A_13 : i32 to vector<16xi32>
      %mul3A_15 = arith.muli %add3A_12, %mul3A_14 : vector<16xi32>
      %add3A_16 = arith.addi %mul3A_15, %get3A_10 : vector<16xi32>
      %swap3A = arith.constant 0 : i32
      %swap3A_17 = arith.index_cast %swap3A : i32 to index
      %swap3A_18 = arith.constant 0 : index
      %swap3A_19 = tpu.vector_load %arg6[%swap3A_17, %swap3A_18] {strides = array<i32>} : memref<16x128xi32, #tpu.memory_space<vmem>>, vector<1x16xi32>,
      %swap3A_20 = vector.shape_cast %swap3A_19 : vector<1x16xi32> to vector<16xi32>
      %swap3A_21 = vector.shape_cast %add3A_16 : vector<16xi32> to vector<1x16xi32>
      tpu.vector_store %arg6[%swap3A_17, %swap3A_18], %swap3A_21 {strides = array<i32>} : memref<16x128xi32, #tpu.memory_space<vmem>>, vector<1x16xi32>,
      %broadcast_in_dim3A_22 = arith.constant 16 : i32
      %broadcast_in_dim3A_23 = vector.broadcast %broadcast_in_dim3A_22 : i32 to vector<16xi32>
      %add3A_24 = arith.addi %broadcast_in_dim3A_23, %iota3A : vector<16xi32>
      %mul3A_25 = arith.constant 200 : i32
      %mul3A_26 = vector.broadcast %mul3A_25 : i32 to vector<16xi32>
      %mul3A_27 = arith.muli %add3A_24, %mul3A_26 : vector<16xi32>
      %add3A_28 = arith.addi %mul3A_27, %get3A_10 : vector<16xi32>
      %swap3A_29 = arith.constant 0 : i32
      %swap3A_30 = arith.index_cast %swap3A_29 : i32 to index
      %swap3A_31 = arith.constant 16 : index
      %swap3A_32 = tpu.vector_load %arg6[%swap3A_30, %swap3A_31] {strides = array<i32>} : memref<16x128xi32, #tpu.memory_space<vmem>>, vector<1x16xi32>,
      %swap3A_33 = vector.shape_cast %swap3A_32 : vector<1x16xi32> to vector<16xi32>
      %swap3A_34 = vector.shape_cast %add3A_28 : vector<16xi32> to vector<1x16xi32>
      tpu.vector_store %arg6[%swap3A_30, %swap3A_31], %swap3A_34 {strides = array<i32>} : memref<16x128xi32, #tpu.memory_space<vmem>>, vector<1x16xi32>,
      %broadcast_in_dim3A_35 = arith.constant 32 : i32
      %broadcast_in_dim3A_36 = vector.broadcast %broadcast_in_dim3A_35 : i32 to vector<16xi32>
      %add3A_37 = arith.addi %broadcast_in_dim3A_36, %iota3A : vector<16xi32>
      %mul3A_38 = arith.constant 200 : i32
      %mul3A_39 = vector.broadcast %mul3A_38 : i32 to vector<16xi32>
      %mul3A_40 = arith.muli %add3A_37, %mul3A_39 : vector<16xi32>
      %add3A_41 = arith.addi %mul3A_40, %get3A_10 : vector<16xi32>
      %swap3A_42 = arith.constant 0 : i32
      %swap3A_43 = arith.index_cast %swap3A_42 : i32 to index
      %swap3A_44 = arith.constant 32 : index
      %swap3A_45 = tpu.vector_load %arg6[%swap3A_43, %swap3A_44] {strides = array<i32>} : memref<16x128xi32, #tpu.memory_space<vmem>>, vector<1x16xi32>,
      %swap3A_46 = vector.shape_cast %swap3A_45 : vector<1x16xi32> to vector<16xi32>
      %swap3A_47 = vector.shape_cast %add3A_41 : vector<16xi32> to vector<1x16xi32>
      tpu.vector_store %arg6[%swap3A_43, %swap3A_44], %swap3A_47 {strides = array<i32>} : memref<16x128xi32, #tpu.memory_space<vmem>>, vector<1x16xi32>,
      %broadcast_in_dim3A_48 = arith.constant 48 : i32
      %broadcast_in_dim3A_49 = vector.broadcast %broadcast_in_dim3A_48 : i32 to vector<16xi32>
      %add3A_50 = arith.addi %broadcast_in_dim3A_49, %iota3A : vector<16xi32>
      %mul3A_51 = arith.constant 200 : i32
      %mul3A_52 = vector.broadcast %mul3A_51 : i32 to vector<16xi32>
      %mul3A_53 = arith.muli %add3A_50, %mul3A_52 : vector<16xi32>
      %add3A_54 = arith.addi %mul3A_53, %get3A_10 : vector<16xi32>
      %swap3A_55 = arith.constant 0 : i32
      %swap3A_56 = arith.index_cast %swap3A_55 : i32 to index
      %swap3A_57 = arith.constant 48 : index
      %swap3A_58 = tpu.vector_load %arg6[%swap3A_56, %swap3A_57] {strides = array<i32>} : memref<16x128xi32, #tpu.memory_space<vmem>>, vector<1x16xi32>,
      %swap3A_59 = vector.shape_cast %swap3A_58 : vector<1x16xi32> to vector<16xi32>
      %swap3A_60 = vector.shape_cast %add3A_54 : vector<16xi32> to vector<1x16xi32>
      tpu.vector_store %arg6[%swap3A_56, %swap3A_57], %swap3A_60 {strides = array<i32>} : memref<16x128xi32, #tpu.memory_space<vmem>>, vector<1x16xi32>,
      %broadcast_in_dim3A_61 = arith.constant 64 : i32
      %broadcast_in_dim3A_62 = vector.broadcast %broadcast_in_dim3A_61 : i32 to vector<16xi32>
      %add3A_63 = arith.addi %broadcast_in_dim3A_62, %iota3A : vector<16xi32>
      %mul3A_64 = arith.constant 200 : i32
      %mul3A_65 = vector.broadcast %mul3A_64 : i32 to vector<16xi32>
      %mul3A_66 = arith.muli %add3A_63, %mul3A_65 : vector<16xi32>
      %add3A_67 = arith.addi %mul3A_66, %get3A_10 : vector<16xi32>
      %swap3A_68 = arith.constant 0 : i32
      %swap3A_69 = arith.index_cast %swap3A_68 : i32 to index
      %swap3A_70 = arith.constant 64 : index
      %swap3A_71 = tpu.vector_load %arg6[%swap3A_69, %swap3A_70] {strides = array<i32>} : memref<16x128xi32, #tpu.memory_space<vmem>>, vector<1x16xi32>,
      %swap3A_72 = vector.shape_cast %swap3A_71 : vector<1x16xi32> to vector<16xi32>
      %swap3A_73 = vector.shape_cast %add3A_67 : vector<16xi32> to vector<1x16xi32>
      tpu.vector_store %arg6[%swap3A_69, %swap3A_70], %swap3A_73 {strides = array<i32>} : memref<16x128xi32, #tpu.memory_space<vmem>>, vector<1x16xi32>,
      %broadcast_in_dim3A_74 = arith.constant 80 : i32
      %broadcast_in_dim3A_75 = vector.broadcast %broadcast_in_dim3A_74 : i32 to vector<16xi32>
      %add3A_76 = arith.addi %broadcast_in_dim3A_75, %iota3A : vector<16xi32>
      %mul3A_77 = arith.constant 200 : i32
      %mul3A_78 = vector.broadcast %mul3A_77 : i32 to vector<16xi32>
      %mul3A_79 = arith.muli %add3A_76, %mul3A_78 : vector<16xi32>
      %add3A_80 = arith.addi %mul3A_79, %get3A_10 : vector<16xi32>
      %swap3A_81 = arith.constant 0 : i32
      %swap3A_82 = arith.index_cast %swap3A_81 : i32 to index
      %swap3A_83 = arith.constant 80 : index
      %swap3A_84 = tpu.vector_load %arg6[%swap3A_82, %swap3A_83] {strides = array<i32>} : memref<16x128xi32, #tpu.memory_space<vmem>>, vector<1x16xi32>,
      %swap3A_85 = vector.shape_cast %swap3A_84 : vector<1x16xi32> to vector<16xi32>
      %swap3A_86 = vector.shape_cast %add3A_80 : vector<16xi32> to vector<1x16xi32>
      tpu.vector_store %arg6[%swap3A_82, %swap3A_83], %swap3A_86 {strides = array<i32>} : memref<16x128xi32, #tpu.memory_space<vmem>>, vector<1x16xi32>,
      %broadcast_in_dim3A_87 = arith.constant 96 : i32
      %broadcast_in_dim3A_88 = vector.broadcast %broadcast_in_dim3A_87 : i32 to vector<16xi32>
      %add3A_89 = arith.addi %broadcast_in_dim3A_88, %iota3A : vector<16xi32>
      %mul3A_90 = arith.constant 200 : i32
      %mul3A_91 = vector.broadcast %mul3A_90 : i32 to vector<16xi32>
      %mul3A_92 = arith.muli %add3A_89, %mul3A_91 : vector<16xi32>
      %add3A_93 = arith.addi %mul3A_92, %get3A_10 : vector<16xi32>
      %swap3A_94 = arith.constant 0 : i32
      %swap3A_95 = arith.index_cast %swap3A_94 : i32 to index
      %swap3A_96 = arith.constant 96 : index
      %swap3A_97 = tpu.vector_load %arg6[%swap3A_95, %swap3A_96] {strides = array<i32>} : memref<16x128xi32, #tpu.memory_space<vmem>>, vector<1x16xi32>,
      %swap3A_98 = vector.shape_cast %swap3A_97 : vector<1x16xi32> to vector<16xi32>
      %swap3A_99 = vector.shape_cast %add3A_93 : vector<16xi32> to vector<1x16xi32>
      tpu.vector_store %arg6[%swap3A_95, %swap3A_96], %swap3A_99 {strides = array<i32>} : memref<16x128xi32, #tpu.memory_space<vmem>>, vector<1x16xi32>,
      %broadcast_in_dim3A_100 = arith.constant 112 : i32
      %broadcast_in_dim3A_101 = vector.broadcast %broadcast_in_dim3A_100 : i32 to vector<16xi32>
      %add3A_102 = arith.addi %broadcast_in_dim3A_101, %iota3A : vector<16xi32>
      %mul3A_103 = arith.constant 200 : i32
      %mul3A_104 = vector.broadcast %mul3A_103 : i32 to vector<16xi32>
      %mul3A_105 = arith.muli %add3A_102, %mul3A_104 : vector<16xi32>
      %add3A_106 = arith.addi %mul3A_105, %get3A_10 : vector<16xi32>
      %swap3A_107 = arith.constant 0 : i32
      %swap3A_108 = arith.index_cast %swap3A_107 : i32 to index
      %swap3A_109 = arith.constant 112 : index
      %swap3A_110 = tpu.vector_load %arg6[%swap3A_108, %swap3A_109] {strides = array<i32>} : memref<16x128xi32, #tpu.memory_space<vmem>>, vector<1x16xi32>,
      %swap3A_111 = vector.shape_cast %swap3A_110 : vector<1x16xi32> to vector<16xi32>
      %swap3A_112 = vector.shape_cast %add3A_106 : vector<16xi32> to vector<1x16xi32>
      tpu.vector_store %arg6[%swap3A_108, %swap3A_109], %swap3A_112 {strides = array<i32>} : memref<16x128xi32, #tpu.memory_space<vmem>>, vector<1x16xi32>,
      %dma_start3A = arith.constant 0 : i32
      %dma_start3A_113 = arith.constant 0 : i32
      %dma_start3A_114 = arith.constant 0 : i32
      %dma_start3A_115 = arith.constant 0 : i32
      %dma_start3A_116 = tpu.memref_slice %arg7[%dma_start3A_113, %dma_start3A_114, %dma_start3A_115] : memref<4x128x128xf32, #tpu.memory_space<vmem>> -> memref<1x128x128xf32, #tpu.memory_space<vmem>>
      %dma_start3A_117 = tpu.memref_squeeze %dma_start3A_116 : memref<1x128x128xf32, #tpu.memory_space<vmem>> -> memref<128x128xf32, #tpu.memory_space<vmem>>
      %dma_start3A_118 = arith.constant 0 : i32
      %dma_start3A_119 = tpu.memref_slice %arg6[%dma_start3A, %dma_start3A_118] : memref<16x128xi32, #tpu.memory_space<vmem>> -> memref<1x128xi32, #tpu.memory_space<vmem>>
      %dma_start3A_120 = tpu.memref_squeeze %dma_start3A_119 : memref<1x128xi32, #tpu.memory_space<vmem>> -> memref<128xi32, #tpu.memory_space<vmem>>
      %dma_start3A_121 = arith.constant 0 : i32
      %dma_start3A_122 = arith.constant 0 : i32
      %dma_start3A_123 = tpu.memref_slice %arg2[%dma_start3A_121, %dma_start3A_122] : memref<204800x128xf32, #tpu.memory_space<hbm>> -> memref<204800x128xf32, #tpu.memory_space<hbm>>
      tpu.enqueue_indirect_dma source(%dma_start3A_123 : memref<204800x128xf32, #tpu.memory_space<hbm>>) target(%dma_start3A_117 : memref<128x128xf32, #tpu.memory_space<vmem>>) offsets(%dma_start3A_120 : memref<128xi32, #tpu.memory_space<vmem>>) semaphore(%arg8 : memref<!tpu.dma_semaphore, #tpu.memory_space<semaphore_mem>>)
      %add3A_124 = arith.constant 0 : i32
      %add3A_125 = arith.addi %mul3A_4, %add3A_124 : i32
      %mul3A_126 = arith.constant 16 : i32
      %mul3A_127 = arith.muli %add3A_125, %mul3A_126 : i32
      %get3A_128 = arith.index_cast %mul3A_127 : i32 to index
      %get3A_129 = tpu.vector_load %arg5[%get3A_128] {strides = array<i32>} : memref<800xi32, #tpu.memory_space<vmem>>, vector<16xi32>,
      %get3A_130 = vector.shape_cast %get3A_129 : vector<16xi32> to vector<16xi32>
      %broadcast_in_dim3A_131 = arith.constant 128 : i32
      %broadcast_in_dim3A_132 = vector.broadcast %broadcast_in_dim3A_131 : i32 to vector<16xi32>
      %add3A_133 = arith.addi %broadcast_in_dim3A_132, %iota3A : vector<16xi32>
      %mul3A_134 = arith.constant 200 : i32
      %mul3A_135 = vector.broadcast %mul3A_134 : i32 to vector<16xi32>
      %mul3A_136 = arith.muli %add3A_133, %mul3A_135 : vector<16xi32>
      %add3A_137 = arith.addi %mul3A_136, %get3A_130 : vector<16xi32>
      %swap3A_138 = arith.constant 1 : i32
      %swap3A_139 = arith.index_cast %swap3A_138 : i32 to index
      %swap3A_140 = arith.constant 0 : index
      %swap3A_141 = tpu.vector_load %arg6[%swap3A_139, %swap3A_140] {strides = array<i32>} : memref<16x128xi32, #tpu.memory_space<vmem>>, vector<1x16xi32>,
      %swap3A_142 = vector.shape_cast %swap3A_141 : vector<1x16xi32> to vector<16xi32>
      %swap3A_143 = vector.shape_cast %add3A_137 : vector<16xi32> to vector<1x16xi32>
      tpu.vector_store %arg6[%swap3A_139, %swap3A_140], %swap3A_143 {strides = array<i32>} : memref<16x128xi32, #tpu.memory_space<vmem>>, vector<1x16xi32>,
      %broadcast_in_dim3A_144 = arith.constant 144 : i32
      %broadcast_in_dim3A_145 = vector.broadcast %broadcast_in_dim3A_144 : i32 to vector<16xi32>
      %add3A_146 = arith.addi %broadcast_in_dim3A_145, %iota3A : vector<16xi32>
      %mul3A_147 = arith.constant 200 : i32
      %mul3A_148 = vector.broadcast %mul3A_147 : i32 to vector<16xi32>
      %mul3A_149 = arith.muli %add3A_146, %mul3A_148 : vector<16xi32>
      %add3A_150 = arith.addi %mul3A_149, %get3A_130 : vector<16xi32>
      %swap3A_151 = arith.constant 1 : i32
      %swap3A_152 = arith.index_cast %swap3A_151 : i32 to index
      %swap3A_153 = arith.constant 16 : index
      %swap3A_154 = tpu.vector_load %arg6[%swap3A_152, %swap3A_153] {strides = array<i32>} : memref<16x128xi32, #tpu.memory_space<vmem>>, vector<1x16xi32>,
      %swap3A_155 = vector.shape_cast %swap3A_154 : vector<1x16xi32> to vector<16xi32>
      %swap3A_156 = vector.shape_cast %add3A_150 : vector<16xi32> to vector<1x16xi32>
      tpu.vector_store %arg6[%swap3A_152, %swap3A_153], %swap3A_156 {strides = array<i32>} : memref<16x128xi32, #tpu.memory_space<vmem>>, vector<1x16xi32>,
      %broadcast_in_dim3A_157 = arith.constant 160 : i32
      %broadcast_in_dim3A_158 = vector.broadcast %broadcast_in_dim3A_157 : i32 to vector<16xi32>
      %add3A_159 = arith.addi %broadcast_in_dim3A_158, %iota3A : vector<16xi32>
      %mul3A_160 = arith.constant 200 : i32
      %mul3A_161 = vector.broadcast %mul3A_160 : i32 to vector<16xi32>
      %mul3A_162 = arith.muli %add3A_159, %mul3A_161 : vector<16xi32>
      %add3A_163 = arith.addi %mul3A_162, %get3A_130 : vector<16xi32>
      %swap3A_164 = arith.constant 1 : i32
      %swap3A_165 = arith.index_cast %swap3A_164 : i32 to index
      %swap3A_166 = arith.constant 32 : index
      %swap3A_167 = tpu.vector_load %arg6[%swap3A_165, %swap3A_166] {strides = array<i32>} : memref<16x128xi32, #tpu.memory_space<vmem>>, vector<1x16xi32>,
      %swap3A_168 = vector.shape_cast %swap3A_167 : vector<1x16xi32> to vector<16xi32>
      %swap3A_169 = vector.shape_cast %add3A_163 : vector<16xi32> to vector<1x16xi32>
      tpu.vector_store %arg6[%swap3A_165, %swap3A_166], %swap3A_169 {strides = array<i32>} : memref<16x128xi32, #tpu.memory_space<vmem>>, vector<1x16xi32>,
      %broadcast_in_dim3A_170 = arith.constant 176 : i32
      %broadcast_in_dim3A_171 = vector.broadcast %broadcast_in_dim3A_170 : i32 to vector<16xi32>
      %add3A_172 = arith.addi %broadcast_in_dim3A_171, %iota3A : vector<16xi32>
      %mul3A_173 = arith.constant 200 : i32
      %mul3A_174 = vector.broadcast %mul3A_173 : i32 to vector<16xi32>
      %mul3A_175 = arith.muli %add3A_172, %mul3A_174 : vector<16xi32>
      %add3A_176 = arith.addi %mul3A_175, %get3A_130 : vector<16xi32>
      %swap3A_177 = arith.constant 1 : i32
      %swap3A_178 = arith.index_cast %swap3A_177 : i32 to index
      %swap3A_179 = arith.constant 48 : index
      %swap3A_180 = tpu.vector_load %arg6[%swap3A_178, %swap3A_179] {strides = array<i32>} : memref<16x128xi32, #tpu.memory_space<vmem>>, vector<1x16xi32>,
      %swap3A_181 = vector.shape_cast %swap3A_180 : vector<1x16xi32> to vector<16xi32>
      %swap3A_182 = vector.shape_cast %add3A_176 : vector<16xi32> to vector<1x16xi32>
      tpu.vector_store %arg6[%swap3A_178, %swap3A_179], %swap3A_182 {strides = array<i32>} : memref<16x128xi32, #tpu.memory_space<vmem>>, vector<1x16xi32>,
      %broadcast_in_dim3A_183 = arith.constant 192 : i32
      %broadcast_in_dim3A_184 = vector.broadcast %broadcast_in_dim3A_183 : i32 to vector<16xi32>
      %add3A_185 = arith.addi %broadcast_in_dim3A_184, %iota3A : vector<16xi32>
      %mul3A_186 = arith.constant 200 : i32
      %mul3A_187 = vector.broadcast %mul3A_186 : i32 to vector<16xi32>
      %mul3A_188 = arith.muli %add3A_185, %mul3A_187 : vector<16xi32>
      %add3A_189 = arith.addi %mul3A_188, %get3A_130 : vector<16xi32>
      %swap3A_190 = arith.constant 1 : i32
      %swap3A_191 = arith.index_cast %swap3A_190 : i32 to index
      %swap3A_192 = arith.constant 64 : index
      %swap3A_193 = tpu.vector_load %arg6[%swap3A_191, %swap3A_192] {strides = array<i32>} : memref<16x128xi32, #tpu.memory_space<vmem>>, vector<1x16xi32>,
      %swap3A_194 = vector.shape_cast %swap3A_193 : vector<1x16xi32> to vector<16xi32>
      %swap3A_195 = vector.shape_cast %add3A_189 : vector<16xi32> to vector<1x16xi32>
      tpu.vector_store %arg6[%swap3A_191, %swap3A_192], %swap3A_195 {strides = array<i32>} : memref<16x128xi32, #tpu.memory_space<vmem>>, vector<1x16xi32>,
      %broadcast_in_dim3A_196 = arith.constant 208 : i32
      %broadcast_in_dim3A_197 = vector.broadcast %broadcast_in_dim3A_196 : i32 to vector<16xi32>
      %add3A_198 = arith.addi %broadcast_in_dim3A_197, %iota3A : vector<16xi32>
      %mul3A_199 = arith.constant 200 : i32
      %mul3A_200 = vector.broadcast %mul3A_199 : i32 to vector<16xi32>
      %mul3A_201 = arith.muli %add3A_198, %mul3A_200 : vector<16xi32>
      %add3A_202 = arith.addi %mul3A_201, %get3A_130 : vector<16xi32>
      %swap3A_203 = arith.constant 1 : i32
      %swap3A_204 = arith.index_cast %swap3A_203 : i32 to index
      %swap3A_205 = arith.constant 80 : index
      %swap3A_206 = tpu.vector_load %arg6[%swap3A_204, %swap3A_205] {strides = array<i32>} : memref<16x128xi32, #tpu.memory_space<vmem>>, vector<1x16xi32>,
      %swap3A_207 = vector.shape_cast %swap3A_206 : vector<1x16xi32> to vector<16xi32>
      %swap3A_208 = vector.shape_cast %add3A_202 : vector<16xi32> to vector<1x16xi32>
      tpu.vector_store %arg6[%swap3A_204, %swap3A_205], %swap3A_208 {strides = array<i32>} : memref<16x128xi32, #tpu.memory_space<vmem>>, vector<1x16xi32>,
      %broadcast_in_dim3A_209 = arith.constant 224 : i32
      %broadcast_in_dim3A_210 = vector.broadcast %broadcast_in_dim3A_209 : i32 to vector<16xi32>
      %add3A_211 = arith.addi %broadcast_in_dim3A_210, %iota3A : vector<16xi32>
      %mul3A_212 = arith.constant 200 : i32
      %mul3A_213 = vector.broadcast %mul3A_212 : i32 to vector<16xi32>
      %mul3A_214 = arith.muli %add3A_211, %mul3A_213 : vector<16xi32>
      %add3A_215 = arith.addi %mul3A_214, %get3A_130 : vector<16xi32>
      %swap3A_216 = arith.constant 1 : i32
      %swap3A_217 = arith.index_cast %swap3A_216 : i32 to index
      %swap3A_218 = arith.constant 96 : index
      %swap3A_219 = tpu.vector_load %arg6[%swap3A_217, %swap3A_218] {strides = array<i32>} : memref<16x128xi32, #tpu.memory_space<vmem>>, vector<1x16xi32>,
      %swap3A_220 = vector.shape_cast %swap3A_219 : vector<1x16xi32> to vector<16xi32>
      %swap3A_221 = vector.shape_cast %add3A_215 : vector<16xi32> to vector<1x16xi32>
      tpu.vector_store %arg6[%swap3A_217, %swap3A_218], %swap3A_221 {strides = array<i32>} : memref<16x128xi32, #tpu.memory_space<vmem>>, vector<1x16xi32>,
      %broadcast_in_dim3A_222 = arith.constant 240 : i32
      %broadcast_in_dim3A_223 = vector.broadcast %broadcast_in_dim3A_222 : i32 to vector<16xi32>
      %add3A_224 = arith.addi %broadcast_in_dim3A_223, %iota3A : vector<16xi32>
      %mul3A_225 = arith.constant 200 : i32
      %mul3A_226 = vector.broadcast %mul3A_225 : i32 to vector<16xi32>
      %mul3A_227 = arith.muli %add3A_224, %mul3A_226 : vector<16xi32>
      %add3A_228 = arith.addi %mul3A_227, %get3A_130 : vector<16xi32>
      %swap3A_229 = arith.constant 1 : i32
      %swap3A_230 = arith.index_cast %swap3A_229 : i32 to index
      %swap3A_231 = arith.constant 112 : index
      %swap3A_232 = tpu.vector_load %arg6[%swap3A_230, %swap3A_231] {strides = array<i32>} : memref<16x128xi32, #tpu.memory_space<vmem>>, vector<1x16xi32>,
      %swap3A_233 = vector.shape_cast %swap3A_232 : vector<1x16xi32> to vector<16xi32>
      %swap3A_234 = vector.shape_cast %add3A_228 : vector<16xi32> to vector<1x16xi32>
      tpu.vector_store %arg6[%swap3A_230, %swap3A_231], %swap3A_234 {strides = array<i32>} : memref<16x128xi32, #tpu.memory_space<vmem>>, vector<1x16xi32>,
      %dma_start3A_235 = arith.constant 1 : i32
      %dma_start3A_236 = arith.constant 1 : i32
      %dma_start3A_237 = arith.constant 0 : i32
      %dma_start3A_238 = arith.constant 0 : i32
      %dma_start3A_239 = tpu.memref_slice %arg7[%dma_start3A_236, %dma_start3A_237, %dma_start3A_238] : memref<4x128x128xf32, #tpu.memory_space<vmem>> -> memref<1x128x128xf32, #tpu.memory_space<vmem>>
      %dma_start3A_240 = tpu.memref_squeeze %dma_start3A_239 : memref<1x128x128xf32, #tpu.memory_space<vmem>> -> memref<128x128xf32, #tpu.memory_space<vmem>>
      %dma_start3A_241 = arith.constant 0 : i32
      %dma_start3A_242 = tpu.memref_slice %arg6[%dma_start3A_235, %dma_start3A_241] : memref<16x128xi32, #tpu.memory_space<vmem>> -> memref<1x128xi32, #tpu.memory_space<vmem>>
      %dma_start3A_243 = tpu.memref_squeeze %dma_start3A_242 : memref<1x128xi32, #tpu.memory_space<vmem>> -> memref<128xi32, #tpu.memory_space<vmem>>
      %dma_start3A_244 = arith.constant 0 : i32
      %dma_start3A_245 = arith.constant 0 : i32
      %dma_start3A_246 = tpu.memref_slice %arg2[%dma_start3A_244, %dma_start3A_245] : memref<204800x128xf32, #tpu.memory_space<hbm>> -> memref<204800x128xf32, #tpu.memory_space<hbm>>
      tpu.enqueue_indirect_dma source(%dma_start3A_246 : memref<204800x128xf32, #tpu.memory_space<hbm>>) target(%dma_start3A_240 : memref<128x128xf32, #tpu.memory_space<vmem>>) offsets(%dma_start3A_243 : memref<128xi32, #tpu.memory_space<vmem>>) semaphore(%arg8 : memref<!tpu.dma_semaphore, #tpu.memory_space<semaphore_mem>>)
      %add3A_247 = arith.constant 0 : i32
      %add3A_248 = arith.addi %mul3A_4, %add3A_247 : i32
      %mul3A_249 = arith.constant 16 : i32
      %mul3A_250 = arith.muli %add3A_248, %mul3A_249 : i32
      %get3A_251 = arith.index_cast %mul3A_250 : i32 to index
      %get3A_252 = tpu.vector_load %arg5[%get3A_251] {strides = array<i32>} : memref<800xi32, #tpu.memory_space<vmem>>, vector<16xi32>,
      %get3A_253 = vector.shape_cast %get3A_252 : vector<16xi32> to vector<16xi32>
      %broadcast_in_dim3A_254 = arith.constant 256 : i32
      %broadcast_in_dim3A_255 = vector.broadcast %broadcast_in_dim3A_254 : i32 to vector<16xi32>
      %add3A_256 = arith.addi %broadcast_in_dim3A_255, %iota3A : vector<16xi32>
      %mul3A_257 = arith.constant 200 : i32
      %mul3A_258 = vector.broadcast %mul3A_257 : i32 to vector<16xi32>
      %mul3A_259 = arith.muli %add3A_256, %mul3A_258 : vector<16xi32>
      %add3A_260 = arith.addi %mul3A_259, %get3A_253 : vector<16xi32>
      %swap3A_261 = arith.constant 2 : i32
      %swap3A_262 = arith.index_cast %swap3A_261 : i32 to index
      %swap3A_263 = arith.constant 0 : index
      %swap3A_264 = tpu.vector_load %arg6[%swap3A_262, %swap3A_263] {strides = array<i32>} : memref<16x128xi32, #tpu.memory_space<vmem>>, vector<1x16xi32>,
      %swap3A_265 = vector.shape_cast %swap3A_264 : vector<1x16xi32> to vector<16xi32>
      %swap3A_266 = vector.shape_cast %add3A_260 : vector<16xi32> to vector<1x16xi32>
      tpu.vector_store %arg6[%swap3A_262, %swap3A_263], %swap3A_266 {strides = array<i32>} : memref<16x128xi32, #tpu.memory_space<vmem>>, vector<1x16xi32>,
      %broadcast_in_dim3A_267 = arith.constant 272 : i32
      %broadcast_in_dim3A_268 = vector.broadcast %broadcast_in_dim3A_267 : i32 to vector<16xi32>
      %add3A_269 = arith.addi %broadcast_in_dim3A_268, %iota3A : vector<16xi32>
      %mul3A_270 = arith.constant 200 : i32
      %mul3A_271 = vector.broadcast %mul3A_270 : i32 to vector<16xi32>
      %mul3A_272 = arith.muli %add3A_269, %mul3A_271 : vector<16xi32>
      %add3A_273 = arith.addi %mul3A_272, %get3A_253 : vector<16xi32>
      %swap3A_274 = arith.constant 2 : i32
      %swap3A_275 = arith.index_cast %swap3A_274 : i32 to index
      %swap3A_276 = arith.constant 16 : index
      %swap3A_277 = tpu.vector_load %arg6[%swap3A_275, %swap3A_276] {strides = array<i32>} : memref<16x128xi32, #tpu.memory_space<vmem>>, vector<1x16xi32>,
      %swap3A_278 = vector.shape_cast %swap3A_277 : vector<1x16xi32> to vector<16xi32>
      %swap3A_279 = vector.shape_cast %add3A_273 : vector<16xi32> to vector<1x16xi32>
      tpu.vector_store %arg6[%swap3A_275, %swap3A_276], %swap3A_279 {strides = array<i32>} : memref<16x128xi32, #tpu.memory_space<vmem>>, vector<1x16xi32>,
      %broadcast_in_dim3A_280 = arith.constant 288 : i32
      %broadcast_in_dim3A_281 = vector.broadcast %broadcast_in_dim3A_280 : i32 to vector<16xi32>
      %add3A_282 = arith.addi %broadcast_in_dim3A_281, %iota3A : vector<16xi32>
      %mul3A_283 = arith.constant 200 : i32
      %mul3A_284 = vector.broadcast %mul3A_283 : i32 to vector<16xi32>
      %mul3A_285 = arith.muli %add3A_282, %mul3A_284 : vector<16xi32>
      %add3A_286 = arith.addi %mul3A_285, %get3A_253 : vector<16xi32>
      %swap3A_287 = arith.constant 2 : i32
      %swap3A_288 = arith.index_cast %swap3A_287 : i32 to index
      %swap3A_289 = arith.constant 32 : index
      %swap3A_290 = tpu.vector_load %arg6[%swap3A_288, %swap3A_289] {strides = array<i32>} : memref<16x128xi32, #tpu.memory_space<vmem>>, vector<1x16xi32>,
      %swap3A_291 = vector.shape_cast %swap3A_290 : vector<1x16xi32> to vector<16xi32>
      %swap3A_292 = vector.shape_cast %add3A_286 : vector<16xi32> to vector<1x16xi32>
      tpu.vector_store %arg6[%swap3A_288, %swap3A_289], %swap3A_292 {strides = array<i32>} : memref<16x128xi32, #tpu.memory_space<vmem>>, vector<1x16xi32>,
      %broadcast_in_dim3A_293 = arith.constant 304 : i32
      %broadcast_in_dim3A_294 = vector.broadcast %broadcast_in_dim3A_293 : i32 to vector<16xi32>
      %add3A_295 = arith.addi %broadcast_in_dim3A_294, %iota3A : vector<16xi32>
      %mul3A_296 = arith.constant 200 : i32
      %mul3A_297 = vector.broadcast %mul3A_296 : i32 to vector<16xi32>
      %mul3A_298 = arith.muli %add3A_295, %mul3A_297 : vector<16xi32>
      %add3A_299 = arith.addi %mul3A_298, %get3A_253 : vector<16xi32>
      %swap3A_300 = arith.constant 2 : i32
      %swap3A_301 = arith.index_cast %swap3A_300 : i32 to index
      %swap3A_302 = arith.constant 48 : index
      %swap3A_303 = tpu.vector_load %arg6[%swap3A_301, %swap3A_302] {strides = array<i32>} : memref<16x128xi32, #tpu.memory_space<vmem>>, vector<1x16xi32>,
      %swap3A_304 = vector.shape_cast %swap3A_303 : vector<1x16xi32> to vector<16xi32>
      %swap3A_305 = vector.shape_cast %add3A_299 : vector<16xi32> to vector<1x16xi32>
      tpu.vector_store %arg6[%swap3A_301, %swap3A_302], %swap3A_305 {strides = array<i32>} : memref<16x128xi32, #tpu.memory_space<vmem>>, vector<1x16xi32>,
      %broadcast_in_dim3A_306 = arith.constant 320 : i32
      %broadcast_in_dim3A_307 = vector.broadcast %broadcast_in_dim3A_306 : i32 to vector<16xi32>
      %add3A_308 = arith.addi %broadcast_in_dim3A_307, %iota3A : vector<16xi32>
      %mul3A_309 = arith.constant 200 : i32
      %mul3A_310 = vector.broadcast %mul3A_309 : i32 to vector<16xi32>
      %mul3A_311 = arith.muli %add3A_308, %mul3A_310 : vector<16xi32>
      %add3A_312 = arith.addi %mul3A_311, %get3A_253 : vector<16xi32>
      %swap3A_313 = arith.constant 2 : i32
      %swap3A_314 = arith.index_cast %swap3A_313 : i32 to index
      %swap3A_315 = arith.constant 64 : index
      %swap3A_316 = tpu.vector_load %arg6[%swap3A_314, %swap3A_315] {strides = array<i32>} : memref<16x128xi32, #tpu.memory_space<vmem>>, vector<1x16xi32>,
      %swap3A_317 = vector.shape_cast %swap3A_316 : vector<1x16xi32> to vector<16xi32>
      %swap3A_318 = vector.shape_cast %add3A_312 : vector<16xi32> to vector<1x16xi32>
      tpu.vector_store %arg6[%swap3A_314, %swap3A_315], %swap3A_318 {strides = array<i32>} : memref<16x128xi32, #tpu.memory_space<vmem>>, vector<1x16xi32>,
      %broadcast_in_dim3A_319 = arith.constant 336 : i32
      %broadcast_in_dim3A_320 = vector.broadcast %broadcast_in_dim3A_319 : i32 to vector<16xi32>
      %add3A_321 = arith.addi %broadcast_in_dim3A_320, %iota3A : vector<16xi32>
      %mul3A_322 = arith.constant 200 : i32
      %mul3A_323 = vector.broadcast %mul3A_322 : i32 to vector<16xi32>
      %mul3A_324 = arith.muli %add3A_321, %mul3A_323 : vector<16xi32>
      %add3A_325 = arith.addi %mul3A_324, %get3A_253 : vector<16xi32>
      %swap3A_326 = arith.constant 2 : i32
      %swap3A_327 = arith.index_cast %swap3A_326 : i32 to index
      %swap3A_328 = arith.constant 80 : index
      %swap3A_329 = tpu.vector_load %arg6[%swap3A_327, %swap3A_328] {strides = array<i32>} : memref<16x128xi32, #tpu.memory_space<vmem>>, vector<1x16xi32>,
      %swap3A_330 = vector.shape_cast %swap3A_329 : vector<1x16xi32> to vector<16xi32>
      %swap3A_331 = vector.shape_cast %add3A_325 : vector<16xi32> to vector<1x16xi32>
      tpu.vector_store %arg6[%swap3A_327, %swap3A_328], %swap3A_331 {strides = array<i32>} : memref<16x128xi32, #tpu.memory_space<vmem>>, vector<1x16xi32>,
      %broadcast_in_dim3A_332 = arith.constant 352 : i32
      %broadcast_in_dim3A_333 = vector.broadcast %broadcast_in_dim3A_332 : i32 to vector<16xi32>
      %add3A_334 = arith.addi %broadcast_in_dim3A_333, %iota3A : vector<16xi32>
      %mul3A_335 = arith.constant 200 : i32
      %mul3A_336 = vector.broadcast %mul3A_335 : i32 to vector<16xi32>
      %mul3A_337 = arith.muli %add3A_334, %mul3A_336 : vector<16xi32>
      %add3A_338 = arith.addi %mul3A_337, %get3A_253 : vector<16xi32>
      %swap3A_339 = arith.constant 2 : i32
      %swap3A_340 = arith.index_cast %swap3A_339 : i32 to index
      %swap3A_341 = arith.constant 96 : index
      %swap3A_342 = tpu.vector_load %arg6[%swap3A_340, %swap3A_341] {strides = array<i32>} : memref<16x128xi32, #tpu.memory_space<vmem>>, vector<1x16xi32>,
      %swap3A_343 = vector.shape_cast %swap3A_342 : vector<1x16xi32> to vector<16xi32>
      %swap3A_344 = vector.shape_cast %add3A_338 : vector<16xi32> to vector<1x16xi32>
      tpu.vector_store %arg6[%swap3A_340, %swap3A_341], %swap3A_344 {strides = array<i32>} : memref<16x128xi32, #tpu.memory_space<vmem>>, vector<1x16xi32>,
      %broadcast_in_dim3A_345 = arith.constant 368 : i32
      %broadcast_in_dim3A_346 = vector.broadcast %broadcast_in_dim3A_345 : i32 to vector<16xi32>
      %add3A_347 = arith.addi %broadcast_in_dim3A_346, %iota3A : vector<16xi32>
      %mul3A_348 = arith.constant 200 : i32
      %mul3A_349 = vector.broadcast %mul3A_348 : i32 to vector<16xi32>
      %mul3A_350 = arith.muli %add3A_347, %mul3A_349 : vector<16xi32>
      %add3A_351 = arith.addi %mul3A_350, %get3A_253 : vector<16xi32>
      %swap3A_352 = arith.constant 2 : i32
      %swap3A_353 = arith.index_cast %swap3A_352 : i32 to index
      %swap3A_354 = arith.constant 112 : index
      %swap3A_355 = tpu.vector_load %arg6[%swap3A_353, %swap3A_354] {strides = array<i32>} : memref<16x128xi32, #tpu.memory_space<vmem>>, vector<1x16xi32>,
      %swap3A_356 = vector.shape_cast %swap3A_355 : vector<1x16xi32> to vector<16xi32>
      %swap3A_357 = vector.shape_cast %add3A_351 : vector<16xi32> to vector<1x16xi32>
      tpu.vector_store %arg6[%swap3A_353, %swap3A_354], %swap3A_357 {strides = array<i32>} : memref<16x128xi32, #tpu.memory_space<vmem>>, vector<1x16xi32>,
      %dma_start3A_358 = arith.constant 2 : i32
      %dma_start3A_359 = arith.constant 2 : i32
      %dma_start3A_360 = arith.constant 0 : i32
      %dma_start3A_361 = arith.constant 0 : i32
      %dma_start3A_362 = tpu.memref_slice %arg7[%dma_start3A_359, %dma_start3A_360, %dma_start3A_361] : memref<4x128x128xf32, #tpu.memory_space<vmem>> -> memref<1x128x128xf32, #tpu.memory_space<vmem>>
      %dma_start3A_363 = tpu.memref_squeeze %dma_start3A_362 : memref<1x128x128xf32, #tpu.memory_space<vmem>> -> memref<128x128xf32, #tpu.memory_space<vmem>>
      %dma_start3A_364 = arith.constant 0 : i32
      %dma_start3A_365 = tpu.memref_slice %arg6[%dma_start3A_358, %dma_start3A_364] : memref<16x128xi32, #tpu.memory_space<vmem>> -> memref<1x128xi32, #tpu.memory_space<vmem>>
      %dma_start3A_366 = tpu.memref_squeeze %dma_start3A_365 : memref<1x128xi32, #tpu.memory_space<vmem>> -> memref<128xi32, #tpu.memory_space<vmem>>
      %dma_start3A_367 = arith.constant 0 : i32
      %dma_start3A_368 = arith.constant 0 : i32
      %dma_start3A_369 = tpu.memref_slice %arg2[%dma_start3A_367, %dma_start3A_368] : memref<204800x128xf32, #tpu.memory_space<hbm>> -> memref<204800x128xf32, #tpu.memory_space<hbm>>
      tpu.enqueue_indirect_dma source(%dma_start3A_369 : memref<204800x128xf32, #tpu.memory_space<hbm>>) target(%dma_start3A_363 : memref<128x128xf32, #tpu.memory_space<vmem>>) offsets(%dma_start3A_366 : memref<128xi32, #tpu.memory_space<vmem>>) semaphore(%arg8 : memref<!tpu.dma_semaphore, #tpu.memory_space<semaphore_mem>>)
      %add3A_370 = arith.constant 0 : i32
      %add3A_371 = arith.addi %mul3A_4, %add3A_370 : i32
      %mul3A_372 = arith.constant 16 : i32
      %mul3A_373 = arith.muli %add3A_371, %mul3A_372 : i32
      %get3A_374 = arith.index_cast %mul3A_373 : i32 to index
      %get3A_375 = tpu.vector_load %arg5[%get3A_374] {strides = array<i32>} : memref<800xi32, #tpu.memory_space<vmem>>, vector<16xi32>,
      %get3A_376 = vector.shape_cast %get3A_375 : vector<16xi32> to vector<16xi32>
      %broadcast_in_dim3A_377 = arith.constant 384 : i32
      %broadcast_in_dim3A_378 = vector.broadcast %broadcast_in_dim3A_377 : i32 to vector<16xi32>
      %add3A_379 = arith.addi %broadcast_in_dim3A_378, %iota3A : vector<16xi32>
      %mul3A_380 = arith.constant 200 : i32
      %mul3A_381 = vector.broadcast %mul3A_380 : i32 to vector<16xi32>
      %mul3A_382 = arith.muli %add3A_379, %mul3A_381 : vector<16xi32>
      %add3A_383 = arith.addi %mul3A_382, %get3A_376 : vector<16xi32>
      %swap3A_384 = arith.constant 3 : i32
      %swap3A_385 = arith.index_cast %swap3A_384 : i32 to index
      %swap3A_386 = arith.constant 0 : index
      %swap3A_387 = tpu.vector_load %arg6[%swap3A_385, %swap3A_386] {strides = array<i32>} : memref<16x128xi32, #tpu.memory_space<vmem>>, vector<1x16xi32>,
      %swap3A_388 = vector.shape_cast %swap3A_387 : vector<1x16xi32> to vector<16xi32>
      %swap3A_389 = vector.shape_cast %add3A_383 : vector<16xi32> to vector<1x16xi32>
      tpu.vector_store %arg6[%swap3A_385, %swap3A_386], %swap3A_389 {strides = array<i32>} : memref<16x128xi32, #tpu.memory_space<vmem>>, vector<1x16xi32>,
      %broadcast_in_dim3A_390 = arith.constant 400 : i32
      %broadcast_in_dim3A_391 = vector.broadcast %broadcast_in_dim3A_390 : i32 to vector<16xi32>
      %add3A_392 = arith.addi %broadcast_in_dim3A_391, %iota3A : vector<16xi32>
      %mul3A_393 = arith.constant 200 : i32
      %mul3A_394 = vector.broadcast %mul3A_393 : i32 to vector<16xi32>
      %mul3A_395 = arith.muli %add3A_392, %mul3A_394 : vector<16xi32>
      %add3A_396 = arith.addi %mul3A_395, %get3A_376 : vector<16xi32>
      %swap3A_397 = arith.constant 3 : i32
      %swap3A_398 = arith.index_cast %swap3A_397 : i32 to index
      %swap3A_399 = arith.constant 16 : index
      %swap3A_400 = tpu.vector_load %arg6[%swap3A_398, %swap3A_399] {strides = array<i32>} : memref<16x128xi32, #tpu.memory_space<vmem>>, vector<1x16xi32>,
      %swap3A_401 = vector.shape_cast %swap3A_400 : vector<1x16xi32> to vector<16xi32>
      %swap3A_402 = vector.shape_cast %add3A_396 : vector<16xi32> to vector<1x16xi32>
      tpu.vector_store %arg6[%swap3A_398, %swap3A_399], %swap3A_402 {strides = array<i32>} : memref<16x128xi32, #tpu.memory_space<vmem>>, vector<1x16xi32>,
      %broadcast_in_dim3A_403 = arith.constant 416 : i32
      %broadcast_in_dim3A_404 = vector.broadcast %broadcast_in_dim3A_403 : i32 to vector<16xi32>
      %add3A_405 = arith.addi %broadcast_in_dim3A_404, %iota3A : vector<16xi32>
      %mul3A_406 = arith.constant 200 : i32
      %mul3A_407 = vector.broadcast %mul3A_406 : i32 to vector<16xi32>
      %mul3A_408 = arith.muli %add3A_405, %mul3A_407 : vector<16xi32>
      %add3A_409 = arith.addi %mul3A_408, %get3A_376 : vector<16xi32>
      %swap3A_410 = arith.constant 3 : i32
      %swap3A_411 = arith.index_cast %swap3A_410 : i32 to index
      %swap3A_412 = arith.constant 32 : index
      %swap3A_413 = tpu.vector_load %arg6[%swap3A_411, %swap3A_412] {strides = array<i32>} : memref<16x128xi32, #tpu.memory_space<vmem>>, vector<1x16xi32>,
      %swap3A_414 = vector.shape_cast %swap3A_413 : vector<1x16xi32> to vector<16xi32>
      %swap3A_415 = vector.shape_cast %add3A_409 : vector<16xi32> to vector<1x16xi32>
      tpu.vector_store %arg6[%swap3A_411, %swap3A_412], %swap3A_415 {strides = array<i32>} : memref<16x128xi32, #tpu.memory_space<vmem>>, vector<1x16xi32>,
      %broadcast_in_dim3A_416 = arith.constant 432 : i32
      %broadcast_in_dim3A_417 = vector.broadcast %broadcast_in_dim3A_416 : i32 to vector<16xi32>
      %add3A_418 = arith.addi %broadcast_in_dim3A_417, %iota3A : vector<16xi32>
      %mul3A_419 = arith.constant 200 : i32
      %mul3A_420 = vector.broadcast %mul3A_419 : i32 to vector<16xi32>
      %mul3A_421 = arith.muli %add3A_418, %mul3A_420 : vector<16xi32>
      %add3A_422 = arith.addi %mul3A_421, %get3A_376 : vector<16xi32>
      %swap3A_423 = arith.constant 3 : i32
      %swap3A_424 = arith.index_cast %swap3A_423 : i32 to index
      %swap3A_425 = arith.constant 48 : index
      %swap3A_426 = tpu.vector_load %arg6[%swap3A_424, %swap3A_425] {strides = array<i32>} : memref<16x128xi32, #tpu.memory_space<vmem>>, vector<1x16xi32>,
      %swap3A_427 = vector.shape_cast %swap3A_426 : vector<1x16xi32> to vector<16xi32>
      %swap3A_428 = vector.shape_cast %add3A_422 : vector<16xi32> to vector<1x16xi32>
      tpu.vector_store %arg6[%swap3A_424, %swap3A_425], %swap3A_428 {strides = array<i32>} : memref<16x128xi32, #tpu.memory_space<vmem>>, vector<1x16xi32>,
      %broadcast_in_dim3A_429 = arith.constant 448 : i32
      %broadcast_in_dim3A_430 = vector.broadcast %broadcast_in_dim3A_429 : i32 to vector<16xi32>
      %add3A_431 = arith.addi %broadcast_in_dim3A_430, %iota3A : vector<16xi32>
      %mul3A_432 = arith.constant 200 : i32
      %mul3A_433 = vector.broadcast %mul3A_432 : i32 to vector<16xi32>
      %mul3A_434 = arith.muli %add3A_431, %mul3A_433 : vector<16xi32>
      %add3A_435 = arith.addi %mul3A_434, %get3A_376 : vector<16xi32>
      %swap3A_436 = arith.constant 3 : i32
      %swap3A_437 = arith.index_cast %swap3A_436 : i32 to index
      %swap3A_438 = arith.constant 64 : index
      %swap3A_439 = tpu.vector_load %arg6[%swap3A_437, %swap3A_438] {strides = array<i32>} : memref<16x128xi32, #tpu.memory_space<vmem>>, vector<1x16xi32>,
      %swap3A_440 = vector.shape_cast %swap3A_439 : vector<1x16xi32> to vector<16xi32>
      %swap3A_441 = vector.shape_cast %add3A_435 : vector<16xi32> to vector<1x16xi32>
      tpu.vector_store %arg6[%swap3A_437, %swap3A_438], %swap3A_441 {strides = array<i32>} : memref<16x128xi32, #tpu.memory_space<vmem>>, vector<1x16xi32>,
      %broadcast_in_dim3A_442 = arith.constant 464 : i32
      %broadcast_in_dim3A_443 = vector.broadcast %broadcast_in_dim3A_442 : i32 to vector<16xi32>
      %add3A_444 = arith.addi %broadcast_in_dim3A_443, %iota3A : vector<16xi32>
      %mul3A_445 = arith.constant 200 : i32
      %mul3A_446 = vector.broadcast %mul3A_445 : i32 to vector<16xi32>
      %mul3A_447 = arith.muli %add3A_444, %mul3A_446 : vector<16xi32>
      %add3A_448 = arith.addi %mul3A_447, %get3A_376 : vector<16xi32>
      %swap3A_449 = arith.constant 3 : i32
      %swap3A_450 = arith.index_cast %swap3A_449 : i32 to index
      %swap3A_451 = arith.constant 80 : index
      %swap3A_452 = tpu.vector_load %arg6[%swap3A_450, %swap3A_451] {strides = array<i32>} : memref<16x128xi32, #tpu.memory_space<vmem>>, vector<1x16xi32>,
      %swap3A_453 = vector.shape_cast %swap3A_452 : vector<1x16xi32> to vector<16xi32>
      %swap3A_454 = vector.shape_cast %add3A_448 : vector<16xi32> to vector<1x16xi32>
      tpu.vector_store %arg6[%swap3A_450, %swap3A_451], %swap3A_454 {strides = array<i32>} : memref<16x128xi32, #tpu.memory_space<vmem>>, vector<1x16xi32>,
      %broadcast_in_dim3A_455 = arith.constant 480 : i32
      %broadcast_in_dim3A_456 = vector.broadcast %broadcast_in_dim3A_455 : i32 to vector<16xi32>
      %add3A_457 = arith.addi %broadcast_in_dim3A_456, %iota3A : vector<16xi32>
      %mul3A_458 = arith.constant 200 : i32
      %mul3A_459 = vector.broadcast %mul3A_458 : i32 to vector<16xi32>
      %mul3A_460 = arith.muli %add3A_457, %mul3A_459 : vector<16xi32>
      %add3A_461 = arith.addi %mul3A_460, %get3A_376 : vector<16xi32>
      %swap3A_462 = arith.constant 3 : i32
      %swap3A_463 = arith.index_cast %swap3A_462 : i32 to index
      %swap3A_464 = arith.constant 96 : index
      %swap3A_465 = tpu.vector_load %arg6[%swap3A_463, %swap3A_464] {strides = array<i32>} : memref<16x128xi32, #tpu.memory_space<vmem>>, vector<1x16xi32>,
      %swap3A_466 = vector.shape_cast %swap3A_465 : vector<1x16xi32> to vector<16xi32>
      %swap3A_467 = vector.shape_cast %add3A_461 : vector<16xi32> to vector<1x16xi32>
      tpu.vector_store %arg6[%swap3A_463, %swap3A_464], %swap3A_467 {strides = array<i32>} : memref<16x128xi32, #tpu.memory_space<vmem>>, vector<1x16xi32>,
      %broadcast_in_dim3A_468 = arith.constant 496 : i32
      %broadcast_in_dim3A_469 = vector.broadcast %broadcast_in_dim3A_468 : i32 to vector<16xi32>
      %add3A_470 = arith.addi %broadcast_in_dim3A_469, %iota3A : vector<16xi32>
      %mul3A_471 = arith.constant 200 : i32
      %mul3A_472 = vector.broadcast %mul3A_471 : i32 to vector<16xi32>
      %mul3A_473 = arith.muli %add3A_470, %mul3A_472 : vector<16xi32>
      %add3A_474 = arith.addi %mul3A_473, %get3A_376 : vector<16xi32>
      %swap3A_475 = arith.constant 3 : i32
      %swap3A_476 = arith.index_cast %swap3A_475 : i32 to index
      %swap3A_477 = arith.constant 112 : index
      %swap3A_478 = tpu.vector_load %arg6[%swap3A_476, %swap3A_477] {strides = array<i32>} : memref<16x128xi32, #tpu.memory_space<vmem>>, vector<1x16xi32>,
      %swap3A_479 = vector.shape_cast %swap3A_478 : vector<1x16xi32> to vector<16xi32>
      %swap3A_480 = vector.shape_cast %add3A_474 : vector<16xi32> to vector<1x16xi32>
      tpu.vector_store %arg6[%swap3A_476, %swap3A_477], %swap3A_480 {strides = array<i32>} : memref<16x128xi32, #tpu.memory_space<vmem>>, vector<1x16xi32>,
      %dma_start3A_481 = arith.constant 3 : i32
      %dma_start3A_482 = arith.constant 3 : i32
      %dma_start3A_483 = arith.constant 0 : i32
      %dma_start3A_484 = arith.constant 0 : i32
      %dma_start3A_485 = tpu.memref_slice %arg7[%dma_start3A_482, %dma_start3A_483, %dma_start3A_484] : memref<4x128x128xf32, #tpu.memory_space<vmem>> -> memref<1x128x128xf32, #tpu.memory_space<vmem>>
      %dma_start3A_486 = tpu.memref_squeeze %dma_start3A_485 : memref<1x128x128xf32, #tpu.memory_space<vmem>> -> memref<128x128xf32, #tpu.memory_space<vmem>>
      %dma_start3A_487 = arith.constant 0 : i32
      %dma_start3A_488 = tpu.memref_slice %arg6[%dma_start3A_481, %dma_start3A_487] : memref<16x128xi32, #tpu.memory_space<vmem>> -> memref<1x128xi32, #tpu.memory_space<vmem>>
      %dma_start3A_489 = tpu.memref_squeeze %dma_start3A_488 : memref<1x128xi32, #tpu.memory_space<vmem>> -> memref<128xi32, #tpu.memory_space<vmem>>
      %dma_start3A_490 = arith.constant 0 : i32
      %dma_start3A_491 = arith.constant 0 : i32
      %dma_start3A_492 = tpu.memref_slice %arg2[%dma_start3A_490, %dma_start3A_491] : memref<204800x128xf32, #tpu.memory_space<hbm>> -> memref<204800x128xf32, #tpu.memory_space<hbm>>
      tpu.enqueue_indirect_dma source(%dma_start3A_492 : memref<204800x128xf32, #tpu.memory_space<hbm>>) target(%dma_start3A_486 : memref<128x128xf32, #tpu.memory_space<vmem>>) offsets(%dma_start3A_489 : memref<128xi32, #tpu.memory_space<vmem>>) semaphore(%arg8 : memref<!tpu.dma_semaphore, #tpu.memory_space<semaphore_mem>>)
      %dma_wait3A = arith.constant 0 : i32
      %dma_wait3A_493 = arith.constant 0 : i32
      %dma_wait3A_494 = arith.constant 0 : i32
      %dma_wait3A_495 = arith.constant 0 : i32
      %dma_wait3A_496 = tpu.memref_slice %arg7[%dma_wait3A_493, %dma_wait3A_494, %dma_wait3A_495] : memref<4x128x128xf32, #tpu.memory_space<vmem>> -> memref<1x128x128xf32, #tpu.memory_space<vmem>>
      %dma_wait3A_497 = tpu.memref_squeeze %dma_wait3A_496 : memref<1x128x128xf32, #tpu.memory_space<vmem>> -> memref<128x128xf32, #tpu.memory_space<vmem>>
      %dma_wait3A_498 = arith.constant 0 : i32
      %dma_wait3A_499 = tpu.memref_slice %arg6[%dma_wait3A, %dma_wait3A_498] : memref<16x128xi32, #tpu.memory_space<vmem>> -> memref<1x128xi32, #tpu.memory_space<vmem>>
      %dma_wait3A_500 = tpu.memref_squeeze %dma_wait3A_499 : memref<1x128xi32, #tpu.memory_space<vmem>> -> memref<128xi32, #tpu.memory_space<vmem>>
      %dma_wait3A_501 = arith.constant 0 : i32
      %dma_wait3A_502 = arith.constant 0 : i32
      %dma_wait3A_503 = tpu.memref_slice %arg2[%dma_wait3A_501, %dma_wait3A_502] : memref<204800x128xf32, #tpu.memory_space<hbm>> -> memref<204800x128xf32, #tpu.memory_space<hbm>>
      tpu.wait_indirect_dma semaphore(%arg8 : memref<!tpu.dma_semaphore, #tpu.memory_space<semaphore_mem>>) src(%dma_wait3A_503 : memref<204800x128xf32, #tpu.memory_space<hbm>>) dst(%dma_wait3A_497 : memref<128x128xf32, #tpu.memory_space<vmem>>)
      %add3A_504 = arith.constant 0 : i32
      %add3A_505 = arith.addi %mul3A_4, %add3A_504 : i32
      %mul3A_506 = arith.constant 1024 : i32
      %mul3A_507 = arith.muli %add3A_505, %mul3A_506 : i32
      %add3A_508 = arith.constant 0 : i32
      %add3A_509 = arith.addi %mul3A_507, %add3A_508 : i32
      %dma_start3A_510 = arith.constant 0 : i32
      %dma_start3A_511 = arith.constant 0 : i32
      %dma_start3A_512 = arith.constant 0 : i32
      %dma_start3A_513 = tpu.memref_slice %arg7[%dma_start3A_510, %dma_start3A_511, %dma_start3A_512] : memref<4x128x128xf32, #tpu.memory_space<vmem>> -> memref<1x128x128xf32, #tpu.memory_space<vmem>>
      %dma_start3A_514 = tpu.memref_squeeze %dma_start3A_513 : memref<1x128x128xf32, #tpu.memory_space<vmem>> -> memref<128x128xf32, #tpu.memory_space<vmem>>
      %dma_start3A_515 = arith.constant 0 : i32
      %dma_start3A_516 = tpu.memref_slice %arg4[%add3A_509, %dma_start3A_515] : memref<51200x128xf32, #tpu.memory_space<hbm>> -> memref<128x128xf32, #tpu.memory_space<hbm>>
      %dma_start3A_517 = arith.constant 0 : i32
      %dma_start3A_518 = tpu.memref_slice %arg4[%add3A_509, %dma_start3A_517] : memref<51200x128xf32, #tpu.memory_space<hbm>> -> memref<128x128xf32, #tpu.memory_space<hbm>>
      %dma_start3A_519 = arith.constant 0 : i32
      %dma_start3A_520 = arith.constant 0 : i32
      %dma_start3A_521 = tpu.memref_slice %arg7[%dma_start3A_510, %dma_start3A_519, %dma_start3A_520] : memref<4x128x128xf32, #tpu.memory_space<vmem>> -> memref<1x128x128xf32, #tpu.memory_space<vmem>>
      %dma_start3A_522 = tpu.memref_squeeze %dma_start3A_521 : memref<1x128x128xf32, #tpu.memory_space<vmem>> -> memref<128x128xf32, #tpu.memory_space<vmem>>
      tpu.enqueue_dma source(%dma_start3A_522 : memref<128x128xf32, #tpu.memory_space<vmem>>) target(%dma_start3A_518 : memref<128x128xf32, #tpu.memory_space<hbm>>) target_semaphore(%arg9 : memref<!tpu.dma_semaphore, #tpu.memory_space<semaphore_mem>>)
      %dma_wait3A_523 = arith.constant 0 : i32
      %dma_wait3A_524 = arith.constant 0 : i32
      %dma_wait3A_525 = arith.constant 0 : i32
      %dma_wait3A_526 = tpu.memref_slice %arg7[%dma_wait3A_523, %dma_wait3A_524, %dma_wait3A_525] : memref<4x128x128xf32, #tpu.memory_space<vmem>> -> memref<1x128x128xf32, #tpu.memory_space<vmem>>
      %dma_wait3A_527 = tpu.memref_squeeze %dma_wait3A_526 : memref<1x128x128xf32, #tpu.memory_space<vmem>> -> memref<128x128xf32, #tpu.memory_space<vmem>>
      %dma_wait3A_528 = arith.constant 0 : i32
      %dma_wait3A_529 = tpu.memref_slice %arg4[%add3A_509, %dma_wait3A_528] : memref<51200x128xf32, #tpu.memory_space<hbm>> -> memref<128x128xf32, #tpu.memory_space<hbm>>
      %dma_wait3A_530 = arith.constant 0 : i32
      %dma_wait3A_531 = tpu.memref_slice %arg4[%add3A_509, %dma_wait3A_530] : memref<51200x128xf32, #tpu.memory_space<hbm>> -> memref<128x128xf32, #tpu.memory_space<hbm>>
      %dma_wait3A_532 = arith.constant 0 : i32
      %dma_wait3A_533 = arith.constant 0 : i32
      %dma_wait3A_534 = tpu.memref_slice %arg7[%dma_wait3A_523, %dma_wait3A_532, %dma_wait3A_533] : memref<4x128x128xf32, #tpu.memory_space<vmem>> -> memref<1x128x128xf32, #tpu.memory_space<vmem>>
      %dma_wait3A_535 = tpu.memref_squeeze %dma_wait3A_534 : memref<1x128x128xf32, #tpu.memory_space<vmem>> -> memref<128x128xf32, #tpu.memory_space<vmem>>
      tpu.wait_dma2 semaphore(%arg9 : memref<!tpu.dma_semaphore, #tpu.memory_space<semaphore_mem>>) src(%dma_wait3A_535 : memref<128x128xf32, #tpu.memory_space<vmem>>) dst(%dma_wait3A_531 : memref<128x128xf32, #tpu.memory_space<hbm>>)
      %add3A_536 = arith.constant 0 : i32
      %add3A_537 = arith.addi %mul3A_4, %add3A_536 : i32
      %mul3A_538 = arith.constant 16 : i32
      %mul3A_539 = arith.muli %add3A_537, %mul3A_538 : i32
      %get3A_540 = arith.index_cast %mul3A_539 : i32 to index
      %get3A_541 = tpu.vector_load %arg5[%get3A_540] {strides = array<i32>} : memref<800xi32, #tpu.memory_space<vmem>>, vector<16xi32>,
      %get3A_542 = vector.shape_cast %get3A_541 : vector<16xi32> to vector<16xi32>
      %broadcast_in_dim3A_543 = arith.constant 512 : i32
      %broadcast_in_dim3A_544 = vector.broadcast %broadcast_in_dim3A_543 : i32 to vector<16xi32>
      %add3A_545 = arith.addi %broadcast_in_dim3A_544, %iota3A : vector<16xi32>
      %mul3A_546 = arith.constant 200 : i32
      %mul3A_547 = vector.broadcast %mul3A_546 : i32 to vector<16xi32>
      %mul3A_548 = arith.muli %add3A_545, %mul3A_547 : vector<16xi32>
      %add3A_549 = arith.addi %mul3A_548, %get3A_542 : vector<16xi32>
      %swap3A_550 = arith.constant 4 : i32
      %swap3A_551 = arith.index_cast %swap3A_550 : i32 to index
      %swap3A_552 = arith.constant 0 : index
      %swap3A_553 = tpu.vector_load %arg6[%swap3A_551, %swap3A_552] {strides = array<i32>} : memref<16x128xi32, #tpu.memory_space<vmem>>, vector<1x16xi32>,
      %swap3A_554 = vector.shape_cast %swap3A_553 : vector<1x16xi32> to vector<16xi32>
      %swap3A_555 = vector.shape_cast %add3A_549 : vector<16xi32> to vector<1x16xi32>
      tpu.vector_store %arg6[%swap3A_551, %swap3A_552], %swap3A_555 {strides = array<i32>} : memref<16x128xi32, #tpu.memory_space<vmem>>, vector<1x16xi32>,
      %broadcast_in_dim3A_556 = arith.constant 528 : i32
      %broadcast_in_dim3A_557 = vector.broadcast %broadcast_in_dim3A_556 : i32 to vector<16xi32>
      %add3A_558 = arith.addi %broadcast_in_dim3A_557, %iota3A : vector<16xi32>
      %mul3A_559 = arith.constant 200 : i32
      %mul3A_560 = vector.broadcast %mul3A_559 : i32 to vector<16xi32>
      %mul3A_561 = arith.muli %add3A_558, %mul3A_560 : vector<16xi32>
      %add3A_562 = arith.addi %mul3A_561, %get3A_542 : vector<16xi32>
      %swap3A_563 = arith.constant 4 : i32
      %swap3A_564 = arith.index_cast %swap3A_563 : i32 to index
      %swap3A_565 = arith.constant 16 : index
      %swap3A_566 = tpu.vector_load %arg6[%swap3A_564, %swap3A_565] {strides = array<i32>} : memref<16x128xi32, #tpu.memory_space<vmem>>, vector<1x16xi32>,
      %swap3A_567 = vector.shape_cast %swap3A_566 : vector<1x16xi32> to vector<16xi32>
      %swap3A_568 = vector.shape_cast %add3A_562 : vector<16xi32> to vector<1x16xi32>
      tpu.vector_store %arg6[%swap3A_564, %swap3A_565], %swap3A_568 {strides = array<i32>} : memref<16x128xi32, #tpu.memory_space<vmem>>, vector<1x16xi32>,
      %broadcast_in_dim3A_569 = arith.constant 544 : i32
      %broadcast_in_dim3A_570 = vector.broadcast %broadcast_in_dim3A_569 : i32 to vector<16xi32>
      %add3A_571 = arith.addi %broadcast_in_dim3A_570, %iota3A : vector<16xi32>
      %mul3A_572 = arith.constant 200 : i32
      %mul3A_573 = vector.broadcast %mul3A_572 : i32 to vector<16xi32>
      %mul3A_574 = arith.muli %add3A_571, %mul3A_573 : vector<16xi32>
      %add3A_575 = arith.addi %mul3A_574, %get3A_542 : vector<16xi32>
      %swap3A_576 = arith.constant 4 : i32
      %swap3A_577 = arith.index_cast %swap3A_576 : i32 to index
      %swap3A_578 = arith.constant 32 : index
      %swap3A_579 = tpu.vector_load %arg6[%swap3A_577, %swap3A_578] {strides = array<i32>} : memref<16x128xi32, #tpu.memory_space<vmem>>, vector<1x16xi32>,
      %swap3A_580 = vector.shape_cast %swap3A_579 : vector<1x16xi32> to vector<16xi32>
      %swap3A_581 = vector.shape_cast %add3A_575 : vector<16xi32> to vector<1x16xi32>
      tpu.vector_store %arg6[%swap3A_577, %swap3A_578], %swap3A_581 {strides = array<i32>} : memref<16x128xi32, #tpu.memory_space<vmem>>, vector<1x16xi32>,
      %broadcast_in_dim3A_582 = arith.constant 560 : i32
      %broadcast_in_dim3A_583 = vector.broadcast %broadcast_in_dim3A_582 : i32 to vector<16xi32>
      %add3A_584 = arith.addi %broadcast_in_dim3A_583, %iota3A : vector<16xi32>
      %mul3A_585 = arith.constant 200 : i32
      %mul3A_586 = vector.broadcast %mul3A_585 : i32 to vector<16xi32>
      %mul3A_587 = arith.muli %add3A_584, %mul3A_586 : vector<16xi32>
      %add3A_588 = arith.addi %mul3A_587, %get3A_542 : vector<16xi32>
      %swap3A_589 = arith.constant 4 : i32
      %swap3A_590 = arith.index_cast %swap3A_589 : i32 to index
      %swap3A_591 = arith.constant 48 : index
      %swap3A_592 = tpu.vector_load %arg6[%swap3A_590, %swap3A_591] {strides = array<i32>} : memref<16x128xi32, #tpu.memory_space<vmem>>, vector<1x16xi32>,
      %swap3A_593 = vector.shape_cast %swap3A_592 : vector<1x16xi32> to vector<16xi32>
      %swap3A_594 = vector.shape_cast %add3A_588 : vector<16xi32> to vector<1x16xi32>
      tpu.vector_store %arg6[%swap3A_590, %swap3A_591], %swap3A_594 {strides = array<i32>} : memref<16x128xi32, #tpu.memory_space<vmem>>, vector<1x16xi32>,
      %broadcast_in_dim3A_595 = arith.constant 576 : i32
      %broadcast_in_dim3A_596 = vector.broadcast %broadcast_in_dim3A_595 : i32 to vector<16xi32>
      %add3A_597 = arith.addi %broadcast_in_dim3A_596, %iota3A : vector<16xi32>
      %mul3A_598 = arith.constant 200 : i32
      %mul3A_599 = vector.broadcast %mul3A_598 : i32 to vector<16xi32>
      %mul3A_600 = arith.muli %add3A_597, %mul3A_599 : vector<16xi32>
      %add3A_601 = arith.addi %mul3A_600, %get3A_542 : vector<16xi32>
      %swap3A_602 = arith.constant 4 : i32
      %swap3A_603 = arith.index_cast %swap3A_602 : i32 to index
      %swap3A_604 = arith.constant 64 : index
      %swap3A_605 = tpu.vector_load %arg6[%swap3A_603, %swap3A_604] {strides = array<i32>} : memref<16x128xi32, #tpu.memory_space<vmem>>, vector<1x16xi32>,
      %swap3A_606 = vector.shape_cast %swap3A_605 : vector<1x16xi32> to vector<16xi32>
      %swap3A_607 = vector.shape_cast %add3A_601 : vector<16xi32> to vector<1x16xi32>
      tpu.vector_store %arg6[%swap3A_603, %swap3A_604], %swap3A_607 {strides = array<i32>} : memref<16x128xi32, #tpu.memory_space<vmem>>, vector<1x16xi32>,
      %broadcast_in_dim3A_608 = arith.constant 592 : i32
      %broadcast_in_dim3A_609 = vector.broadcast %broadcast_in_dim3A_608 : i32 to vector<16xi32>
      %add3A_610 = arith.addi %broadcast_in_dim3A_609, %iota3A : vector<16xi32>
      %mul3A_611 = arith.constant 200 : i32
      %mul3A_612 = vector.broadcast %mul3A_611 : i32 to vector<16xi32>
      %mul3A_613 = arith.muli %add3A_610, %mul3A_612 : vector<16xi32>
      %add3A_614 = arith.addi %mul3A_613, %get3A_542 : vector<16xi32>
      %swap3A_615 = arith.constant 4 : i32
      %swap3A_616 = arith.index_cast %swap3A_615 : i32 to index
      %swap3A_617 = arith.constant 80 : index
      %swap3A_618 = tpu.vector_load %arg6[%swap3A_616, %swap3A_617] {strides = array<i32>} : memref<16x128xi32, #tpu.memory_space<vmem>>, vector<1x16xi32>,
      %swap3A_619 = vector.shape_cast %swap3A_618 : vector<1x16xi32> to vector<16xi32>
      %swap3A_620 = vector.shape_cast %add3A_614 : vector<16xi32> to vector<1x16xi32>
      tpu.vector_store %arg6[%swap3A_616, %swap3A_617], %swap3A_620 {strides = array<i32>} : memref<16x128xi32, #tpu.memory_space<vmem>>, vector<1x16xi32>,
      %broadcast_in_dim3A_621 = arith.constant 608 : i32
      %broadcast_in_dim3A_622 = vector.broadcast %broadcast_in_dim3A_621 : i32 to vector<16xi32>
      %add3A_623 = arith.addi %broadcast_in_dim3A_622, %iota3A : vector<16xi32>
      %mul3A_624 = arith.constant 200 : i32
      %mul3A_625 = vector.broadcast %mul3A_624 : i32 to vector<16xi32>
      %mul3A_626 = arith.muli %add3A_623, %mul3A_625 : vector<16xi32>
      %add3A_627 = arith.addi %mul3A_626, %get3A_542 : vector<16xi32>
      %swap3A_628 = arith.constant 4 : i32
      %swap3A_629 = arith.index_cast %swap3A_628 : i32 to index
      %swap3A_630 = arith.constant 96 : index
      %swap3A_631 = tpu.vector_load %arg6[%swap3A_629, %swap3A_630] {strides = array<i32>} : memref<16x128xi32, #tpu.memory_space<vmem>>, vector<1x16xi32>,
      %swap3A_632 = vector.shape_cast %swap3A_631 : vector<1x16xi32> to vector<16xi32>
      %swap3A_633 = vector.shape_cast %add3A_627 : vector<16xi32> to vector<1x16xi32>
      tpu.vector_store %arg6[%swap3A_629, %swap3A_630], %swap3A_633 {strides = array<i32>} : memref<16x128xi32, #tpu.memory_space<vmem>>, vector<1x16xi32>,
      %broadcast_in_dim3A_634 = arith.constant 624 : i32
      %broadcast_in_dim3A_635 = vector.broadcast %broadcast_in_dim3A_634 : i32 to vector<16xi32>
      %add3A_636 = arith.addi %broadcast_in_dim3A_635, %iota3A : vector<16xi32>
      %mul3A_637 = arith.constant 200 : i32
      %mul3A_638 = vector.broadcast %mul3A_637 : i32 to vector<16xi32>
      %mul3A_639 = arith.muli %add3A_636, %mul3A_638 : vector<16xi32>
      %add3A_640 = arith.addi %mul3A_639, %get3A_542 : vector<16xi32>
      %swap3A_641 = arith.constant 4 : i32
      %swap3A_642 = arith.index_cast %swap3A_641 : i32 to index
      %swap3A_643 = arith.constant 112 : index
      %swap3A_644 = tpu.vector_load %arg6[%swap3A_642, %swap3A_643] {strides = array<i32>} : memref<16x128xi32, #tpu.memory_space<vmem>>, vector<1x16xi32>,
      %swap3A_645 = vector.shape_cast %swap3A_644 : vector<1x16xi32> to vector<16xi32>
      %swap3A_646 = vector.shape_cast %add3A_640 : vector<16xi32> to vector<1x16xi32>
      tpu.vector_store %arg6[%swap3A_642, %swap3A_643], %swap3A_646 {strides = array<i32>} : memref<16x128xi32, #tpu.memory_space<vmem>>, vector<1x16xi32>,
      %dma_start3A_647 = arith.constant 4 : i32
      %dma_start3A_648 = arith.constant 0 : i32
      %dma_start3A_649 = arith.constant 0 : i32
      %dma_start3A_650 = arith.constant 0 : i32
      %dma_start3A_651 = tpu.memref_slice %arg7[%dma_start3A_648, %dma_start3A_649, %dma_start3A_650] : memref<4x128x128xf32, #tpu.memory_space<vmem>> -> memref<1x128x128xf32, #tpu.memory_space<vmem>>
      %dma_start3A_652 = tpu.memref_squeeze %dma_start3A_651 : memref<1x128x128xf32, #tpu.memory_space<vmem>> -> memref<128x128xf32, #tpu.memory_space<vmem>>
      %dma_start3A_653 = arith.constant 0 : i32
      %dma_start3A_654 = tpu.memref_slice %arg6[%dma_start3A_647, %dma_start3A_653] : memref<16x128xi32, #tpu.memory_space<vmem>> -> memref<1x128xi32, #tpu.memory_space<vmem>>
      %dma_start3A_655 = tpu.memref_squeeze %dma_start3A_654 : memref<1x128xi32, #tpu.memory_space<vmem>> -> memref<128xi32, #tpu.memory_space<vmem>>
      %dma_start3A_656 = arith.constant 0 : i32
      %dma_start3A_657 = arith.constant 0 : i32
      %dma_start3A_658 = tpu.memref_slice %arg2[%dma_start3A_656, %dma_start3A_657] : memref<204800x128xf32, #tpu.memory_space<hbm>> -> memref<204800x128xf32, #tpu.memory_space<hbm>>
      tpu.enqueue_indirect_dma source(%dma_start3A_658 : memref<204800x128xf32, #tpu.memory_space<hbm>>) target(%dma_start3A_652 : memref<128x128xf32, #tpu.memory_space<vmem>>) offsets(%dma_start3A_655 : memref<128xi32, #tpu.memory_space<vmem>>) semaphore(%arg8 : memref<!tpu.dma_semaphore, #tpu.memory_space<semaphore_mem>>)
      %dma_wait3A_659 = arith.constant 1 : i32
      %dma_wait3A_660 = arith.constant 1 : i32
      %dma_wait3A_661 = arith.constant 0 : i32
      %dma_wait3A_662 = arith.constant 0 : i32
      %dma_wait3A_663 = tpu.memref_slice %arg7[%dma_wait3A_660, %dma_wait3A_661, %dma_wait3A_662] : memref<4x128x128xf32, #tpu.memory_space<vmem>> -> memref<1x128x128xf32, #tpu.memory_space<vmem>>
      %dma_wait3A_664 = tpu.memref_squeeze %dma_wait3A_663 : memref<1x128x128xf32, #tpu.memory_space<vmem>> -> memref<128x128xf32, #tpu.memory_space<vmem>>
      %dma_wait3A_665 = arith.constant 0 : i32
      %dma_wait3A_666 = tpu.memref_slice %arg6[%dma_wait3A_659, %dma_wait3A_665] : memref<16x128xi32, #tpu.memory_space<vmem>> -> memref<1x128xi32, #tpu.memory_space<vmem>>
      %dma_wait3A_667 = tpu.memref_squeeze %dma_wait3A_666 : memref<1x128xi32, #tpu.memory_space<vmem>> -> memref<128xi32, #tpu.memory_space<vmem>>
      %dma_wait3A_668 = arith.constant 0 : i32
      %dma_wait3A_669 = arith.constant 0 : i32
      %dma_wait3A_670 = tpu.memref_slice %arg2[%dma_wait3A_668, %dma_wait3A_669] : memref<204800x128xf32, #tpu.memory_space<hbm>> -> memref<204800x128xf32, #tpu.memory_space<hbm>>
      tpu.wait_indirect_dma semaphore(%arg8 : memref<!tpu.dma_semaphore, #tpu.memory_space<semaphore_mem>>) src(%dma_wait3A_670 : memref<204800x128xf32, #tpu.memory_space<hbm>>) dst(%dma_wait3A_664 : memref<128x128xf32, #tpu.memory_space<vmem>>)
      %add3A_671 = arith.constant 0 : i32
      %add3A_672 = arith.addi %mul3A_4, %add3A_671 : i32
      %mul3A_673 = arith.constant 1024 : i32
      %mul3A_674 = arith.muli %add3A_672, %mul3A_673 : i32
      %add3A_675 = arith.constant 128 : i32
      %add3A_676 = arith.addi %mul3A_674, %add3A_675 : i32
      %dma_start3A_677 = arith.constant 1 : i32
      %dma_start3A_678 = arith.constant 0 : i32
      %dma_start3A_679 = arith.constant 0 : i32
      %dma_start3A_680 = tpu.memref_slice %arg7[%dma_start3A_677, %dma_start3A_678, %dma_start3A_679] : memref<4x128x128xf32, #tpu.memory_space<vmem>> -> memref<1x128x128xf32, #tpu.memory_space<vmem>>
      %dma_start3A_681 = tpu.memref_squeeze %dma_start3A_680 : memref<1x128x128xf32, #tpu.memory_space<vmem>> -> memref<128x128xf32, #tpu.memory_space<vmem>>
      %dma_start3A_682 = arith.constant 0 : i32
      %dma_start3A_683 = tpu.memref_slice %arg4[%add3A_676, %dma_start3A_682] : memref<51200x128xf32, #tpu.memory_space<hbm>> -> memref<128x128xf32, #tpu.memory_space<hbm>>
      %dma_start3A_684 = arith.constant 0 : i32
      %dma_start3A_685 = tpu.memref_slice %arg4[%add3A_676, %dma_start3A_684] : memref<51200x128xf32, #tpu.memory_space<hbm>> -> memref<128x128xf32, #tpu.memory_space<hbm>>
      %dma_start3A_686 = arith.constant 0 : i32
      %dma_start3A_687 = arith.constant 0 : i32
      %dma_start3A_688 = tpu.memref_slice %arg7[%dma_start3A_677, %dma_start3A_686, %dma_start3A_687] : memref<4x128x128xf32, #tpu.memory_space<vmem>> -> memref<1x128x128xf32, #tpu.memory_space<vmem>>
      %dma_start3A_689 = tpu.memref_squeeze %dma_start3A_688 : memref<1x128x128xf32, #tpu.memory_space<vmem>> -> memref<128x128xf32, #tpu.memory_space<vmem>>
      tpu.enqueue_dma source(%dma_start3A_689 : memref<128x128xf32, #tpu.memory_space<vmem>>) target(%dma_start3A_685 : memref<128x128xf32, #tpu.memory_space<hbm>>) target_semaphore(%arg9 : memref<!tpu.dma_semaphore, #tpu.memory_space<semaphore_mem>>)
      %dma_wait3A_690 = arith.constant 1 : i32
      %dma_wait3A_691 = arith.constant 0 : i32
      %dma_wait3A_692 = arith.constant 0 : i32
      %dma_wait3A_693 = tpu.memref_slice %arg7[%dma_wait3A_690, %dma_wait3A_691, %dma_wait3A_692] : memref<4x128x128xf32, #tpu.memory_space<vmem>> -> memref<1x128x128xf32, #tpu.memory_space<vmem>>
      %dma_wait3A_694 = tpu.memref_squeeze %dma_wait3A_693 : memref<1x128x128xf32, #tpu.memory_space<vmem>> -> memref<128x128xf32, #tpu.memory_space<vmem>>
      %dma_wait3A_695 = arith.constant 0 : i32
      %dma_wait3A_696 = tpu.memref_slice %arg4[%add3A_676, %dma_wait3A_695] : memref<51200x128xf32, #tpu.memory_space<hbm>> -> memref<128x128xf32, #tpu.memory_space<hbm>>
      %dma_wait3A_697 = arith.constant 0 : i32
      %dma_wait3A_698 = tpu.memref_slice %arg4[%add3A_676, %dma_wait3A_697] : memref<51200x128xf32, #tpu.memory_space<hbm>> -> memref<128x128xf32, #tpu.memory_space<hbm>>
      %dma_wait3A_699 = arith.constant 0 : i32
      %dma_wait3A_700 = arith.constant 0 : i32
      %dma_wait3A_701 = tpu.memref_slice %arg7[%dma_wait3A_690, %dma_wait3A_699, %dma_wait3A_700] : memref<4x128x128xf32, #tpu.memory_space<vmem>> -> memref<1x128x128xf32, #tpu.memory_space<vmem>>
      %dma_wait3A_702 = tpu.memref_squeeze %dma_wait3A_701 : memref<1x128x128xf32, #tpu.memory_space<vmem>> -> memref<128x128xf32, #tpu.memory_space<vmem>>
      tpu.wait_dma2 semaphore(%arg9 : memref<!tpu.dma_semaphore, #tpu.memory_space<semaphore_mem>>) src(%dma_wait3A_702 : memref<128x128xf32, #tpu.memory_space<vmem>>) dst(%dma_wait3A_698 : memref<128x128xf32, #tpu.memory_space<hbm>>)
      %add3A_703 = arith.constant 0 : i32
      %add3A_704 = arith.addi %mul3A_4, %add3A_703 : i32
      %mul3A_705 = arith.constant 16 : i32
      %mul3A_706 = arith.muli %add3A_704, %mul3A_705 : i32
      %get3A_707 = arith.index_cast %mul3A_706 : i32 to index
      %get3A_708 = tpu.vector_load %arg5[%get3A_707] {strides = array<i32>} : memref<800xi32, #tpu.memory_space<vmem>>, vector<16xi32>,
      %get3A_709 = vector.shape_cast %get3A_708 : vector<16xi32> to vector<16xi32>
      %broadcast_in_dim3A_710 = arith.constant 640 : i32
      %broadcast_in_dim3A_711 = vector.broadcast %broadcast_in_dim3A_710 : i32 to vector<16xi32>
      %add3A_712 = arith.addi %broadcast_in_dim3A_711, %iota3A : vector<16xi32>
      %mul3A_713 = arith.constant 200 : i32
      %mul3A_714 = vector.broadcast %mul3A_713 : i32 to vector<16xi32>
      %mul3A_715 = arith.muli %add3A_712, %mul3A_714 : vector<16xi32>
      %add3A_716 = arith.addi %mul3A_715, %get3A_709 : vector<16xi32>
      %swap3A_717 = arith.constant 5 : i32
      %swap3A_718 = arith.index_cast %swap3A_717 : i32 to index
      %swap3A_719 = arith.constant 0 : index
      %swap3A_720 = tpu.vector_load %arg6[%swap3A_718, %swap3A_719] {strides = array<i32>} : memref<16x128xi32, #tpu.memory_space<vmem>>, vector<1x16xi32>,
      %swap3A_721 = vector.shape_cast %swap3A_720 : vector<1x16xi32> to vector<16xi32>
      %swap3A_722 = vector.shape_cast %add3A_716 : vector<16xi32> to vector<1x16xi32>
      tpu.vector_store %arg6[%swap3A_718, %swap3A_719], %swap3A_722 {strides = array<i32>} : memref<16x128xi32, #tpu.memory_space<vmem>>, vector<1x16xi32>,
      %broadcast_in_dim3A_723 = arith.constant 656 : i32
      %broadcast_in_dim3A_724 = vector.broadcast %broadcast_in_dim3A_723 : i32 to vector<16xi32>
      %add3A_725 = arith.addi %broadcast_in_dim3A_724, %iota3A : vector<16xi32>
      %mul3A_726 = arith.constant 200 : i32
      %mul3A_727 = vector.broadcast %mul3A_726 : i32 to vector<16xi32>
      %mul3A_728 = arith.muli %add3A_725, %mul3A_727 : vector<16xi32>
      %add3A_729 = arith.addi %mul3A_728, %get3A_709 : vector<16xi32>
      %swap3A_730 = arith.constant 5 : i32
      %swap3A_731 = arith.index_cast %swap3A_730 : i32 to index
      %swap3A_732 = arith.constant 16 : index
      %swap3A_733 = tpu.vector_load %arg6[%swap3A_731, %swap3A_732] {strides = array<i32>} : memref<16x128xi32, #tpu.memory_space<vmem>>, vector<1x16xi32>,
      %swap3A_734 = vector.shape_cast %swap3A_733 : vector<1x16xi32> to vector<16xi32>
      %swap3A_735 = vector.shape_cast %add3A_729 : vector<16xi32> to vector<1x16xi32>
      tpu.vector_store %arg6[%swap3A_731, %swap3A_732], %swap3A_735 {strides = array<i32>} : memref<16x128xi32, #tpu.memory_space<vmem>>, vector<1x16xi32>,
      %broadcast_in_dim3A_736 = arith.constant 672 : i32
      %broadcast_in_dim3A_737 = vector.broadcast %broadcast_in_dim3A_736 : i32 to vector<16xi32>
      %add3A_738 = arith.addi %broadcast_in_dim3A_737, %iota3A : vector<16xi32>
      %mul3A_739 = arith.constant 200 : i32
      %mul3A_740 = vector.broadcast %mul3A_739 : i32 to vector<16xi32>
      %mul3A_741 = arith.muli %add3A_738, %mul3A_740 : vector<16xi32>
      %add3A_742 = arith.addi %mul3A_741, %get3A_709 : vector<16xi32>
      %swap3A_743 = arith.constant 5 : i32
      %swap3A_744 = arith.index_cast %swap3A_743 : i32 to index
      %swap3A_745 = arith.constant 32 : index
      %swap3A_746 = tpu.vector_load %arg6[%swap3A_744, %swap3A_745] {strides = array<i32>} : memref<16x128xi32, #tpu.memory_space<vmem>>, vector<1x16xi32>,
      %swap3A_747 = vector.shape_cast %swap3A_746 : vector<1x16xi32> to vector<16xi32>
      %swap3A_748 = vector.shape_cast %add3A_742 : vector<16xi32> to vector<1x16xi32>
      tpu.vector_store %arg6[%swap3A_744, %swap3A_745], %swap3A_748 {strides = array<i32>} : memref<16x128xi32, #tpu.memory_space<vmem>>, vector<1x16xi32>,
      %broadcast_in_dim3A_749 = arith.constant 688 : i32
      %broadcast_in_dim3A_750 = vector.broadcast %broadcast_in_dim3A_749 : i32 to vector<16xi32>
      %add3A_751 = arith.addi %broadcast_in_dim3A_750, %iota3A : vector<16xi32>
      %mul3A_752 = arith.constant 200 : i32
      %mul3A_753 = vector.broadcast %mul3A_752 : i32 to vector<16xi32>
      %mul3A_754 = arith.muli %add3A_751, %mul3A_753 : vector<16xi32>
      %add3A_755 = arith.addi %mul3A_754, %get3A_709 : vector<16xi32>
      %swap3A_756 = arith.constant 5 : i32
      %swap3A_757 = arith.index_cast %swap3A_756 : i32 to index
      %swap3A_758 = arith.constant 48 : index
      %swap3A_759 = tpu.vector_load %arg6[%swap3A_757, %swap3A_758] {strides = array<i32>} : memref<16x128xi32, #tpu.memory_space<vmem>>, vector<1x16xi32>,
      %swap3A_760 = vector.shape_cast %swap3A_759 : vector<1x16xi32> to vector<16xi32>
      %swap3A_761 = vector.shape_cast %add3A_755 : vector<16xi32> to vector<1x16xi32>
      tpu.vector_store %arg6[%swap3A_757, %swap3A_758], %swap3A_761 {strides = array<i32>} : memref<16x128xi32, #tpu.memory_space<vmem>>, vector<1x16xi32>,
      %broadcast_in_dim3A_762 = arith.constant 704 : i32
      %broadcast_in_dim3A_763 = vector.broadcast %broadcast_in_dim3A_762 : i32 to vector<16xi32>
      %add3A_764 = arith.addi %broadcast_in_dim3A_763, %iota3A : vector<16xi32>
      %mul3A_765 = arith.constant 200 : i32
      %mul3A_766 = vector.broadcast %mul3A_765 : i32 to vector<16xi32>
      %mul3A_767 = arith.muli %add3A_764, %mul3A_766 : vector<16xi32>
      %add3A_768 = arith.addi %mul3A_767, %get3A_709 : vector<16xi32>
      %swap3A_769 = arith.constant 5 : i32
      %swap3A_770 = arith.index_cast %swap3A_769 : i32 to index
      %swap3A_771 = arith.constant 64 : index
      %swap3A_772 = tpu.vector_load %arg6[%swap3A_770, %swap3A_771] {strides = array<i32>} : memref<16x128xi32, #tpu.memory_space<vmem>>, vector<1x16xi32>,
      %swap3A_773 = vector.shape_cast %swap3A_772 : vector<1x16xi32> to vector<16xi32>
      %swap3A_774 = vector.shape_cast %add3A_768 : vector<16xi32> to vector<1x16xi32>
      tpu.vector_store %arg6[%swap3A_770, %swap3A_771], %swap3A_774 {strides = array<i32>} : memref<16x128xi32, #tpu.memory_space<vmem>>, vector<1x16xi32>,
      %broadcast_in_dim3A_775 = arith.constant 720 : i32
      %broadcast_in_dim3A_776 = vector.broadcast %broadcast_in_dim3A_775 : i32 to vector<16xi32>
      %add3A_777 = arith.addi %broadcast_in_dim3A_776, %iota3A : vector<16xi32>
      %mul3A_778 = arith.constant 200 : i32
      %mul3A_779 = vector.broadcast %mul3A_778 : i32 to vector<16xi32>
      %mul3A_780 = arith.muli %add3A_777, %mul3A_779 : vector<16xi32>
      %add3A_781 = arith.addi %mul3A_780, %get3A_709 : vector<16xi32>
      %swap3A_782 = arith.constant 5 : i32
      %swap3A_783 = arith.index_cast %swap3A_782 : i32 to index
      %swap3A_784 = arith.constant 80 : index
      %swap3A_785 = tpu.vector_load %arg6[%swap3A_783, %swap3A_784] {strides = array<i32>} : memref<16x128xi32, #tpu.memory_space<vmem>>, vector<1x16xi32>,
      %swap3A_786 = vector.shape_cast %swap3A_785 : vector<1x16xi32> to vector<16xi32>
      %swap3A_787 = vector.shape_cast %add3A_781 : vector<16xi32> to vector<1x16xi32>
      tpu.vector_store %arg6[%swap3A_783, %swap3A_784], %swap3A_787 {strides = array<i32>} : memref<16x128xi32, #tpu.memory_space<vmem>>, vector<1x16xi32>,
      %broadcast_in_dim3A_788 = arith.constant 736 : i32
      %broadcast_in_dim3A_789 = vector.broadcast %broadcast_in_dim3A_788 : i32 to vector<16xi32>
      %add3A_790 = arith.addi %broadcast_in_dim3A_789, %iota3A : vector<16xi32>
      %mul3A_791 = arith.constant 200 : i32
      %mul3A_792 = vector.broadcast %mul3A_791 : i32 to vector<16xi32>
      %mul3A_793 = arith.muli %add3A_790, %mul3A_792 : vector<16xi32>
      %add3A_794 = arith.addi %mul3A_793, %get3A_709 : vector<16xi32>
      %swap3A_795 = arith.constant 5 : i32
      %swap3A_796 = arith.index_cast %swap3A_795 : i32 to index
      %swap3A_797 = arith.constant 96 : index
      %swap3A_798 = tpu.vector_load %arg6[%swap3A_796, %swap3A_797] {strides = array<i32>} : memref<16x128xi32, #tpu.memory_space<vmem>>, vector<1x16xi32>,
      %swap3A_799 = vector.shape_cast %swap3A_798 : vector<1x16xi32> to vector<16xi32>
      %swap3A_800 = vector.shape_cast %add3A_794 : vector<16xi32> to vector<1x16xi32>
      tpu.vector_store %arg6[%swap3A_796, %swap3A_797], %swap3A_800 {strides = array<i32>} : memref<16x128xi32, #tpu.memory_space<vmem>>, vector<1x16xi32>,
      %broadcast_in_dim3A_801 = arith.constant 752 : i32
      %broadcast_in_dim3A_802 = vector.broadcast %broadcast_in_dim3A_801 : i32 to vector<16xi32>
      %add3A_803 = arith.addi %broadcast_in_dim3A_802, %iota3A : vector<16xi32>
      %mul3A_804 = arith.constant 200 : i32
      %mul3A_805 = vector.broadcast %mul3A_804 : i32 to vector<16xi32>
      %mul3A_806 = arith.muli %add3A_803, %mul3A_805 : vector<16xi32>
      %add3A_807 = arith.addi %mul3A_806, %get3A_709 : vector<16xi32>
      %swap3A_808 = arith.constant 5 : i32
      %swap3A_809 = arith.index_cast %swap3A_808 : i32 to index
      %swap3A_810 = arith.constant 112 : index
      %swap3A_811 = tpu.vector_load %arg6[%swap3A_809, %swap3A_810] {strides = array<i32>} : memref<16x128xi32, #tpu.memory_space<vmem>>, vector<1x16xi32>,
      %swap3A_812 = vector.shape_cast %swap3A_811 : vector<1x16xi32> to vector<16xi32>
      %swap3A_813 = vector.shape_cast %add3A_807 : vector<16xi32> to vector<1x16xi32>
      tpu.vector_store %arg6[%swap3A_809, %swap3A_810], %swap3A_813 {strides = array<i32>} : memref<16x128xi32, #tpu.memory_space<vmem>>, vector<1x16xi32>,
      %dma_start3A_814 = arith.constant 5 : i32
      %dma_start3A_815 = arith.constant 1 : i32
      %dma_start3A_816 = arith.constant 0 : i32
      %dma_start3A_817 = arith.constant 0 : i32
      %dma_start3A_818 = tpu.memref_slice %arg7[%dma_start3A_815, %dma_start3A_816, %dma_start3A_817] : memref<4x128x128xf32, #tpu.memory_space<vmem>> -> memref<1x128x128xf32, #tpu.memory_space<vmem>>
      %dma_start3A_819 = tpu.memref_squeeze %dma_start3A_818 : memref<1x128x128xf32, #tpu.memory_space<vmem>> -> memref<128x128xf32, #tpu.memory_space<vmem>>
      %dma_start3A_820 = arith.constant 0 : i32
      %dma_start3A_821 = tpu.memref_slice %arg6[%dma_start3A_814, %dma_start3A_820] : memref<16x128xi32, #tpu.memory_space<vmem>> -> memref<1x128xi32, #tpu.memory_space<vmem>>
      %dma_start3A_822 = tpu.memref_squeeze %dma_start3A_821 : memref<1x128xi32, #tpu.memory_space<vmem>> -> memref<128xi32, #tpu.memory_space<vmem>>
      %dma_start3A_823 = arith.constant 0 : i32
      %dma_start3A_824 = arith.constant 0 : i32
      %dma_start3A_825 = tpu.memref_slice %arg2[%dma_start3A_823, %dma_start3A_824] : memref<204800x128xf32, #tpu.memory_space<hbm>> -> memref<204800x128xf32, #tpu.memory_space<hbm>>
      tpu.enqueue_indirect_dma source(%dma_start3A_825 : memref<204800x128xf32, #tpu.memory_space<hbm>>) target(%dma_start3A_819 : memref<128x128xf32, #tpu.memory_space<vmem>>) offsets(%dma_start3A_822 : memref<128xi32, #tpu.memory_space<vmem>>) semaphore(%arg8 : memref<!tpu.dma_semaphore, #tpu.memory_space<semaphore_mem>>)
      %dma_wait3A_826 = arith.constant 2 : i32
      %dma_wait3A_827 = arith.constant 2 : i32
      %dma_wait3A_828 = arith.constant 0 : i32
      %dma_wait3A_829 = arith.constant 0 : i32
      %dma_wait3A_830 = tpu.memref_slice %arg7[%dma_wait3A_827, %dma_wait3A_828, %dma_wait3A_829] : memref<4x128x128xf32, #tpu.memory_space<vmem>> -> memref<1x128x128xf32, #tpu.memory_space<vmem>>
      %dma_wait3A_831 = tpu.memref_squeeze %dma_wait3A_830 : memref<1x128x128xf32, #tpu.memory_space<vmem>> -> memref<128x128xf32, #tpu.memory_space<vmem>>
      %dma_wait3A_832 = arith.constant 0 : i32
      %dma_wait3A_833 = tpu.memref_slice %arg6[%dma_wait3A_826, %dma_wait3A_832] : memref<16x128xi32, #tpu.memory_space<vmem>> -> memref<1x128xi32, #tpu.memory_space<vmem>>
      %dma_wait3A_834 = tpu.memref_squeeze %dma_wait3A_833 : memref<1x128xi32, #tpu.memory_space<vmem>> -> memref<128xi32, #tpu.memory_space<vmem>>
      %dma_wait3A_835 = arith.constant 0 : i32
      %dma_wait3A_836 = arith.constant 0 : i32
      %dma_wait3A_837 = tpu.memref_slice %arg2[%dma_wait3A_835, %dma_wait3A_836] : memref<204800x128xf32, #tpu.memory_space<hbm>> -> memref<204800x128xf32, #tpu.memory_space<hbm>>
      tpu.wait_indirect_dma semaphore(%arg8 : memref<!tpu.dma_semaphore, #tpu.memory_space<semaphore_mem>>) src(%dma_wait3A_837 : memref<204800x128xf32, #tpu.memory_space<hbm>>) dst(%dma_wait3A_831 : memref<128x128xf32, #tpu.memory_space<vmem>>)
      %add3A_838 = arith.constant 0 : i32
      %add3A_839 = arith.addi %mul3A_4, %add3A_838 : i32
      %mul3A_840 = arith.constant 1024 : i32
      %mul3A_841 = arith.muli %add3A_839, %mul3A_840 : i32
      %add3A_842 = arith.constant 256 : i32
      %add3A_843 = arith.addi %mul3A_841, %add3A_842 : i32
      %dma_start3A_844 = arith.constant 2 : i32
      %dma_start3A_845 = arith.constant 0 : i32
      %dma_start3A_846 = arith.constant 0 : i32
      %dma_start3A_847 = tpu.memref_slice %arg7[%dma_start3A_844, %dma_start3A_845, %dma_start3A_846] : memref<4x128x128xf32, #tpu.memory_space<vmem>> -> memref<1x128x128xf32, #tpu.memory_space<vmem>>
      %dma_start3A_848 = tpu.memref_squeeze %dma_start3A_847 : memref<1x128x128xf32, #tpu.memory_space<vmem>> -> memref<128x128xf32, #tpu.memory_space<vmem>>
      %dma_start3A_849 = arith.constant 0 : i32
      %dma_start3A_850 = tpu.memref_slice %arg4[%add3A_843, %dma_start3A_849] : memref<51200x128xf32, #tpu.memory_space<hbm>> -> memref<128x128xf32, #tpu.memory_space<hbm>>
      %dma_start3A_851 = arith.constant 0 : i32
      %dma_start3A_852 = tpu.memref_slice %arg4[%add3A_843, %dma_start3A_851] : memref<51200x128xf32, #tpu.memory_space<hbm>> -> memref<128x128xf32, #tpu.memory_space<hbm>>
      %dma_start3A_853 = arith.constant 0 : i32
      %dma_start3A_854 = arith.constant 0 : i32
      %dma_start3A_855 = tpu.memref_slice %arg7[%dma_start3A_844, %dma_start3A_853, %dma_start3A_854] : memref<4x128x128xf32, #tpu.memory_space<vmem>> -> memref<1x128x128xf32, #tpu.memory_space<vmem>>
      %dma_start3A_856 = tpu.memref_squeeze %dma_start3A_855 : memref<1x128x128xf32, #tpu.memory_space<vmem>> -> memref<128x128xf32, #tpu.memory_space<vmem>>
      tpu.enqueue_dma source(%dma_start3A_856 : memref<128x128xf32, #tpu.memory_space<vmem>>) target(%dma_start3A_852 : memref<128x128xf32, #tpu.memory_space<hbm>>) target_semaphore(%arg9 : memref<!tpu.dma_semaphore, #tpu.memory_space<semaphore_mem>>)
      %dma_wait3A_857 = arith.constant 2 : i32
      %dma_wait3A_858 = arith.constant 0 : i32
      %dma_wait3A_859 = arith.constant 0 : i32
      %dma_wait3A_860 = tpu.memref_slice %arg7[%dma_wait3A_857, %dma_wait3A_858, %dma_wait3A_859] : memref<4x128x128xf32, #tpu.memory_space<vmem>> -> memref<1x128x128xf32, #tpu.memory_space<vmem>>
      %dma_wait3A_861 = tpu.memref_squeeze %dma_wait3A_860 : memref<1x128x128xf32, #tpu.memory_space<vmem>> -> memref<128x128xf32, #tpu.memory_space<vmem>>
      %dma_wait3A_862 = arith.constant 0 : i32
      %dma_wait3A_863 = tpu.memref_slice %arg4[%add3A_843, %dma_wait3A_862] : memref<51200x128xf32, #tpu.memory_space<hbm>> -> memref<128x128xf32, #tpu.memory_space<hbm>>
      %dma_wait3A_864 = arith.constant 0 : i32
      %dma_wait3A_865 = tpu.memref_slice %arg4[%add3A_843, %dma_wait3A_864] : memref<51200x128xf32, #tpu.memory_space<hbm>> -> memref<128x128xf32, #tpu.memory_space<hbm>>
      %dma_wait3A_866 = arith.constant 0 : i32
      %dma_wait3A_867 = arith.constant 0 : i32
      %dma_wait3A_868 = tpu.memref_slice %arg7[%dma_wait3A_857, %dma_wait3A_866, %dma_wait3A_867] : memref<4x128x128xf32, #tpu.memory_space<vmem>> -> memref<1x128x128xf32, #tpu.memory_space<vmem>>
      %dma_wait3A_869 = tpu.memref_squeeze %dma_wait3A_868 : memref<1x128x128xf32, #tpu.memory_space<vmem>> -> memref<128x128xf32, #tpu.memory_space<vmem>>
      tpu.wait_dma2 semaphore(%arg9 : memref<!tpu.dma_semaphore, #tpu.memory_space<semaphore_mem>>) src(%dma_wait3A_869 : memref<128x128xf32, #tpu.memory_space<vmem>>) dst(%dma_wait3A_865 : memref<128x128xf32, #tpu.memory_space<hbm>>)
      %add3A_870 = arith.constant 0 : i32
      %add3A_871 = arith.addi %mul3A_4, %add3A_870 : i32
      %mul3A_872 = arith.constant 16 : i32
      %mul3A_873 = arith.muli %add3A_871, %mul3A_872 : i32
      %get3A_874 = arith.index_cast %mul3A_873 : i32 to index
      %get3A_875 = tpu.vector_load %arg5[%get3A_874] {strides = array<i32>} : memref<800xi32, #tpu.memory_space<vmem>>, vector<16xi32>,
      %get3A_876 = vector.shape_cast %get3A_875 : vector<16xi32> to vector<16xi32>
      %broadcast_in_dim3A_877 = arith.constant 768 : i32
      %broadcast_in_dim3A_878 = vector.broadcast %broadcast_in_dim3A_877 : i32 to vector<16xi32>
      %add3A_879 = arith.addi %broadcast_in_dim3A_878, %iota3A : vector<16xi32>
      %mul3A_880 = arith.constant 200 : i32
      %mul3A_881 = vector.broadcast %mul3A_880 : i32 to vector<16xi32>
      %mul3A_882 = arith.muli %add3A_879, %mul3A_881 : vector<16xi32>
      %add3A_883 = arith.addi %mul3A_882, %get3A_876 : vector<16xi32>
      %swap3A_884 = arith.constant 6 : i32
      %swap3A_885 = arith.index_cast %swap3A_884 : i32 to index
      %swap3A_886 = arith.constant 0 : index
      %swap3A_887 = tpu.vector_load %arg6[%swap3A_885, %swap3A_886] {strides = array<i32>} : memref<16x128xi32, #tpu.memory_space<vmem>>, vector<1x16xi32>,
      %swap3A_888 = vector.shape_cast %swap3A_887 : vector<1x16xi32> to vector<16xi32>
      %swap3A_889 = vector.shape_cast %add3A_883 : vector<16xi32> to vector<1x16xi32>
      tpu.vector_store %arg6[%swap3A_885, %swap3A_886], %swap3A_889 {strides = array<i32>} : memref<16x128xi32, #tpu.memory_space<vmem>>, vector<1x16xi32>,
      %broadcast_in_dim3A_890 = arith.constant 784 : i32
      %broadcast_in_dim3A_891 = vector.broadcast %broadcast_in_dim3A_890 : i32 to vector<16xi32>
      %add3A_892 = arith.addi %broadcast_in_dim3A_891, %iota3A : vector<16xi32>
      %mul3A_893 = arith.constant 200 : i32
      %mul3A_894 = vector.broadcast %mul3A_893 : i32 to vector<16xi32>
      %mul3A_895 = arith.muli %add3A_892, %mul3A_894 : vector<16xi32>
      %add3A_896 = arith.addi %mul3A_895, %get3A_876 : vector<16xi32>
      %swap3A_897 = arith.constant 6 : i32
      %swap3A_898 = arith.index_cast %swap3A_897 : i32 to index
      %swap3A_899 = arith.constant 16 : index
      %swap3A_900 = tpu.vector_load %arg6[%swap3A_898, %swap3A_899] {strides = array<i32>} : memref<16x128xi32, #tpu.memory_space<vmem>>, vector<1x16xi32>,
      %swap3A_901 = vector.shape_cast %swap3A_900 : vector<1x16xi32> to vector<16xi32>
      %swap3A_902 = vector.shape_cast %add3A_896 : vector<16xi32> to vector<1x16xi32>
      tpu.vector_store %arg6[%swap3A_898, %swap3A_899], %swap3A_902 {strides = array<i32>} : memref<16x128xi32, #tpu.memory_space<vmem>>, vector<1x16xi32>,
      %broadcast_in_dim3A_903 = arith.constant 800 : i32
      %broadcast_in_dim3A_904 = vector.broadcast %broadcast_in_dim3A_903 : i32 to vector<16xi32>
      %add3A_905 = arith.addi %broadcast_in_dim3A_904, %iota3A : vector<16xi32>
      %mul3A_906 = arith.constant 200 : i32
      %mul3A_907 = vector.broadcast %mul3A_906 : i32 to vector<16xi32>
      %mul3A_908 = arith.muli %add3A_905, %mul3A_907 : vector<16xi32>
      %add3A_909 = arith.addi %mul3A_908, %get3A_876 : vector<16xi32>
      %swap3A_910 = arith.constant 6 : i32
      %swap3A_911 = arith.index_cast %swap3A_910 : i32 to index
      %swap3A_912 = arith.constant 32 : index
      %swap3A_913 = tpu.vector_load %arg6[%swap3A_911, %swap3A_912] {strides = array<i32>} : memref<16x128xi32, #tpu.memory_space<vmem>>, vector<1x16xi32>,
      %swap3A_914 = vector.shape_cast %swap3A_913 : vector<1x16xi32> to vector<16xi32>
      %swap3A_915 = vector.shape_cast %add3A_909 : vector<16xi32> to vector<1x16xi32>
      tpu.vector_store %arg6[%swap3A_911, %swap3A_912], %swap3A_915 {strides = array<i32>} : memref<16x128xi32, #tpu.memory_space<vmem>>, vector<1x16xi32>,
      %broadcast_in_dim3A_916 = arith.constant 816 : i32
      %broadcast_in_dim3A_917 = vector.broadcast %broadcast_in_dim3A_916 : i32 to vector<16xi32>
      %add3A_918 = arith.addi %broadcast_in_dim3A_917, %iota3A : vector<16xi32>
      %mul3A_919 = arith.constant 200 : i32
      %mul3A_920 = vector.broadcast %mul3A_919 : i32 to vector<16xi32>
      %mul3A_921 = arith.muli %add3A_918, %mul3A_920 : vector<16xi32>
      %add3A_922 = arith.addi %mul3A_921, %get3A_876 : vector<16xi32>
      %swap3A_923 = arith.constant 6 : i32
      %swap3A_924 = arith.index_cast %swap3A_923 : i32 to index
      %swap3A_925 = arith.constant 48 : index
      %swap3A_926 = tpu.vector_load %arg6[%swap3A_924, %swap3A_925] {strides = array<i32>} : memref<16x128xi32, #tpu.memory_space<vmem>>, vector<1x16xi32>,
      %swap3A_927 = vector.shape_cast %swap3A_926 : vector<1x16xi32> to vector<16xi32>
      %swap3A_928 = vector.shape_cast %add3A_922 : vector<16xi32> to vector<1x16xi32>
      tpu.vector_store %arg6[%swap3A_924, %swap3A_925], %swap3A_928 {strides = array<i32>} : memref<16x128xi32, #tpu.memory_space<vmem>>, vector<1x16xi32>,
      %broadcast_in_dim3A_929 = arith.constant 832 : i32
      %broadcast_in_dim3A_930 = vector.broadcast %broadcast_in_dim3A_929 : i32 to vector<16xi32>
      %add3A_931 = arith.addi %broadcast_in_dim3A_930, %iota3A : vector<16xi32>
      %mul3A_932 = arith.constant 200 : i32
      %mul3A_933 = vector.broadcast %mul3A_932 : i32 to vector<16xi32>
      %mul3A_934 = arith.muli %add3A_931, %mul3A_933 : vector<16xi32>
      %add3A_935 = arith.addi %mul3A_934, %get3A_876 : vector<16xi32>
      %swap3A_936 = arith.constant 6 : i32
      %swap3A_937 = arith.index_cast %swap3A_936 : i32 to index
      %swap3A_938 = arith.constant 64 : index
      %swap3A_939 = tpu.vector_load %arg6[%swap3A_937, %swap3A_938] {strides = array<i32>} : memref<16x128xi32, #tpu.memory_space<vmem>>, vector<1x16xi32>,
      %swap3A_940 = vector.shape_cast %swap3A_939 : vector<1x16xi32> to vector<16xi32>
      %swap3A_941 = vector.shape_cast %add3A_935 : vector<16xi32> to vector<1x16xi32>
      tpu.vector_store %arg6[%swap3A_937, %swap3A_938], %swap3A_941 {strides = array<i32>} : memref<16x128xi32, #tpu.memory_space<vmem>>, vector<1x16xi32>,
      %broadcast_in_dim3A_942 = arith.constant 848 : i32
      %broadcast_in_dim3A_943 = vector.broadcast %broadcast_in_dim3A_942 : i32 to vector<16xi32>
      %add3A_944 = arith.addi %broadcast_in_dim3A_943, %iota3A : vector<16xi32>
      %mul3A_945 = arith.constant 200 : i32
      %mul3A_946 = vector.broadcast %mul3A_945 : i32 to vector<16xi32>
      %mul3A_947 = arith.muli %add3A_944, %mul3A_946 : vector<16xi32>
      %add3A_948 = arith.addi %mul3A_947, %get3A_876 : vector<16xi32>
      %swap3A_949 = arith.constant 6 : i32
      %swap3A_950 = arith.index_cast %swap3A_949 : i32 to index
      %swap3A_951 = arith.constant 80 : index
      %swap3A_952 = tpu.vector_load %arg6[%swap3A_950, %swap3A_951] {strides = array<i32>} : memref<16x128xi32, #tpu.memory_space<vmem>>, vector<1x16xi32>,
      %swap3A_953 = vector.shape_cast %swap3A_952 : vector<1x16xi32> to vector<16xi32>
      %swap3A_954 = vector.shape_cast %add3A_948 : vector<16xi32> to vector<1x16xi32>
      tpu.vector_store %arg6[%swap3A_950, %swap3A_951], %swap3A_954 {strides = array<i32>} : memref<16x128xi32, #tpu.memory_space<vmem>>, vector<1x16xi32>,
      %broadcast_in_dim3A_955 = arith.constant 864 : i32
      %broadcast_in_dim3A_956 = vector.broadcast %broadcast_in_dim3A_955 : i32 to vector<16xi32>
      %add3A_957 = arith.addi %broadcast_in_dim3A_956, %iota3A : vector<16xi32>
      %mul3A_958 = arith.constant 200 : i32
      %mul3A_959 = vector.broadcast %mul3A_958 : i32 to vector<16xi32>
      %mul3A_960 = arith.muli %add3A_957, %mul3A_959 : vector<16xi32>
      %add3A_961 = arith.addi %mul3A_960, %get3A_876 : vector<16xi32>
      %swap3A_962 = arith.constant 6 : i32
      %swap3A_963 = arith.index_cast %swap3A_962 : i32 to index
      %swap3A_964 = arith.constant 96 : index
      %swap3A_965 = tpu.vector_load %arg6[%swap3A_963, %swap3A_964] {strides = array<i32>} : memref<16x128xi32, #tpu.memory_space<vmem>>, vector<1x16xi32>,
      %swap3A_966 = vector.shape_cast %swap3A_965 : vector<1x16xi32> to vector<16xi32>
      %swap3A_967 = vector.shape_cast %add3A_961 : vector<16xi32> to vector<1x16xi32>
      tpu.vector_store %arg6[%swap3A_963, %swap3A_964], %swap3A_967 {strides = array<i32>} : memref<16x128xi32, #tpu.memory_space<vmem>>, vector<1x16xi32>,
      %broadcast_in_dim3A_968 = arith.constant 880 : i32
      %broadcast_in_dim3A_969 = vector.broadcast %broadcast_in_dim3A_968 : i32 to vector<16xi32>
      %add3A_970 = arith.addi %broadcast_in_dim3A_969, %iota3A : vector<16xi32>
      %mul3A_971 = arith.constant 200 : i32
      %mul3A_972 = vector.broadcast %mul3A_971 : i32 to vector<16xi32>
      %mul3A_973 = arith.muli %add3A_970, %mul3A_972 : vector<16xi32>
      %add3A_974 = arith.addi %mul3A_973, %get3A_876 : vector<16xi32>
      %swap3A_975 = arith.constant 6 : i32
      %swap3A_976 = arith.index_cast %swap3A_975 : i32 to index
      %swap3A_977 = arith.constant 112 : index
      %swap3A_978 = tpu.vector_load %arg6[%swap3A_976, %swap3A_977] {strides = array<i32>} : memref<16x128xi32, #tpu.memory_space<vmem>>, vector<1x16xi32>,
      %swap3A_979 = vector.shape_cast %swap3A_978 : vector<1x16xi32> to vector<16xi32>
      %swap3A_980 = vector.shape_cast %add3A_974 : vector<16xi32> to vector<1x16xi32>
      tpu.vector_store %arg6[%swap3A_976, %swap3A_977], %swap3A_980 {strides = array<i32>} : memref<16x128xi32, #tpu.memory_space<vmem>>, vector<1x16xi32>,
      %dma_start3A_981 = arith.constant 6 : i32
      %dma_start3A_982 = arith.constant 2 : i32
      %dma_start3A_983 = arith.constant 0 : i32
      %dma_start3A_984 = arith.constant 0 : i32
      %dma_start3A_985 = tpu.memref_slice %arg7[%dma_start3A_982, %dma_start3A_983, %dma_start3A_984] : memref<4x128x128xf32, #tpu.memory_space<vmem>> -> memref<1x128x128xf32, #tpu.memory_space<vmem>>
      %dma_start3A_986 = tpu.memref_squeeze %dma_start3A_985 : memref<1x128x128xf32, #tpu.memory_space<vmem>> -> memref<128x128xf32, #tpu.memory_space<vmem>>
      %dma_start3A_987 = arith.constant 0 : i32
      %dma_start3A_988 = tpu.memref_slice %arg6[%dma_start3A_981, %dma_start3A_987] : memref<16x128xi32, #tpu.memory_space<vmem>> -> memref<1x128xi32, #tpu.memory_space<vmem>>
      %dma_start3A_989 = tpu.memref_squeeze %dma_start3A_988 : memref<1x128xi32, #tpu.memory_space<vmem>> -> memref<128xi32, #tpu.memory_space<vmem>>
      %dma_start3A_990 = arith.constant 0 : i32
      %dma_start3A_991 = arith.constant 0 : i32
      %dma_start3A_992 = tpu.memref_slice %arg2[%dma_start3A_990, %dma_start3A_991] : memref<204800x128xf32, #tpu.memory_space<hbm>> -> memref<204800x128xf32, #tpu.memory_space<hbm>>
      tpu.enqueue_indirect_dma source(%dma_start3A_992 : memref<204800x128xf32, #tpu.memory_space<hbm>>) target(%dma_start3A_986 : memref<128x128xf32, #tpu.memory_space<vmem>>) offsets(%dma_start3A_989 : memref<128xi32, #tpu.memory_space<vmem>>) semaphore(%arg8 : memref<!tpu.dma_semaphore, #tpu.memory_space<semaphore_mem>>)
      %dma_wait3A_993 = arith.constant 3 : i32
      %dma_wait3A_994 = arith.constant 3 : i32
      %dma_wait3A_995 = arith.constant 0 : i32
      %dma_wait3A_996 = arith.constant 0 : i32
      %dma_wait3A_997 = tpu.memref_slice %arg7[%dma_wait3A_994, %dma_wait3A_995, %dma_wait3A_996] : memref<4x128x128xf32, #tpu.memory_space<vmem>> -> memref<1x128x128xf32, #tpu.memory_space<vmem>>
      %dma_wait3A_998 = tpu.memref_squeeze %dma_wait3A_997 : memref<1x128x128xf32, #tpu.memory_space<vmem>> -> memref<128x128xf32, #tpu.memory_space<vmem>>
      %dma_wait3A_999 = arith.constant 0 : i32
      %dma_wait3A_1000 = tpu.memref_slice %arg6[%dma_wait3A_993, %dma_wait3A_999] : memref<16x128xi32, #tpu.memory_space<vmem>> -> memref<1x128xi32, #tpu.memory_space<vmem>>
      %dma_wait3A_1001 = tpu.memref_squeeze %dma_wait3A_1000 : memref<1x128xi32, #tpu.memory_space<vmem>> -> memref<128xi32, #tpu.memory_space<vmem>>
      %dma_wait3A_1002 = arith.constant 0 : i32
      %dma_wait3A_1003 = arith.constant 0 : i32
      %dma_wait3A_1004 = tpu.memref_slice %arg2[%dma_wait3A_1002, %dma_wait3A_1003] : memref<204800x128xf32, #tpu.memory_space<hbm>> -> memref<204800x128xf32, #tpu.memory_space<hbm>>
      tpu.wait_indirect_dma semaphore(%arg8 : memref<!tpu.dma_semaphore, #tpu.memory_space<semaphore_mem>>) src(%dma_wait3A_1004 : memref<204800x128xf32, #tpu.memory_space<hbm>>) dst(%dma_wait3A_998 : memref<128x128xf32, #tpu.memory_space<vmem>>)
      %add3A_1005 = arith.constant 0 : i32
      %add3A_1006 = arith.addi %mul3A_4, %add3A_1005 : i32
      %mul3A_1007 = arith.constant 1024 : i32
      %mul3A_1008 = arith.muli %add3A_1006, %mul3A_1007 : i32
      %add3A_1009 = arith.constant 384 : i32
      %add3A_1010 = arith.addi %mul3A_1008, %add3A_1009 : i32
      %dma_start3A_1011 = arith.constant 3 : i32
      %dma_start3A_1012 = arith.constant 0 : i32
      %dma_start3A_1013 = arith.constant 0 : i32
      %dma_start3A_1014 = tpu.memref_slice %arg7[%dma_start3A_1011, %dma_start3A_1012, %dma_start3A_1013] : memref<4x128x128xf32, #tpu.memory_space<vmem>> -> memref<1x128x128xf32, #tpu.memory_space<vmem>>
      %dma_start3A_1015 = tpu.memref_squeeze %dma_start3A_1014 : memref<1x128x128xf32, #tpu.memory_space<vmem>> -> memref<128x128xf32, #tpu.memory_space<vmem>>
      %dma_start3A_1016 = arith.constant 0 : i32
      %dma_start3A_1017 = tpu.memref_slice %arg4[%add3A_1010, %dma_start3A_1016] : memref<51200x128xf32, #tpu.memory_space<hbm>> -> memref<128x128xf32, #tpu.memory_space<hbm>>
      %dma_start3A_1018 = arith.constant 0 : i32
      %dma_start3A_1019 = tpu.memref_slice %arg4[%add3A_1010, %dma_start3A_1018] : memref<51200x128xf32, #tpu.memory_space<hbm>> -> memref<128x128xf32, #tpu.memory_space<hbm>>
      %dma_start3A_1020 = arith.constant 0 : i32
      %dma_start3A_1021 = arith.constant 0 : i32
      %dma_start3A_1022 = tpu.memref_slice %arg7[%dma_start3A_1011, %dma_start3A_1020, %dma_start3A_1021] : memref<4x128x128xf32, #tpu.memory_space<vmem>> -> memref<1x128x128xf32, #tpu.memory_space<vmem>>
      %dma_start3A_1023 = tpu.memref_squeeze %dma_start3A_1022 : memref<1x128x128xf32, #tpu.memory_space<vmem>> -> memref<128x128xf32, #tpu.memory_space<vmem>>
      tpu.enqueue_dma source(%dma_start3A_1023 : memref<128x128xf32, #tpu.memory_space<vmem>>) target(%dma_start3A_1019 : memref<128x128xf32, #tpu.memory_space<hbm>>) target_semaphore(%arg9 : memref<!tpu.dma_semaphore, #tpu.memory_space<semaphore_mem>>)
      %dma_wait3A_1024 = arith.constant 3 : i32
      %dma_wait3A_1025 = arith.constant 0 : i32
      %dma_wait3A_1026 = arith.constant 0 : i32
      %dma_wait3A_1027 = tpu.memref_slice %arg7[%dma_wait3A_1024, %dma_wait3A_1025, %dma_wait3A_1026] : memref<4x128x128xf32, #tpu.memory_space<vmem>> -> memref<1x128x128xf32, #tpu.memory_space<vmem>>
      %dma_wait3A_1028 = tpu.memref_squeeze %dma_wait3A_1027 : memref<1x128x128xf32, #tpu.memory_space<vmem>> -> memref<128x128xf32, #tpu.memory_space<vmem>>
      %dma_wait3A_1029 = arith.constant 0 : i32
      %dma_wait3A_1030 = tpu.memref_slice %arg4[%add3A_1010, %dma_wait3A_1029] : memref<51200x128xf32, #tpu.memory_space<hbm>> -> memref<128x128xf32, #tpu.memory_space<hbm>>
      %dma_wait3A_1031 = arith.constant 0 : i32
      %dma_wait3A_1032 = tpu.memref_slice %arg4[%add3A_1010, %dma_wait3A_1031] : memref<51200x128xf32, #tpu.memory_space<hbm>> -> memref<128x128xf32, #tpu.memory_space<hbm>>
      %dma_wait3A_1033 = arith.constant 0 : i32
      %dma_wait3A_1034 = arith.constant 0 : i32
      %dma_wait3A_1035 = tpu.memref_slice %arg7[%dma_wait3A_1024, %dma_wait3A_1033, %dma_wait3A_1034] : memref<4x128x128xf32, #tpu.memory_space<vmem>> -> memref<1x128x128xf32, #tpu.memory_space<vmem>>
      %dma_wait3A_1036 = tpu.memref_squeeze %dma_wait3A_1035 : memref<1x128x128xf32, #tpu.memory_space<vmem>> -> memref<128x128xf32, #tpu.memory_space<vmem>>
      tpu.wait_dma2 semaphore(%arg9 : memref<!tpu.dma_semaphore, #tpu.memory_space<semaphore_mem>>) src(%dma_wait3A_1036 : memref<128x128xf32, #tpu.memory_space<vmem>>) dst(%dma_wait3A_1032 : memref<128x128xf32, #tpu.memory_space<hbm>>)
      %add3A_1037 = arith.constant 0 : i32
      %add3A_1038 = arith.addi %mul3A_4, %add3A_1037 : i32
      %mul3A_1039 = arith.constant 16 : i32
      %mul3A_1040 = arith.muli %add3A_1038, %mul3A_1039 : i32
      %get3A_1041 = arith.index_cast %mul3A_1040 : i32 to index
      %get3A_1042 = tpu.vector_load %arg5[%get3A_1041] {strides = array<i32>} : memref<800xi32, #tpu.memory_space<vmem>>, vector<16xi32>,
      %get3A_1043 = vector.shape_cast %get3A_1042 : vector<16xi32> to vector<16xi32>
      %broadcast_in_dim3A_1044 = arith.constant 896 : i32
      %broadcast_in_dim3A_1045 = vector.broadcast %broadcast_in_dim3A_1044 : i32 to vector<16xi32>
      %add3A_1046 = arith.addi %broadcast_in_dim3A_1045, %iota3A : vector<16xi32>
      %mul3A_1047 = arith.constant 200 : i32
      %mul3A_1048 = vector.broadcast %mul3A_1047 : i32 to vector<16xi32>
      %mul3A_1049 = arith.muli %add3A_1046, %mul3A_1048 : vector<16xi32>
      %add3A_1050 = arith.addi %mul3A_1049, %get3A_1043 : vector<16xi32>
      %swap3A_1051 = arith.constant 7 : i32
      %swap3A_1052 = arith.index_cast %swap3A_1051 : i32 to index
      %swap3A_1053 = arith.constant 0 : index
      %swap3A_1054 = tpu.vector_load %arg6[%swap3A_1052, %swap3A_1053] {strides = array<i32>} : memref<16x128xi32, #tpu.memory_space<vmem>>, vector<1x16xi32>,
      %swap3A_1055 = vector.shape_cast %swap3A_1054 : vector<1x16xi32> to vector<16xi32>
      %swap3A_1056 = vector.shape_cast %add3A_1050 : vector<16xi32> to vector<1x16xi32>
      tpu.vector_store %arg6[%swap3A_1052, %swap3A_1053], %swap3A_1056 {strides = array<i32>} : memref<16x128xi32, #tpu.memory_space<vmem>>, vector<1x16xi32>,
      %broadcast_in_dim3A_1057 = arith.constant 912 : i32
      %broadcast_in_dim3A_1058 = vector.broadcast %broadcast_in_dim3A_1057 : i32 to vector<16xi32>
      %add3A_1059 = arith.addi %broadcast_in_dim3A_1058, %iota3A : vector<16xi32>
      %mul3A_1060 = arith.constant 200 : i32
      %mul3A_1061 = vector.broadcast %mul3A_1060 : i32 to vector<16xi32>
      %mul3A_1062 = arith.muli %add3A_1059, %mul3A_1061 : vector<16xi32>
      %add3A_1063 = arith.addi %mul3A_1062, %get3A_1043 : vector<16xi32>
      %swap3A_1064 = arith.constant 7 : i32
      %swap3A_1065 = arith.index_cast %swap3A_1064 : i32 to index
      %swap3A_1066 = arith.constant 16 : index
      %swap3A_1067 = tpu.vector_load %arg6[%swap3A_1065, %swap3A_1066] {strides = array<i32>} : memref<16x128xi32, #tpu.memory_space<vmem>>, vector<1x16xi32>,
      %swap3A_1068 = vector.shape_cast %swap3A_1067 : vector<1x16xi32> to vector<16xi32>
      %swap3A_1069 = vector.shape_cast %add3A_1063 : vector<16xi32> to vector<1x16xi32>
      tpu.vector_store %arg6[%swap3A_1065, %swap3A_1066], %swap3A_1069 {strides = array<i32>} : memref<16x128xi32, #tpu.memory_space<vmem>>, vector<1x16xi32>,
      %broadcast_in_dim3A_1070 = arith.constant 928 : i32
      %broadcast_in_dim3A_1071 = vector.broadcast %broadcast_in_dim3A_1070 : i32 to vector<16xi32>
      %add3A_1072 = arith.addi %broadcast_in_dim3A_1071, %iota3A : vector<16xi32>
      %mul3A_1073 = arith.constant 200 : i32
      %mul3A_1074 = vector.broadcast %mul3A_1073 : i32 to vector<16xi32>
      %mul3A_1075 = arith.muli %add3A_1072, %mul3A_1074 : vector<16xi32>
      %add3A_1076 = arith.addi %mul3A_1075, %get3A_1043 : vector<16xi32>
      %swap3A_1077 = arith.constant 7 : i32
      %swap3A_1078 = arith.index_cast %swap3A_1077 : i32 to index
      %swap3A_1079 = arith.constant 32 : index
      %swap3A_1080 = tpu.vector_load %arg6[%swap3A_1078, %swap3A_1079] {strides = array<i32>} : memref<16x128xi32, #tpu.memory_space<vmem>>, vector<1x16xi32>,
      %swap3A_1081 = vector.shape_cast %swap3A_1080 : vector<1x16xi32> to vector<16xi32>
      %swap3A_1082 = vector.shape_cast %add3A_1076 : vector<16xi32> to vector<1x16xi32>
      tpu.vector_store %arg6[%swap3A_1078, %swap3A_1079], %swap3A_1082 {strides = array<i32>} : memref<16x128xi32, #tpu.memory_space<vmem>>, vector<1x16xi32>,
      %broadcast_in_dim3A_1083 = arith.constant 944 : i32
      %broadcast_in_dim3A_1084 = vector.broadcast %broadcast_in_dim3A_1083 : i32 to vector<16xi32>
      %add3A_1085 = arith.addi %broadcast_in_dim3A_1084, %iota3A : vector<16xi32>
      %mul3A_1086 = arith.constant 200 : i32
      %mul3A_1087 = vector.broadcast %mul3A_1086 : i32 to vector<16xi32>
      %mul3A_1088 = arith.muli %add3A_1085, %mul3A_1087 : vector<16xi32>
      %add3A_1089 = arith.addi %mul3A_1088, %get3A_1043 : vector<16xi32>
      %swap3A_1090 = arith.constant 7 : i32
      %swap3A_1091 = arith.index_cast %swap3A_1090 : i32 to index
      %swap3A_1092 = arith.constant 48 : index
      %swap3A_1093 = tpu.vector_load %arg6[%swap3A_1091, %swap3A_1092] {strides = array<i32>} : memref<16x128xi32, #tpu.memory_space<vmem>>, vector<1x16xi32>,
      %swap3A_1094 = vector.shape_cast %swap3A_1093 : vector<1x16xi32> to vector<16xi32>
      %swap3A_1095 = vector.shape_cast %add3A_1089 : vector<16xi32> to vector<1x16xi32>
      tpu.vector_store %arg6[%swap3A_1091, %swap3A_1092], %swap3A_1095 {strides = array<i32>} : memref<16x128xi32, #tpu.memory_space<vmem>>, vector<1x16xi32>,
      %broadcast_in_dim3A_1096 = arith.constant 960 : i32
      %broadcast_in_dim3A_1097 = vector.broadcast %broadcast_in_dim3A_1096 : i32 to vector<16xi32>
      %add3A_1098 = arith.addi %broadcast_in_dim3A_1097, %iota3A : vector<16xi32>
      %mul3A_1099 = arith.constant 200 : i32
      %mul3A_1100 = vector.broadcast %mul3A_1099 : i32 to vector<16xi32>
      %mul3A_1101 = arith.muli %add3A_1098, %mul3A_1100 : vector<16xi32>
      %add3A_1102 = arith.addi %mul3A_1101, %get3A_1043 : vector<16xi32>
      %swap3A_1103 = arith.constant 7 : i32
      %swap3A_1104 = arith.index_cast %swap3A_1103 : i32 to index
      %swap3A_1105 = arith.constant 64 : index
      %swap3A_1106 = tpu.vector_load %arg6[%swap3A_1104, %swap3A_1105] {strides = array<i32>} : memref<16x128xi32, #tpu.memory_space<vmem>>, vector<1x16xi32>,
      %swap3A_1107 = vector.shape_cast %swap3A_1106 : vector<1x16xi32> to vector<16xi32>
      %swap3A_1108 = vector.shape_cast %add3A_1102 : vector<16xi32> to vector<1x16xi32>
      tpu.vector_store %arg6[%swap3A_1104, %swap3A_1105], %swap3A_1108 {strides = array<i32>} : memref<16x128xi32, #tpu.memory_space<vmem>>, vector<1x16xi32>,
      %broadcast_in_dim3A_1109 = arith.constant 976 : i32
      %broadcast_in_dim3A_1110 = vector.broadcast %broadcast_in_dim3A_1109 : i32 to vector<16xi32>
      %add3A_1111 = arith.addi %broadcast_in_dim3A_1110, %iota3A : vector<16xi32>
      %mul3A_1112 = arith.constant 200 : i32
      %mul3A_1113 = vector.broadcast %mul3A_1112 : i32 to vector<16xi32>
      %mul3A_1114 = arith.muli %add3A_1111, %mul3A_1113 : vector<16xi32>
      %add3A_1115 = arith.addi %mul3A_1114, %get3A_1043 : vector<16xi32>
      %swap3A_1116 = arith.constant 7 : i32
      %swap3A_1117 = arith.index_cast %swap3A_1116 : i32 to index
      %swap3A_1118 = arith.constant 80 : index
      %swap3A_1119 = tpu.vector_load %arg6[%swap3A_1117, %swap3A_1118] {strides = array<i32>} : memref<16x128xi32, #tpu.memory_space<vmem>>, vector<1x16xi32>,
      %swap3A_1120 = vector.shape_cast %swap3A_1119 : vector<1x16xi32> to vector<16xi32>
      %swap3A_1121 = vector.shape_cast %add3A_1115 : vector<16xi32> to vector<1x16xi32>
      tpu.vector_store %arg6[%swap3A_1117, %swap3A_1118], %swap3A_1121 {strides = array<i32>} : memref<16x128xi32, #tpu.memory_space<vmem>>, vector<1x16xi32>,
      %broadcast_in_dim3A_1122 = arith.constant 992 : i32
      %broadcast_in_dim3A_1123 = vector.broadcast %broadcast_in_dim3A_1122 : i32 to vector<16xi32>
      %add3A_1124 = arith.addi %broadcast_in_dim3A_1123, %iota3A : vector<16xi32>
      %mul3A_1125 = arith.constant 200 : i32
      %mul3A_1126 = vector.broadcast %mul3A_1125 : i32 to vector<16xi32>
      %mul3A_1127 = arith.muli %add3A_1124, %mul3A_1126 : vector<16xi32>
      %add3A_1128 = arith.addi %mul3A_1127, %get3A_1043 : vector<16xi32>
      %swap3A_1129 = arith.constant 7 : i32
      %swap3A_1130 = arith.index_cast %swap3A_1129 : i32 to index
      %swap3A_1131 = arith.constant 96 : index
      %swap3A_1132 = tpu.vector_load %arg6[%swap3A_1130, %swap3A_1131] {strides = array<i32>} : memref<16x128xi32, #tpu.memory_space<vmem>>, vector<1x16xi32>,
      %swap3A_1133 = vector.shape_cast %swap3A_1132 : vector<1x16xi32> to vector<16xi32>
      %swap3A_1134 = vector.shape_cast %add3A_1128 : vector<16xi32> to vector<1x16xi32>
      tpu.vector_store %arg6[%swap3A_1130, %swap3A_1131], %swap3A_1134 {strides = array<i32>} : memref<16x128xi32, #tpu.memory_space<vmem>>, vector<1x16xi32>,
      %broadcast_in_dim3A_1135 = arith.constant 1008 : i32
      %broadcast_in_dim3A_1136 = vector.broadcast %broadcast_in_dim3A_1135 : i32 to vector<16xi32>
      %add3A_1137 = arith.addi %broadcast_in_dim3A_1136, %iota3A : vector<16xi32>
      %mul3A_1138 = arith.constant 200 : i32
      %mul3A_1139 = vector.broadcast %mul3A_1138 : i32 to vector<16xi32>
      %mul3A_1140 = arith.muli %add3A_1137, %mul3A_1139 : vector<16xi32>
      %add3A_1141 = arith.addi %mul3A_1140, %get3A_1043 : vector<16xi32>
      %swap3A_1142 = arith.constant 7 : i32
      %swap3A_1143 = arith.index_cast %swap3A_1142 : i32 to index
      %swap3A_1144 = arith.constant 112 : index
      %swap3A_1145 = tpu.vector_load %arg6[%swap3A_1143, %swap3A_1144] {strides = array<i32>} : memref<16x128xi32, #tpu.memory_space<vmem>>, vector<1x16xi32>,
      %swap3A_1146 = vector.shape_cast %swap3A_1145 : vector<1x16xi32> to vector<16xi32>
      %swap3A_1147 = vector.shape_cast %add3A_1141 : vector<16xi32> to vector<1x16xi32>
      tpu.vector_store %arg6[%swap3A_1143, %swap3A_1144], %swap3A_1147 {strides = array<i32>} : memref<16x128xi32, #tpu.memory_space<vmem>>, vector<1x16xi32>,
      %dma_start3A_1148 = arith.constant 7 : i32
      %dma_start3A_1149 = arith.constant 3 : i32
      %dma_start3A_1150 = arith.constant 0 : i32
      %dma_start3A_1151 = arith.constant 0 : i32
      %dma_start3A_1152 = tpu.memref_slice %arg7[%dma_start3A_1149, %dma_start3A_1150, %dma_start3A_1151] : memref<4x128x128xf32, #tpu.memory_space<vmem>> -> memref<1x128x128xf32, #tpu.memory_space<vmem>>
      %dma_start3A_1153 = tpu.memref_squeeze %dma_start3A_1152 : memref<1x128x128xf32, #tpu.memory_space<vmem>> -> memref<128x128xf32, #tpu.memory_space<vmem>>
      %dma_start3A_1154 = arith.constant 0 : i32
      %dma_start3A_1155 = tpu.memref_slice %arg6[%dma_start3A_1148, %dma_start3A_1154] : memref<16x128xi32, #tpu.memory_space<vmem>> -> memref<1x128xi32, #tpu.memory_space<vmem>>
      %dma_start3A_1156 = tpu.memref_squeeze %dma_start3A_1155 : memref<1x128xi32, #tpu.memory_space<vmem>> -> memref<128xi32, #tpu.memory_space<vmem>>
      %dma_start3A_1157 = arith.constant 0 : i32
      %dma_start3A_1158 = arith.constant 0 : i32
      %dma_start3A_1159 = tpu.memref_slice %arg2[%dma_start3A_1157, %dma_start3A_1158] : memref<204800x128xf32, #tpu.memory_space<hbm>> -> memref<204800x128xf32, #tpu.memory_space<hbm>>
      tpu.enqueue_indirect_dma source(%dma_start3A_1159 : memref<204800x128xf32, #tpu.memory_space<hbm>>) target(%dma_start3A_1153 : memref<128x128xf32, #tpu.memory_space<vmem>>) offsets(%dma_start3A_1156 : memref<128xi32, #tpu.memory_space<vmem>>) semaphore(%arg8 : memref<!tpu.dma_semaphore, #tpu.memory_space<semaphore_mem>>)
      %dma_wait3A_1160 = arith.constant 4 : i32
      %dma_wait3A_1161 = arith.constant 0 : i32
      %dma_wait3A_1162 = arith.constant 0 : i32
      %dma_wait3A_1163 = arith.constant 0 : i32
      %dma_wait3A_1164 = tpu.memref_slice %arg7[%dma_wait3A_1161, %dma_wait3A_1162, %dma_wait3A_1163] : memref<4x128x128xf32, #tpu.memory_space<vmem>> -> memref<1x128x128xf32, #tpu.memory_space<vmem>>
      %dma_wait3A_1165 = tpu.memref_squeeze %dma_wait3A_1164 : memref<1x128x128xf32, #tpu.memory_space<vmem>> -> memref<128x128xf32, #tpu.memory_space<vmem>>
      %dma_wait3A_1166 = arith.constant 0 : i32
      %dma_wait3A_1167 = tpu.memref_slice %arg6[%dma_wait3A_1160, %dma_wait3A_1166] : memref<16x128xi32, #tpu.memory_space<vmem>> -> memref<1x128xi32, #tpu.memory_space<vmem>>
      %dma_wait3A_1168 = tpu.memref_squeeze %dma_wait3A_1167 : memref<1x128xi32, #tpu.memory_space<vmem>> -> memref<128xi32, #tpu.memory_space<vmem>>
      %dma_wait3A_1169 = arith.constant 0 : i32
      %dma_wait3A_1170 = arith.constant 0 : i32
      %dma_wait3A_1171 = tpu.memref_slice %arg2[%dma_wait3A_1169, %dma_wait3A_1170] : memref<204800x128xf32, #tpu.memory_space<hbm>> -> memref<204800x128xf32, #tpu.memory_space<hbm>>
      tpu.wait_indirect_dma semaphore(%arg8 : memref<!tpu.dma_semaphore, #tpu.memory_space<semaphore_mem>>) src(%dma_wait3A_1171 : memref<204800x128xf32, #tpu.memory_space<hbm>>) dst(%dma_wait3A_1165 : memref<128x128xf32, #tpu.memory_space<vmem>>)
      %add3A_1172 = arith.constant 0 : i32
      %add3A_1173 = arith.addi %mul3A_4, %add3A_1172 : i32
      %mul3A_1174 = arith.constant 1024 : i32
      %mul3A_1175 = arith.muli %add3A_1173, %mul3A_1174 : i32
      %add3A_1176 = arith.constant 512 : i32
      %add3A_1177 = arith.addi %mul3A_1175, %add3A_1176 : i32
      %dma_start3A_1178 = arith.constant 0 : i32
      %dma_start3A_1179 = arith.constant 0 : i32
      %dma_start3A_1180 = arith.constant 0 : i32
      %dma_start3A_1181 = tpu.memref_slice %arg7[%dma_start3A_1178, %dma_start3A_1179, %dma_start3A_1180] : memref<4x128x128xf32, #tpu.memory_space<vmem>> -> memref<1x128x128xf32, #tpu.memory_space<vmem>>
      %dma_start3A_1182 = tpu.memref_squeeze %dma_start3A_1181 : memref<1x128x128xf32, #tpu.memory_space<vmem>> -> memref<128x128xf32, #tpu.memory_space<vmem>>
      %dma_start3A_1183 = arith.constant 0 : i32
      %dma_start3A_1184 = tpu.memref_slice %arg4[%add3A_1177, %dma_start3A_1183] : memref<51200x128xf32, #tpu.memory_space<hbm>> -> memref<128x128xf32, #tpu.memory_space<hbm>>
      %dma_start3A_1185 = arith.constant 0 : i32
      %dma_start3A_1186 = tpu.memref_slice %arg4[%add3A_1177, %dma_start3A_1185] : memref<51200x128xf32, #tpu.memory_space<hbm>> -> memref<128x128xf32, #tpu.memory_space<hbm>>
      %dma_start3A_1187 = arith.constant 0 : i32
      %dma_start3A_1188 = arith.constant 0 : i32
      %dma_start3A_1189 = tpu.memref_slice %arg7[%dma_start3A_1178, %dma_start3A_1187, %dma_start3A_1188] : memref<4x128x128xf32, #tpu.memory_space<vmem>> -> memref<1x128x128xf32, #tpu.memory_space<vmem>>
      %dma_start3A_1190 = tpu.memref_squeeze %dma_start3A_1189 : memref<1x128x128xf32, #tpu.memory_space<vmem>> -> memref<128x128xf32, #tpu.memory_space<vmem>>
      tpu.enqueue_dma source(%dma_start3A_1190 : memref<128x128xf32, #tpu.memory_space<vmem>>) target(%dma_start3A_1186 : memref<128x128xf32, #tpu.memory_space<hbm>>) target_semaphore(%arg9 : memref<!tpu.dma_semaphore, #tpu.memory_space<semaphore_mem>>)
      %dma_wait3A_1191 = arith.constant 0 : i32
      %dma_wait3A_1192 = arith.constant 0 : i32
      %dma_wait3A_1193 = arith.constant 0 : i32
      %dma_wait3A_1194 = tpu.memref_slice %arg7[%dma_wait3A_1191, %dma_wait3A_1192, %dma_wait3A_1193] : memref<4x128x128xf32, #tpu.memory_space<vmem>> -> memref<1x128x128xf32, #tpu.memory_space<vmem>>
      %dma_wait3A_1195 = tpu.memref_squeeze %dma_wait3A_1194 : memref<1x128x128xf32, #tpu.memory_space<vmem>> -> memref<128x128xf32, #tpu.memory_space<vmem>>
      %dma_wait3A_1196 = arith.constant 0 : i32
      %dma_wait3A_1197 = tpu.memref_slice %arg4[%add3A_1177, %dma_wait3A_1196] : memref<51200x128xf32, #tpu.memory_space<hbm>> -> memref<128x128xf32, #tpu.memory_space<hbm>>
      %dma_wait3A_1198 = arith.constant 0 : i32
      %dma_wait3A_1199 = tpu.memref_slice %arg4[%add3A_1177, %dma_wait3A_1198] : memref<51200x128xf32, #tpu.memory_space<hbm>> -> memref<128x128xf32, #tpu.memory_space<hbm>>
      %dma_wait3A_1200 = arith.constant 0 : i32
      %dma_wait3A_1201 = arith.constant 0 : i32
      %dma_wait3A_1202 = tpu.memref_slice %arg7[%dma_wait3A_1191, %dma_wait3A_1200, %dma_wait3A_1201] : memref<4x128x128xf32, #tpu.memory_space<vmem>> -> memref<1x128x128xf32, #tpu.memory_space<vmem>>
      %dma_wait3A_1203 = tpu.memref_squeeze %dma_wait3A_1202 : memref<1x128x128xf32, #tpu.memory_space<vmem>> -> memref<128x128xf32, #tpu.memory_space<vmem>>
      tpu.wait_dma2 semaphore(%arg9 : memref<!tpu.dma_semaphore, #tpu.memory_space<semaphore_mem>>) src(%dma_wait3A_1203 : memref<128x128xf32, #tpu.memory_space<vmem>>) dst(%dma_wait3A_1199 : memref<128x128xf32, #tpu.memory_space<hbm>>)
      %add3A_1204 = arith.constant 1 : i32
      %add3A_1205 = arith.addi %mul3A_4, %add3A_1204 : i32
      %mul3A_1206 = arith.constant 16 : i32
      %mul3A_1207 = arith.muli %add3A_1205, %mul3A_1206 : i32
      %get3A_1208 = arith.index_cast %mul3A_1207 : i32 to index
      %get3A_1209 = tpu.vector_load %arg5[%get3A_1208] {strides = array<i32>} : memref<800xi32, #tpu.memory_space<vmem>>, vector<16xi32>,
      %get3A_1210 = vector.shape_cast %get3A_1209 : vector<16xi32> to vector<16xi32>
      %broadcast_in_dim3A_1211 = arith.constant 0 : i32
      %broadcast_in_dim3A_1212 = vector.broadcast %broadcast_in_dim3A_1211 : i32 to vector<16xi32>
      %add3A_1213 = arith.addi %broadcast_in_dim3A_1212, %iota3A : vector<16xi32>
      %mul3A_1214 = arith.constant 200 : i32
      %mul3A_1215 = vector.broadcast %mul3A_1214 : i32 to vector<16xi32>
      %mul3A_1216 = arith.muli %add3A_1213, %mul3A_1215 : vector<16xi32>
      %add3A_1217 = arith.addi %mul3A_1216, %get3A_1210 : vector<16xi32>
      %swap3A_1218 = arith.constant 8 : i32
      %swap3A_1219 = arith.index_cast %swap3A_1218 : i32 to index
      %swap3A_1220 = arith.constant 0 : index
      %swap3A_1221 = tpu.vector_load %arg6[%swap3A_1219, %swap3A_1220] {strides = array<i32>} : memref<16x128xi32, #tpu.memory_space<vmem>>, vector<1x16xi32>,
      %swap3A_1222 = vector.shape_cast %swap3A_1221 : vector<1x16xi32> to vector<16xi32>
      %swap3A_1223 = vector.shape_cast %add3A_1217 : vector<16xi32> to vector<1x16xi32>
      tpu.vector_store %arg6[%swap3A_1219, %swap3A_1220], %swap3A_1223 {strides = array<i32>} : memref<16x128xi32, #tpu.memory_space<vmem>>, vector<1x16xi32>,
      %broadcast_in_dim3A_1224 = arith.constant 16 : i32
      %broadcast_in_dim3A_1225 = vector.broadcast %broadcast_in_dim3A_1224 : i32 to vector<16xi32>
      %add3A_1226 = arith.addi %broadcast_in_dim3A_1225, %iota3A : vector<16xi32>
      %mul3A_1227 = arith.constant 200 : i32
      %mul3A_1228 = vector.broadcast %mul3A_1227 : i32 to vector<16xi32>
      %mul3A_1229 = arith.muli %add3A_1226, %mul3A_1228 : vector<16xi32>
      %add3A_1230 = arith.addi %mul3A_1229, %get3A_1210 : vector<16xi32>
      %swap3A_1231 = arith.constant 8 : i32
      %swap3A_1232 = arith.index_cast %swap3A_1231 : i32 to index
      %swap3A_1233 = arith.constant 16 : index
      %swap3A_1234 = tpu.vector_load %arg6[%swap3A_1232, %swap3A_1233] {strides = array<i32>} : memref<16x128xi32, #tpu.memory_space<vmem>>, vector<1x16xi32>,
      %swap3A_1235 = vector.shape_cast %swap3A_1234 : vector<1x16xi32> to vector<16xi32>
      %swap3A_1236 = vector.shape_cast %add3A_1230 : vector<16xi32> to vector<1x16xi32>
      tpu.vector_store %arg6[%swap3A_1232, %swap3A_1233], %swap3A_1236 {strides = array<i32>} : memref<16x128xi32, #tpu.memory_space<vmem>>, vector<1x16xi32>,
      %broadcast_in_dim3A_1237 = arith.constant 32 : i32
      %broadcast_in_dim3A_1238 = vector.broadcast %broadcast_in_dim3A_1237 : i32 to vector<16xi32>
      %add3A_1239 = arith.addi %broadcast_in_dim3A_1238, %iota3A : vector<16xi32>
      %mul3A_1240 = arith.constant 200 : i32
      %mul3A_1241 = vector.broadcast %mul3A_1240 : i32 to vector<16xi32>
      %mul3A_1242 = arith.muli %add3A_1239, %mul3A_1241 : vector<16xi32>
      %add3A_1243 = arith.addi %mul3A_1242, %get3A_1210 : vector<16xi32>
      %swap3A_1244 = arith.constant 8 : i32
      %swap3A_1245 = arith.index_cast %swap3A_1244 : i32 to index
      %swap3A_1246 = arith.constant 32 : index
      %swap3A_1247 = tpu.vector_load %arg6[%swap3A_1245, %swap3A_1246] {strides = array<i32>} : memref<16x128xi32, #tpu.memory_space<vmem>>, vector<1x16xi32>,
      %swap3A_1248 = vector.shape_cast %swap3A_1247 : vector<1x16xi32> to vector<16xi32>
      %swap3A_1249 = vector.shape_cast %add3A_1243 : vector<16xi32> to vector<1x16xi32>
      tpu.vector_store %arg6[%swap3A_1245, %swap3A_1246], %swap3A_1249 {strides = array<i32>} : memref<16x128xi32, #tpu.memory_space<vmem>>, vector<1x16xi32>,
      %broadcast_in_dim3A_1250 = arith.constant 48 : i32
      %broadcast_in_dim3A_1251 = vector.broadcast %broadcast_in_dim3A_1250 : i32 to vector<16xi32>
      %add3A_1252 = arith.addi %broadcast_in_dim3A_1251, %iota3A : vector<16xi32>
      %mul3A_1253 = arith.constant 200 : i32
      %mul3A_1254 = vector.broadcast %mul3A_1253 : i32 to vector<16xi32>
      %mul3A_1255 = arith.muli %add3A_1252, %mul3A_1254 : vector<16xi32>
      %add3A_1256 = arith.addi %mul3A_1255, %get3A_1210 : vector<16xi32>
      %swap3A_1257 = arith.constant 8 : i32
      %swap3A_1258 = arith.index_cast %swap3A_1257 : i32 to index
      %swap3A_1259 = arith.constant 48 : index
      %swap3A_1260 = tpu.vector_load %arg6[%swap3A_1258, %swap3A_1259] {strides = array<i32>} : memref<16x128xi32, #tpu.memory_space<vmem>>, vector<1x16xi32>,
      %swap3A_1261 = vector.shape_cast %swap3A_1260 : vector<1x16xi32> to vector<16xi32>
      %swap3A_1262 = vector.shape_cast %add3A_1256 : vector<16xi32> to vector<1x16xi32>
      tpu.vector_store %arg6[%swap3A_1258, %swap3A_1259], %swap3A_1262 {strides = array<i32>} : memref<16x128xi32, #tpu.memory_space<vmem>>, vector<1x16xi32>,
      %broadcast_in_dim3A_1263 = arith.constant 64 : i32
      %broadcast_in_dim3A_1264 = vector.broadcast %broadcast_in_dim3A_1263 : i32 to vector<16xi32>
      %add3A_1265 = arith.addi %broadcast_in_dim3A_1264, %iota3A : vector<16xi32>
      %mul3A_1266 = arith.constant 200 : i32
      %mul3A_1267 = vector.broadcast %mul3A_1266 : i32 to vector<16xi32>
      %mul3A_1268 = arith.muli %add3A_1265, %mul3A_1267 : vector<16xi32>
      %add3A_1269 = arith.addi %mul3A_1268, %get3A_1210 : vector<16xi32>
      %swap3A_1270 = arith.constant 8 : i32
      %swap3A_1271 = arith.index_cast %swap3A_1270 : i32 to index
      %swap3A_1272 = arith.constant 64 : index
      %swap3A_1273 = tpu.vector_load %arg6[%swap3A_1271, %swap3A_1272] {strides = array<i32>} : memref<16x128xi32, #tpu.memory_space<vmem>>, vector<1x16xi32>,
      %swap3A_1274 = vector.shape_cast %swap3A_1273 : vector<1x16xi32> to vector<16xi32>
      %swap3A_1275 = vector.shape_cast %add3A_1269 : vector<16xi32> to vector<1x16xi32>
      tpu.vector_store %arg6[%swap3A_1271, %swap3A_1272], %swap3A_1275 {strides = array<i32>} : memref<16x128xi32, #tpu.memory_space<vmem>>, vector<1x16xi32>,
      %broadcast_in_dim3A_1276 = arith.constant 80 : i32
      %broadcast_in_dim3A_1277 = vector.broadcast %broadcast_in_dim3A_1276 : i32 to vector<16xi32>
      %add3A_1278 = arith.addi %broadcast_in_dim3A_1277, %iota3A : vector<16xi32>
      %mul3A_1279 = arith.constant 200 : i32
      %mul3A_1280 = vector.broadcast %mul3A_1279 : i32 to vector<16xi32>
      %mul3A_1281 = arith.muli %add3A_1278, %mul3A_1280 : vector<16xi32>
      %add3A_1282 = arith.addi %mul3A_1281, %get3A_1210 : vector<16xi32>
      %swap3A_1283 = arith.constant 8 : i32
      %swap3A_1284 = arith.index_cast %swap3A_1283 : i32 to index
      %swap3A_1285 = arith.constant 80 : index
      %swap3A_1286 = tpu.vector_load %arg6[%swap3A_1284, %swap3A_1285] {strides = array<i32>} : memref<16x128xi32, #tpu.memory_space<vmem>>, vector<1x16xi32>,
      %swap3A_1287 = vector.shape_cast %swap3A_1286 : vector<1x16xi32> to vector<16xi32>
      %swap3A_1288 = vector.shape_cast %add3A_1282 : vector<16xi32> to vector<1x16xi32>
      tpu.vector_store %arg6[%swap3A_1284, %swap3A_1285], %swap3A_1288 {strides = array<i32>} : memref<16x128xi32, #tpu.memory_space<vmem>>, vector<1x16xi32>,
      %broadcast_in_dim3A_1289 = arith.constant 96 : i32
      %broadcast_in_dim3A_1290 = vector.broadcast %broadcast_in_dim3A_1289 : i32 to vector<16xi32>
      %add3A_1291 = arith.addi %broadcast_in_dim3A_1290, %iota3A : vector<16xi32>
      %mul3A_1292 = arith.constant 200 : i32
      %mul3A_1293 = vector.broadcast %mul3A_1292 : i32 to vector<16xi32>
      %mul3A_1294 = arith.muli %add3A_1291, %mul3A_1293 : vector<16xi32>
      %add3A_1295 = arith.addi %mul3A_1294, %get3A_1210 : vector<16xi32>
      %swap3A_1296 = arith.constant 8 : i32
      %swap3A_1297 = arith.index_cast %swap3A_1296 : i32 to index
      %swap3A_1298 = arith.constant 96 : index
      %swap3A_1299 = tpu.vector_load %arg6[%swap3A_1297, %swap3A_1298] {strides = array<i32>} : memref<16x128xi32, #tpu.memory_space<vmem>>, vector<1x16xi32>,
      %swap3A_1300 = vector.shape_cast %swap3A_1299 : vector<1x16xi32> to vector<16xi32>
      %swap3A_1301 = vector.shape_cast %add3A_1295 : vector<16xi32> to vector<1x16xi32>
      tpu.vector_store %arg6[%swap3A_1297, %swap3A_1298], %swap3A_1301 {strides = array<i32>} : memref<16x128xi32, #tpu.memory_space<vmem>>, vector<1x16xi32>,
      %broadcast_in_dim3A_1302 = arith.constant 112 : i32
      %broadcast_in_dim3A_1303 = vector.broadcast %broadcast_in_dim3A_1302 : i32 to vector<16xi32>
      %add3A_1304 = arith.addi %broadcast_in_dim3A_1303, %iota3A : vector<16xi32>
      %mul3A_1305 = arith.constant 200 : i32
      %mul3A_1306 = vector.broadcast %mul3A_1305 : i32 to vector<16xi32>
      %mul3A_1307 = arith.muli %add3A_1304, %mul3A_1306 : vector<16xi32>
      %add3A_1308 = arith.addi %mul3A_1307, %get3A_1210 : vector<16xi32>
      %swap3A_1309 = arith.constant 8 : i32
      %swap3A_1310 = arith.index_cast %swap3A_1309 : i32 to index
      %swap3A_1311 = arith.constant 112 : index
      %swap3A_1312 = tpu.vector_load %arg6[%swap3A_1310, %swap3A_1311] {strides = array<i32>} : memref<16x128xi32, #tpu.memory_space<vmem>>, vector<1x16xi32>,
      %swap3A_1313 = vector.shape_cast %swap3A_1312 : vector<1x16xi32> to vector<16xi32>
      %swap3A_1314 = vector.shape_cast %add3A_1308 : vector<16xi32> to vector<1x16xi32>
      tpu.vector_store %arg6[%swap3A_1310, %swap3A_1311], %swap3A_1314 {strides = array<i32>} : memref<16x128xi32, #tpu.memory_space<vmem>>, vector<1x16xi32>,
      %dma_start3A_1315 = arith.constant 8 : i32
      %dma_start3A_1316 = arith.constant 0 : i32
      %dma_start3A_1317 = arith.constant 0 : i32
      %dma_start3A_1318 = arith.constant 0 : i32
      %dma_start3A_1319 = tpu.memref_slice %arg7[%dma_start3A_1316, %dma_start3A_1317, %dma_start3A_1318] : memref<4x128x128xf32, #tpu.memory_space<vmem>> -> memref<1x128x128xf32, #tpu.memory_space<vmem>>
      %dma_start3A_1320 = tpu.memref_squeeze %dma_start3A_1319 : memref<1x128x128xf32, #tpu.memory_space<vmem>> -> memref<128x128xf32, #tpu.memory_space<vmem>>
      %dma_start3A_1321 = arith.constant 0 : i32
      %dma_start3A_1322 = tpu.memref_slice %arg6[%dma_start3A_1315, %dma_start3A_1321] : memref<16x128xi32, #tpu.memory_space<vmem>> -> memref<1x128xi32, #tpu.memory_space<vmem>>
      %dma_start3A_1323 = tpu.memref_squeeze %dma_start3A_1322 : memref<1x128xi32, #tpu.memory_space<vmem>> -> memref<128xi32, #tpu.memory_space<vmem>>
      %dma_start3A_1324 = arith.constant 0 : i32
      %dma_start3A_1325 = arith.constant 0 : i32
      %dma_start3A_1326 = tpu.memref_slice %arg2[%dma_start3A_1324, %dma_start3A_1325] : memref<204800x128xf32, #tpu.memory_space<hbm>> -> memref<204800x128xf32, #tpu.memory_space<hbm>>
      tpu.enqueue_indirect_dma source(%dma_start3A_1326 : memref<204800x128xf32, #tpu.memory_space<hbm>>) target(%dma_start3A_1320 : memref<128x128xf32, #tpu.memory_space<vmem>>) offsets(%dma_start3A_1323 : memref<128xi32, #tpu.memory_space<vmem>>) semaphore(%arg8 : memref<!tpu.dma_semaphore, #tpu.memory_space<semaphore_mem>>)
      %dma_wait3A_1327 = arith.constant 5 : i32
      %dma_wait3A_1328 = arith.constant 1 : i32
      %dma_wait3A_1329 = arith.constant 0 : i32
      %dma_wait3A_1330 = arith.constant 0 : i32
      %dma_wait3A_1331 = tpu.memref_slice %arg7[%dma_wait3A_1328, %dma_wait3A_1329, %dma_wait3A_1330] : memref<4x128x128xf32, #tpu.memory_space<vmem>> -> memref<1x128x128xf32, #tpu.memory_space<vmem>>
      %dma_wait3A_1332 = tpu.memref_squeeze %dma_wait3A_1331 : memref<1x128x128xf32, #tpu.memory_space<vmem>> -> memref<128x128xf32, #tpu.memory_space<vmem>>
      %dma_wait3A_1333 = arith.constant 0 : i32
      %dma_wait3A_1334 = tpu.memref_slice %arg6[%dma_wait3A_1327, %dma_wait3A_1333] : memref<16x128xi32, #tpu.memory_space<vmem>> -> memref<1x128xi32, #tpu.memory_space<vmem>>
      %dma_wait3A_1335 = tpu.memref_squeeze %dma_wait3A_1334 : memref<1x128xi32, #tpu.memory_space<vmem>> -> memref<128xi32, #tpu.memory_space<vmem>>
      %dma_wait3A_1336 = arith.constant 0 : i32
      %dma_wait3A_1337 = arith.constant 0 : i32
      %dma_wait3A_1338 = tpu.memref_slice %arg2[%dma_wait3A_1336, %dma_wait3A_1337] : memref<204800x128xf32, #tpu.memory_space<hbm>> -> memref<204800x128xf32, #tpu.memory_space<hbm>>
      tpu.wait_indirect_dma semaphore(%arg8 : memref<!tpu.dma_semaphore, #tpu.memory_space<semaphore_mem>>) src(%dma_wait3A_1338 : memref<204800x128xf32, #tpu.memory_space<hbm>>) dst(%dma_wait3A_1332 : memref<128x128xf32, #tpu.memory_space<vmem>>)
      %add3A_1339 = arith.constant 0 : i32
      %add3A_1340 = arith.addi %mul3A_4, %add3A_1339 : i32
      %mul3A_1341 = arith.constant 1024 : i32
      %mul3A_1342 = arith.muli %add3A_1340, %mul3A_1341 : i32
      %add3A_1343 = arith.constant 640 : i32
      %add3A_1344 = arith.addi %mul3A_1342, %add3A_1343 : i32
      %dma_start3A_1345 = arith.constant 1 : i32
      %dma_start3A_1346 = arith.constant 0 : i32
      %dma_start3A_1347 = arith.constant 0 : i32
      %dma_start3A_1348 = tpu.memref_slice %arg7[%dma_start3A_1345, %dma_start3A_1346, %dma_start3A_1347] : memref<4x128x128xf32, #tpu.memory_space<vmem>> -> memref<1x128x128xf32, #tpu.memory_space<vmem>>
      %dma_start3A_1349 = tpu.memref_squeeze %dma_start3A_1348 : memref<1x128x128xf32, #tpu.memory_space<vmem>> -> memref<128x128xf32, #tpu.memory_space<vmem>>
      %dma_start3A_1350 = arith.constant 0 : i32
      %dma_start3A_1351 = tpu.memref_slice %arg4[%add3A_1344, %dma_start3A_1350] : memref<51200x128xf32, #tpu.memory_space<hbm>> -> memref<128x128xf32, #tpu.memory_space<hbm>>
      %dma_start3A_1352 = arith.constant 0 : i32
      %dma_start3A_1353 = tpu.memref_slice %arg4[%add3A_1344, %dma_start3A_1352] : memref<51200x128xf32, #tpu.memory_space<hbm>> -> memref<128x128xf32, #tpu.memory_space<hbm>>
      %dma_start3A_1354 = arith.constant 0 : i32
      %dma_start3A_1355 = arith.constant 0 : i32
      %dma_start3A_1356 = tpu.memref_slice %arg7[%dma_start3A_1345, %dma_start3A_1354, %dma_start3A_1355] : memref<4x128x128xf32, #tpu.memory_space<vmem>> -> memref<1x128x128xf32, #tpu.memory_space<vmem>>
      %dma_start3A_1357 = tpu.memref_squeeze %dma_start3A_1356 : memref<1x128x128xf32, #tpu.memory_space<vmem>> -> memref<128x128xf32, #tpu.memory_space<vmem>>
      tpu.enqueue_dma source(%dma_start3A_1357 : memref<128x128xf32, #tpu.memory_space<vmem>>) target(%dma_start3A_1353 : memref<128x128xf32, #tpu.memory_space<hbm>>) target_semaphore(%arg9 : memref<!tpu.dma_semaphore, #tpu.memory_space<semaphore_mem>>)
      %dma_wait3A_1358 = arith.constant 1 : i32
      %dma_wait3A_1359 = arith.constant 0 : i32
      %dma_wait3A_1360 = arith.constant 0 : i32
      %dma_wait3A_1361 = tpu.memref_slice %arg7[%dma_wait3A_1358, %dma_wait3A_1359, %dma_wait3A_1360] : memref<4x128x128xf32, #tpu.memory_space<vmem>> -> memref<1x128x128xf32, #tpu.memory_space<vmem>>
      %dma_wait3A_1362 = tpu.memref_squeeze %dma_wait3A_1361 : memref<1x128x128xf32, #tpu.memory_space<vmem>> -> memref<128x128xf32, #tpu.memory_space<vmem>>
      %dma_wait3A_1363 = arith.constant 0 : i32
      %dma_wait3A_1364 = tpu.memref_slice %arg4[%add3A_1344, %dma_wait3A_1363] : memref<51200x128xf32, #tpu.memory_space<hbm>> -> memref<128x128xf32, #tpu.memory_space<hbm>>
      %dma_wait3A_1365 = arith.constant 0 : i32
      %dma_wait3A_1366 = tpu.memref_slice %arg4[%add3A_1344, %dma_wait3A_1365] : memref<51200x128xf32, #tpu.memory_space<hbm>> -> memref<128x128xf32, #tpu.memory_space<hbm>>
      %dma_wait3A_1367 = arith.constant 0 : i32
      %dma_wait3A_1368 = arith.constant 0 : i32
      %dma_wait3A_1369 = tpu.memref_slice %arg7[%dma_wait3A_1358, %dma_wait3A_1367, %dma_wait3A_1368] : memref<4x128x128xf32, #tpu.memory_space<vmem>> -> memref<1x128x128xf32, #tpu.memory_space<vmem>>
      %dma_wait3A_1370 = tpu.memref_squeeze %dma_wait3A_1369 : memref<1x128x128xf32, #tpu.memory_space<vmem>> -> memref<128x128xf32, #tpu.memory_space<vmem>>
      tpu.wait_dma2 semaphore(%arg9 : memref<!tpu.dma_semaphore, #tpu.memory_space<semaphore_mem>>) src(%dma_wait3A_1370 : memref<128x128xf32, #tpu.memory_space<vmem>>) dst(%dma_wait3A_1366 : memref<128x128xf32, #tpu.memory_space<hbm>>)
      %add3A_1371 = arith.constant 1 : i32
      %add3A_1372 = arith.addi %mul3A_4, %add3A_1371 : i32
      %mul3A_1373 = arith.constant 16 : i32
      %mul3A_1374 = arith.muli %add3A_1372, %mul3A_1373 : i32
      %get3A_1375 = arith.index_cast %mul3A_1374 : i32 to index
      %get3A_1376 = tpu.vector_load %arg5[%get3A_1375] {strides = array<i32>} : memref<800xi32, #tpu.memory_space<vmem>>, vector<16xi32>,
      %get3A_1377 = vector.shape_cast %get3A_1376 : vector<16xi32> to vector<16xi32>
      %broadcast_in_dim3A_1378 = arith.constant 128 : i32
      %broadcast_in_dim3A_1379 = vector.broadcast %broadcast_in_dim3A_1378 : i32 to vector<16xi32>
      %add3A_1380 = arith.addi %broadcast_in_dim3A_1379, %iota3A : vector<16xi32>
      %mul3A_1381 = arith.constant 200 : i32
      %mul3A_1382 = vector.broadcast %mul3A_1381 : i32 to vector<16xi32>
      %mul3A_1383 = arith.muli %add3A_1380, %mul3A_1382 : vector<16xi32>
      %add3A_1384 = arith.addi %mul3A_1383, %get3A_1377 : vector<16xi32>
      %swap3A_1385 = arith.constant 9 : i32
      %swap3A_1386 = arith.index_cast %swap3A_1385 : i32 to index
      %swap3A_1387 = arith.constant 0 : index
      %swap3A_1388 = tpu.vector_load %arg6[%swap3A_1386, %swap3A_1387] {strides = array<i32>} : memref<16x128xi32, #tpu.memory_space<vmem>>, vector<1x16xi32>,
      %swap3A_1389 = vector.shape_cast %swap3A_1388 : vector<1x16xi32> to vector<16xi32>
      %swap3A_1390 = vector.shape_cast %add3A_1384 : vector<16xi32> to vector<1x16xi32>
      tpu.vector_store %arg6[%swap3A_1386, %swap3A_1387], %swap3A_1390 {strides = array<i32>} : memref<16x128xi32, #tpu.memory_space<vmem>>, vector<1x16xi32>,
      %broadcast_in_dim3A_1391 = arith.constant 144 : i32
      %broadcast_in_dim3A_1392 = vector.broadcast %broadcast_in_dim3A_1391 : i32 to vector<16xi32>
      %add3A_1393 = arith.addi %broadcast_in_dim3A_1392, %iota3A : vector<16xi32>
      %mul3A_1394 = arith.constant 200 : i32
      %mul3A_1395 = vector.broadcast %mul3A_1394 : i32 to vector<16xi32>
      %mul3A_1396 = arith.muli %add3A_1393, %mul3A_1395 : vector<16xi32>
      %add3A_1397 = arith.addi %mul3A_1396, %get3A_1377 : vector<16xi32>
      %swap3A_1398 = arith.constant 9 : i32
      %swap3A_1399 = arith.index_cast %swap3A_1398 : i32 to index
      %swap3A_1400 = arith.constant 16 : index
      %swap3A_1401 = tpu.vector_load %arg6[%swap3A_1399, %swap3A_1400] {strides = array<i32>} : memref<16x128xi32, #tpu.memory_space<vmem>>, vector<1x16xi32>,
      %swap3A_1402 = vector.shape_cast %swap3A_1401 : vector<1x16xi32> to vector<16xi32>
      %swap3A_1403 = vector.shape_cast %add3A_1397 : vector<16xi32> to vector<1x16xi32>
      tpu.vector_store %arg6[%swap3A_1399, %swap3A_1400], %swap3A_1403 {strides = array<i32>} : memref<16x128xi32, #tpu.memory_space<vmem>>, vector<1x16xi32>,
      %broadcast_in_dim3A_1404 = arith.constant 160 : i32
      %broadcast_in_dim3A_1405 = vector.broadcast %broadcast_in_dim3A_1404 : i32 to vector<16xi32>
      %add3A_1406 = arith.addi %broadcast_in_dim3A_1405, %iota3A : vector<16xi32>
      %mul3A_1407 = arith.constant 200 : i32
      %mul3A_1408 = vector.broadcast %mul3A_1407 : i32 to vector<16xi32>
      %mul3A_1409 = arith.muli %add3A_1406, %mul3A_1408 : vector<16xi32>
      %add3A_1410 = arith.addi %mul3A_1409, %get3A_1377 : vector<16xi32>
      %swap3A_1411 = arith.constant 9 : i32
      %swap3A_1412 = arith.index_cast %swap3A_1411 : i32 to index
      %swap3A_1413 = arith.constant 32 : index
      %swap3A_1414 = tpu.vector_load %arg6[%swap3A_1412, %swap3A_1413] {strides = array<i32>} : memref<16x128xi32, #tpu.memory_space<vmem>>, vector<1x16xi32>,
      %swap3A_1415 = vector.shape_cast %swap3A_1414 : vector<1x16xi32> to vector<16xi32>
      %swap3A_1416 = vector.shape_cast %add3A_1410 : vector<16xi32> to vector<1x16xi32>
      tpu.vector_store %arg6[%swap3A_1412, %swap3A_1413], %swap3A_1416 {strides = array<i32>} : memref<16x128xi32, #tpu.memory_space<vmem>>, vector<1x16xi32>,
      %broadcast_in_dim3A_1417 = arith.constant 176 : i32
      %broadcast_in_dim3A_1418 = vector.broadcast %broadcast_in_dim3A_1417 : i32 to vector<16xi32>
      %add3A_1419 = arith.addi %broadcast_in_dim3A_1418, %iota3A : vector<16xi32>
      %mul3A_1420 = arith.constant 200 : i32
      %mul3A_1421 = vector.broadcast %mul3A_1420 : i32 to vector<16xi32>
      %mul3A_1422 = arith.muli %add3A_1419, %mul3A_1421 : vector<16xi32>
      %add3A_1423 = arith.addi %mul3A_1422, %get3A_1377 : vector<16xi32>
      %swap3A_1424 = arith.constant 9 : i32
      %swap3A_1425 = arith.index_cast %swap3A_1424 : i32 to index
      %swap3A_1426 = arith.constant 48 : index
      %swap3A_1427 = tpu.vector_load %arg6[%swap3A_1425, %swap3A_1426] {strides = array<i32>} : memref<16x128xi32, #tpu.memory_space<vmem>>, vector<1x16xi32>,
      %swap3A_1428 = vector.shape_cast %swap3A_1427 : vector<1x16xi32> to vector<16xi32>
      %swap3A_1429 = vector.shape_cast %add3A_1423 : vector<16xi32> to vector<1x16xi32>
      tpu.vector_store %arg6[%swap3A_1425, %swap3A_1426], %swap3A_1429 {strides = array<i32>} : memref<16x128xi32, #tpu.memory_space<vmem>>, vector<1x16xi32>,
      %broadcast_in_dim3A_1430 = arith.constant 192 : i32
      %broadcast_in_dim3A_1431 = vector.broadcast %broadcast_in_dim3A_1430 : i32 to vector<16xi32>
      %add3A_1432 = arith.addi %broadcast_in_dim3A_1431, %iota3A : vector<16xi32>
      %mul3A_1433 = arith.constant 200 : i32
      %mul3A_1434 = vector.broadcast %mul3A_1433 : i32 to vector<16xi32>
      %mul3A_1435 = arith.muli %add3A_1432, %mul3A_1434 : vector<16xi32>
      %add3A_1436 = arith.addi %mul3A_1435, %get3A_1377 : vector<16xi32>
      %swap3A_1437 = arith.constant 9 : i32
      %swap3A_1438 = arith.index_cast %swap3A_1437 : i32 to index
      %swap3A_1439 = arith.constant 64 : index
      %swap3A_1440 = tpu.vector_load %arg6[%swap3A_1438, %swap3A_1439] {strides = array<i32>} : memref<16x128xi32, #tpu.memory_space<vmem>>, vector<1x16xi32>,
      %swap3A_1441 = vector.shape_cast %swap3A_1440 : vector<1x16xi32> to vector<16xi32>
      %swap3A_1442 = vector.shape_cast %add3A_1436 : vector<16xi32> to vector<1x16xi32>
      tpu.vector_store %arg6[%swap3A_1438, %swap3A_1439], %swap3A_1442 {strides = array<i32>} : memref<16x128xi32, #tpu.memory_space<vmem>>, vector<1x16xi32>,
      %broadcast_in_dim3A_1443 = arith.constant 208 : i32
      %broadcast_in_dim3A_1444 = vector.broadcast %broadcast_in_dim3A_1443 : i32 to vector<16xi32>
      %add3A_1445 = arith.addi %broadcast_in_dim3A_1444, %iota3A : vector<16xi32>
      %mul3A_1446 = arith.constant 200 : i32
      %mul3A_1447 = vector.broadcast %mul3A_1446 : i32 to vector<16xi32>
      %mul3A_1448 = arith.muli %add3A_1445, %mul3A_1447 : vector<16xi32>
      %add3A_1449 = arith.addi %mul3A_1448, %get3A_1377 : vector<16xi32>
      %swap3A_1450 = arith.constant 9 : i32
      %swap3A_1451 = arith.index_cast %swap3A_1450 : i32 to index
      %swap3A_1452 = arith.constant 80 : index
      %swap3A_1453 = tpu.vector_load %arg6[%swap3A_1451, %swap3A_1452] {strides = array<i32>} : memref<16x128xi32, #tpu.memory_space<vmem>>, vector<1x16xi32>,
      %swap3A_1454 = vector.shape_cast %swap3A_1453 : vector<1x16xi32> to vector<16xi32>
      %swap3A_1455 = vector.shape_cast %add3A_1449 : vector<16xi32> to vector<1x16xi32>
      tpu.vector_store %arg6[%swap3A_1451, %swap3A_1452], %swap3A_1455 {strides = array<i32>} : memref<16x128xi32, #tpu.memory_space<vmem>>, vector<1x16xi32>,
      %broadcast_in_dim3A_1456 = arith.constant 224 : i32
      %broadcast_in_dim3A_1457 = vector.broadcast %broadcast_in_dim3A_1456 : i32 to vector<16xi32>
      %add3A_1458 = arith.addi %broadcast_in_dim3A_1457, %iota3A : vector<16xi32>
      %mul3A_1459 = arith.constant 200 : i32
      %mul3A_1460 = vector.broadcast %mul3A_1459 : i32 to vector<16xi32>
      %mul3A_1461 = arith.muli %add3A_1458, %mul3A_1460 : vector<16xi32>
      %add3A_1462 = arith.addi %mul3A_1461, %get3A_1377 : vector<16xi32>
      %swap3A_1463 = arith.constant 9 : i32
      %swap3A_1464 = arith.index_cast %swap3A_1463 : i32 to index
      %swap3A_1465 = arith.constant 96 : index
      %swap3A_1466 = tpu.vector_load %arg6[%swap3A_1464, %swap3A_1465] {strides = array<i32>} : memref<16x128xi32, #tpu.memory_space<vmem>>, vector<1x16xi32>,
      %swap3A_1467 = vector.shape_cast %swap3A_1466 : vector<1x16xi32> to vector<16xi32>
      %swap3A_1468 = vector.shape_cast %add3A_1462 : vector<16xi32> to vector<1x16xi32>
      tpu.vector_store %arg6[%swap3A_1464, %swap3A_1465], %swap3A_1468 {strides = array<i32>} : memref<16x128xi32, #tpu.memory_space<vmem>>, vector<1x16xi32>,
      %broadcast_in_dim3A_1469 = arith.constant 240 : i32
      %broadcast_in_dim3A_1470 = vector.broadcast %broadcast_in_dim3A_1469 : i32 to vector<16xi32>
      %add3A_1471 = arith.addi %broadcast_in_dim3A_1470, %iota3A : vector<16xi32>
      %mul3A_1472 = arith.constant 200 : i32
      %mul3A_1473 = vector.broadcast %mul3A_1472 : i32 to vector<16xi32>
      %mul3A_1474 = arith.muli %add3A_1471, %mul3A_1473 : vector<16xi32>
      %add3A_1475 = arith.addi %mul3A_1474, %get3A_1377 : vector<16xi32>
      %swap3A_1476 = arith.constant 9 : i32
      %swap3A_1477 = arith.index_cast %swap3A_1476 : i32 to index
      %swap3A_1478 = arith.constant 112 : index
      %swap3A_1479 = tpu.vector_load %arg6[%swap3A_1477, %swap3A_1478] {strides = array<i32>} : memref<16x128xi32, #tpu.memory_space<vmem>>, vector<1x16xi32>,
      %swap3A_1480 = vector.shape_cast %swap3A_1479 : vector<1x16xi32> to vector<16xi32>
      %swap3A_1481 = vector.shape_cast %add3A_1475 : vector<16xi32> to vector<1x16xi32>
      tpu.vector_store %arg6[%swap3A_1477, %swap3A_1478], %swap3A_1481 {strides = array<i32>} : memref<16x128xi32, #tpu.memory_space<vmem>>, vector<1x16xi32>,
      %dma_start3A_1482 = arith.constant 9 : i32
      %dma_start3A_1483 = arith.constant 1 : i32
      %dma_start3A_1484 = arith.constant 0 : i32
      %dma_start3A_1485 = arith.constant 0 : i32
      %dma_start3A_1486 = tpu.memref_slice %arg7[%dma_start3A_1483, %dma_start3A_1484, %dma_start3A_1485] : memref<4x128x128xf32, #tpu.memory_space<vmem>> -> memref<1x128x128xf32, #tpu.memory_space<vmem>>
      %dma_start3A_1487 = tpu.memref_squeeze %dma_start3A_1486 : memref<1x128x128xf32, #tpu.memory_space<vmem>> -> memref<128x128xf32, #tpu.memory_space<vmem>>
      %dma_start3A_1488 = arith.constant 0 : i32
      %dma_start3A_1489 = tpu.memref_slice %arg6[%dma_start3A_1482, %dma_start3A_1488] : memref<16x128xi32, #tpu.memory_space<vmem>> -> memref<1x128xi32, #tpu.memory_space<vmem>>
      %dma_start3A_1490 = tpu.memref_squeeze %dma_start3A_1489 : memref<1x128xi32, #tpu.memory_space<vmem>> -> memref<128xi32, #tpu.memory_space<vmem>>
      %dma_start3A_1491 = arith.constant 0 : i32
      %dma_start3A_1492 = arith.constant 0 : i32
      %dma_start3A_1493 = tpu.memref_slice %arg2[%dma_start3A_1491, %dma_start3A_1492] : memref<204800x128xf32, #tpu.memory_space<hbm>> -> memref<204800x128xf32, #tpu.memory_space<hbm>>
      tpu.enqueue_indirect_dma source(%dma_start3A_1493 : memref<204800x128xf32, #tpu.memory_space<hbm>>) target(%dma_start3A_1487 : memref<128x128xf32, #tpu.memory_space<vmem>>) offsets(%dma_start3A_1490 : memref<128xi32, #tpu.memory_space<vmem>>) semaphore(%arg8 : memref<!tpu.dma_semaphore, #tpu.memory_space<semaphore_mem>>)
      %dma_wait3A_1494 = arith.constant 6 : i32
      %dma_wait3A_1495 = arith.constant 2 : i32
      %dma_wait3A_1496 = arith.constant 0 : i32
      %dma_wait3A_1497 = arith.constant 0 : i32
      %dma_wait3A_1498 = tpu.memref_slice %arg7[%dma_wait3A_1495, %dma_wait3A_1496, %dma_wait3A_1497] : memref<4x128x128xf32, #tpu.memory_space<vmem>> -> memref<1x128x128xf32, #tpu.memory_space<vmem>>
      %dma_wait3A_1499 = tpu.memref_squeeze %dma_wait3A_1498 : memref<1x128x128xf32, #tpu.memory_space<vmem>> -> memref<128x128xf32, #tpu.memory_space<vmem>>
      %dma_wait3A_1500 = arith.constant 0 : i32
      %dma_wait3A_1501 = tpu.memref_slice %arg6[%dma_wait3A_1494, %dma_wait3A_1500] : memref<16x128xi32, #tpu.memory_space<vmem>> -> memref<1x128xi32, #tpu.memory_space<vmem>>
      %dma_wait3A_1502 = tpu.memref_squeeze %dma_wait3A_1501 : memref<1x128xi32, #tpu.memory_space<vmem>> -> memref<128xi32, #tpu.memory_space<vmem>>
      %dma_wait3A_1503 = arith.constant 0 : i32
      %dma_wait3A_1504 = arith.constant 0 : i32
      %dma_wait3A_1505 = tpu.memref_slice %arg2[%dma_wait3A_1503, %dma_wait3A_1504] : memref<204800x128xf32, #tpu.memory_space<hbm>> -> memref<204800x128xf32, #tpu.memory_space<hbm>>
      tpu.wait_indirect_dma semaphore(%arg8 : memref<!tpu.dma_semaphore, #tpu.memory_space<semaphore_mem>>) src(%dma_wait3A_1505 : memref<204800x128xf32, #tpu.memory_space<hbm>>) dst(%dma_wait3A_1499 : memref<128x128xf32, #tpu.memory_space<vmem>>)
      %add3A_1506 = arith.constant 0 : i32
      %add3A_1507 = arith.addi %mul3A_4, %add3A_1506 : i32
      %mul3A_1508 = arith.constant 1024 : i32
      %mul3A_1509 = arith.muli %add3A_1507, %mul3A_1508 : i32
      %add3A_1510 = arith.constant 768 : i32
      %add3A_1511 = arith.addi %mul3A_1509, %add3A_1510 : i32
      %dma_start3A_1512 = arith.constant 2 : i32
      %dma_start3A_1513 = arith.constant 0 : i32
      %dma_start3A_1514 = arith.constant 0 : i32
      %dma_start3A_1515 = tpu.memref_slice %arg7[%dma_start3A_1512, %dma_start3A_1513, %dma_start3A_1514] : memref<4x128x128xf32, #tpu.memory_space<vmem>> -> memref<1x128x128xf32, #tpu.memory_space<vmem>>
      %dma_start3A_1516 = tpu.memref_squeeze %dma_start3A_1515 : memref<1x128x128xf32, #tpu.memory_space<vmem>> -> memref<128x128xf32, #tpu.memory_space<vmem>>
      %dma_start3A_1517 = arith.constant 0 : i32
      %dma_start3A_1518 = tpu.memref_slice %arg4[%add3A_1511, %dma_start3A_1517] : memref<51200x128xf32, #tpu.memory_space<hbm>> -> memref<128x128xf32, #tpu.memory_space<hbm>>
      %dma_start3A_1519 = arith.constant 0 : i32
      %dma_start3A_1520 = tpu.memref_slice %arg4[%add3A_1511, %dma_start3A_1519] : memref<51200x128xf32, #tpu.memory_space<hbm>> -> memref<128x128xf32, #tpu.memory_space<hbm>>
      %dma_start3A_1521 = arith.constant 0 : i32
      %dma_start3A_1522 = arith.constant 0 : i32
      %dma_start3A_1523 = tpu.memref_slice %arg7[%dma_start3A_1512, %dma_start3A_1521, %dma_start3A_1522] : memref<4x128x128xf32, #tpu.memory_space<vmem>> -> memref<1x128x128xf32, #tpu.memory_space<vmem>>
      %dma_start3A_1524 = tpu.memref_squeeze %dma_start3A_1523 : memref<1x128x128xf32, #tpu.memory_space<vmem>> -> memref<128x128xf32, #tpu.memory_space<vmem>>
      tpu.enqueue_dma source(%dma_start3A_1524 : memref<128x128xf32, #tpu.memory_space<vmem>>) target(%dma_start3A_1520 : memref<128x128xf32, #tpu.memory_space<hbm>>) target_semaphore(%arg9 : memref<!tpu.dma_semaphore, #tpu.memory_space<semaphore_mem>>)
      %dma_wait3A_1525 = arith.constant 2 : i32
      %dma_wait3A_1526 = arith.constant 0 : i32
      %dma_wait3A_1527 = arith.constant 0 : i32
      %dma_wait3A_1528 = tpu.memref_slice %arg7[%dma_wait3A_1525, %dma_wait3A_1526, %dma_wait3A_1527] : memref<4x128x128xf32, #tpu.memory_space<vmem>> -> memref<1x128x128xf32, #tpu.memory_space<vmem>>
      %dma_wait3A_1529 = tpu.memref_squeeze %dma_wait3A_1528 : memref<1x128x128xf32, #tpu.memory_space<vmem>> -> memref<128x128xf32, #tpu.memory_space<vmem>>
      %dma_wait3A_1530 = arith.constant 0 : i32
      %dma_wait3A_1531 = tpu.memref_slice %arg4[%add3A_1511, %dma_wait3A_1530] : memref<51200x128xf32, #tpu.memory_space<hbm>> -> memref<128x128xf32, #tpu.memory_space<hbm>>
      %dma_wait3A_1532 = arith.constant 0 : i32
      %dma_wait3A_1533 = tpu.memref_slice %arg4[%add3A_1511, %dma_wait3A_1532] : memref<51200x128xf32, #tpu.memory_space<hbm>> -> memref<128x128xf32, #tpu.memory_space<hbm>>
      %dma_wait3A_1534 = arith.constant 0 : i32
      %dma_wait3A_1535 = arith.constant 0 : i32
      %dma_wait3A_1536 = tpu.memref_slice %arg7[%dma_wait3A_1525, %dma_wait3A_1534, %dma_wait3A_1535] : memref<4x128x128xf32, #tpu.memory_space<vmem>> -> memref<1x128x128xf32, #tpu.memory_space<vmem>>
      %dma_wait3A_1537 = tpu.memref_squeeze %dma_wait3A_1536 : memref<1x128x128xf32, #tpu.memory_space<vmem>> -> memref<128x128xf32, #tpu.memory_space<vmem>>
      tpu.wait_dma2 semaphore(%arg9 : memref<!tpu.dma_semaphore, #tpu.memory_space<semaphore_mem>>) src(%dma_wait3A_1537 : memref<128x128xf32, #tpu.memory_space<vmem>>) dst(%dma_wait3A_1533 : memref<128x128xf32, #tpu.memory_space<hbm>>)
      %add3A_1538 = arith.constant 1 : i32
      %add3A_1539 = arith.addi %mul3A_4, %add3A_1538 : i32
      %mul3A_1540 = arith.constant 16 : i32
      %mul3A_1541 = arith.muli %add3A_1539, %mul3A_1540 : i32
      %get3A_1542 = arith.index_cast %mul3A_1541 : i32 to index
      %get3A_1543 = tpu.vector_load %arg5[%get3A_1542] {strides = array<i32>} : memref<800xi32, #tpu.memory_space<vmem>>, vector<16xi32>,
      %get3A_1544 = vector.shape_cast %get3A_1543 : vector<16xi32> to vector<16xi32>
      %broadcast_in_dim3A_1545 = arith.constant 256 : i32
      %broadcast_in_dim3A_1546 = vector.broadcast %broadcast_in_dim3A_1545 : i32 to vector<16xi32>
      %add3A_1547 = arith.addi %broadcast_in_dim3A_1546, %iota3A : vector<16xi32>
      %mul3A_1548 = arith.constant 200 : i32
      %mul3A_1549 = vector.broadcast %mul3A_1548 : i32 to vector<16xi32>
      %mul3A_1550 = arith.muli %add3A_1547, %mul3A_1549 : vector<16xi32>
      %add3A_1551 = arith.addi %mul3A_1550, %get3A_1544 : vector<16xi32>
      %swap3A_1552 = arith.constant 10 : i32
      %swap3A_1553 = arith.index_cast %swap3A_1552 : i32 to index
      %swap3A_1554 = arith.constant 0 : index
      %swap3A_1555 = tpu.vector_load %arg6[%swap3A_1553, %swap3A_1554] {strides = array<i32>} : memref<16x128xi32, #tpu.memory_space<vmem>>, vector<1x16xi32>,
      %swap3A_1556 = vector.shape_cast %swap3A_1555 : vector<1x16xi32> to vector<16xi32>
      %swap3A_1557 = vector.shape_cast %add3A_1551 : vector<16xi32> to vector<1x16xi32>
      tpu.vector_store %arg6[%swap3A_1553, %swap3A_1554], %swap3A_1557 {strides = array<i32>} : memref<16x128xi32, #tpu.memory_space<vmem>>, vector<1x16xi32>,
      %broadcast_in_dim3A_1558 = arith.constant 272 : i32
      %broadcast_in_dim3A_1559 = vector.broadcast %broadcast_in_dim3A_1558 : i32 to vector<16xi32>
      %add3A_1560 = arith.addi %broadcast_in_dim3A_1559, %iota3A : vector<16xi32>
      %mul3A_1561 = arith.constant 200 : i32
      %mul3A_1562 = vector.broadcast %mul3A_1561 : i32 to vector<16xi32>
      %mul3A_1563 = arith.muli %add3A_1560, %mul3A_1562 : vector<16xi32>
      %add3A_1564 = arith.addi %mul3A_1563, %get3A_1544 : vector<16xi32>
      %swap3A_1565 = arith.constant 10 : i32
      %swap3A_1566 = arith.index_cast %swap3A_1565 : i32 to index
      %swap3A_1567 = arith.constant 16 : index
      %swap3A_1568 = tpu.vector_load %arg6[%swap3A_1566, %swap3A_1567] {strides = array<i32>} : memref<16x128xi32, #tpu.memory_space<vmem>>, vector<1x16xi32>,
      %swap3A_1569 = vector.shape_cast %swap3A_1568 : vector<1x16xi32> to vector<16xi32>
      %swap3A_1570 = vector.shape_cast %add3A_1564 : vector<16xi32> to vector<1x16xi32>
      tpu.vector_store %arg6[%swap3A_1566, %swap3A_1567], %swap3A_1570 {strides = array<i32>} : memref<16x128xi32, #tpu.memory_space<vmem>>, vector<1x16xi32>,
      %broadcast_in_dim3A_1571 = arith.constant 288 : i32
      %broadcast_in_dim3A_1572 = vector.broadcast %broadcast_in_dim3A_1571 : i32 to vector<16xi32>
      %add3A_1573 = arith.addi %broadcast_in_dim3A_1572, %iota3A : vector<16xi32>
      %mul3A_1574 = arith.constant 200 : i32
      %mul3A_1575 = vector.broadcast %mul3A_1574 : i32 to vector<16xi32>
      %mul3A_1576 = arith.muli %add3A_1573, %mul3A_1575 : vector<16xi32>
      %add3A_1577 = arith.addi %mul3A_1576, %get3A_1544 : vector<16xi32>
      %swap3A_1578 = arith.constant 10 : i32
      %swap3A_1579 = arith.index_cast %swap3A_1578 : i32 to index
      %swap3A_1580 = arith.constant 32 : index
      %swap3A_1581 = tpu.vector_load %arg6[%swap3A_1579, %swap3A_1580] {strides = array<i32>} : memref<16x128xi32, #tpu.memory_space<vmem>>, vector<1x16xi32>,
      %swap3A_1582 = vector.shape_cast %swap3A_1581 : vector<1x16xi32> to vector<16xi32>
      %swap3A_1583 = vector.shape_cast %add3A_1577 : vector<16xi32> to vector<1x16xi32>
      tpu.vector_store %arg6[%swap3A_1579, %swap3A_1580], %swap3A_1583 {strides = array<i32>} : memref<16x128xi32, #tpu.memory_space<vmem>>, vector<1x16xi32>,
      %broadcast_in_dim3A_1584 = arith.constant 304 : i32
      %broadcast_in_dim3A_1585 = vector.broadcast %broadcast_in_dim3A_1584 : i32 to vector<16xi32>
      %add3A_1586 = arith.addi %broadcast_in_dim3A_1585, %iota3A : vector<16xi32>
      %mul3A_1587 = arith.constant 200 : i32
      %mul3A_1588 = vector.broadcast %mul3A_1587 : i32 to vector<16xi32>
      %mul3A_1589 = arith.muli %add3A_1586, %mul3A_1588 : vector<16xi32>
      %add3A_1590 = arith.addi %mul3A_1589, %get3A_1544 : vector<16xi32>
      %swap3A_1591 = arith.constant 10 : i32
      %swap3A_1592 = arith.index_cast %swap3A_1591 : i32 to index
      %swap3A_1593 = arith.constant 48 : index
      %swap3A_1594 = tpu.vector_load %arg6[%swap3A_1592, %swap3A_1593] {strides = array<i32>} : memref<16x128xi32, #tpu.memory_space<vmem>>, vector<1x16xi32>,
      %swap3A_1595 = vector.shape_cast %swap3A_1594 : vector<1x16xi32> to vector<16xi32>
      %swap3A_1596 = vector.shape_cast %add3A_1590 : vector<16xi32> to vector<1x16xi32>
      tpu.vector_store %arg6[%swap3A_1592, %swap3A_1593], %swap3A_1596 {strides = array<i32>} : memref<16x128xi32, #tpu.memory_space<vmem>>, vector<1x16xi32>,
      %broadcast_in_dim3A_1597 = arith.constant 320 : i32
      %broadcast_in_dim3A_1598 = vector.broadcast %broadcast_in_dim3A_1597 : i32 to vector<16xi32>
      %add3A_1599 = arith.addi %broadcast_in_dim3A_1598, %iota3A : vector<16xi32>
      %mul3A_1600 = arith.constant 200 : i32
      %mul3A_1601 = vector.broadcast %mul3A_1600 : i32 to vector<16xi32>
      %mul3A_1602 = arith.muli %add3A_1599, %mul3A_1601 : vector<16xi32>
      %add3A_1603 = arith.addi %mul3A_1602, %get3A_1544 : vector<16xi32>
      %swap3A_1604 = arith.constant 10 : i32
      %swap3A_1605 = arith.index_cast %swap3A_1604 : i32 to index
      %swap3A_1606 = arith.constant 64 : index
      %swap3A_1607 = tpu.vector_load %arg6[%swap3A_1605, %swap3A_1606] {strides = array<i32>} : memref<16x128xi32, #tpu.memory_space<vmem>>, vector<1x16xi32>,
      %swap3A_1608 = vector.shape_cast %swap3A_1607 : vector<1x16xi32> to vector<16xi32>
      %swap3A_1609 = vector.shape_cast %add3A_1603 : vector<16xi32> to vector<1x16xi32>
      tpu.vector_store %arg6[%swap3A_1605, %swap3A_1606], %swap3A_1609 {strides = array<i32>} : memref<16x128xi32, #tpu.memory_space<vmem>>, vector<1x16xi32>,
      %broadcast_in_dim3A_1610 = arith.constant 336 : i32
      %broadcast_in_dim3A_1611 = vector.broadcast %broadcast_in_dim3A_1610 : i32 to vector<16xi32>
      %add3A_1612 = arith.addi %broadcast_in_dim3A_1611, %iota3A : vector<16xi32>
      %mul3A_1613 = arith.constant 200 : i32
      %mul3A_1614 = vector.broadcast %mul3A_1613 : i32 to vector<16xi32>
      %mul3A_1615 = arith.muli %add3A_1612, %mul3A_1614 : vector<16xi32>
      %add3A_1616 = arith.addi %mul3A_1615, %get3A_1544 : vector<16xi32>
      %swap3A_1617 = arith.constant 10 : i32
      %swap3A_1618 = arith.index_cast %swap3A_1617 : i32 to index
      %swap3A_1619 = arith.constant 80 : index
      %swap3A_1620 = tpu.vector_load %arg6[%swap3A_1618, %swap3A_1619] {strides = array<i32>} : memref<16x128xi32, #tpu.memory_space<vmem>>, vector<1x16xi32>,
      %swap3A_1621 = vector.shape_cast %swap3A_1620 : vector<1x16xi32> to vector<16xi32>
      %swap3A_1622 = vector.shape_cast %add3A_1616 : vector<16xi32> to vector<1x16xi32>
      tpu.vector_store %arg6[%swap3A_1618, %swap3A_1619], %swap3A_1622 {strides = array<i32>} : memref<16x128xi32, #tpu.memory_space<vmem>>, vector<1x16xi32>,
      %broadcast_in_dim3A_1623 = arith.constant 352 : i32
      %broadcast_in_dim3A_1624 = vector.broadcast %broadcast_in_dim3A_1623 : i32 to vector<16xi32>
      %add3A_1625 = arith.addi %broadcast_in_dim3A_1624, %iota3A : vector<16xi32>
      %mul3A_1626 = arith.constant 200 : i32
      %mul3A_1627 = vector.broadcast %mul3A_1626 : i32 to vector<16xi32>
      %mul3A_1628 = arith.muli %add3A_1625, %mul3A_1627 : vector<16xi32>
      %add3A_1629 = arith.addi %mul3A_1628, %get3A_1544 : vector<16xi32>
      %swap3A_1630 = arith.constant 10 : i32
      %swap3A_1631 = arith.index_cast %swap3A_1630 : i32 to index
      %swap3A_1632 = arith.constant 96 : index
      %swap3A_1633 = tpu.vector_load %arg6[%swap3A_1631, %swap3A_1632] {strides = array<i32>} : memref<16x128xi32, #tpu.memory_space<vmem>>, vector<1x16xi32>,
      %swap3A_1634 = vector.shape_cast %swap3A_1633 : vector<1x16xi32> to vector<16xi32>
      %swap3A_1635 = vector.shape_cast %add3A_1629 : vector<16xi32> to vector<1x16xi32>
      tpu.vector_store %arg6[%swap3A_1631, %swap3A_1632], %swap3A_1635 {strides = array<i32>} : memref<16x128xi32, #tpu.memory_space<vmem>>, vector<1x16xi32>,
      %broadcast_in_dim3A_1636 = arith.constant 368 : i32
      %broadcast_in_dim3A_1637 = vector.broadcast %broadcast_in_dim3A_1636 : i32 to vector<16xi32>
      %add3A_1638 = arith.addi %broadcast_in_dim3A_1637, %iota3A : vector<16xi32>
      %mul3A_1639 = arith.constant 200 : i32
      %mul3A_1640 = vector.broadcast %mul3A_1639 : i32 to vector<16xi32>
      %mul3A_1641 = arith.muli %add3A_1638, %mul3A_1640 : vector<16xi32>
      %add3A_1642 = arith.addi %mul3A_1641, %get3A_1544 : vector<16xi32>
      %swap3A_1643 = arith.constant 10 : i32
      %swap3A_1644 = arith.index_cast %swap3A_1643 : i32 to index
      %swap3A_1645 = arith.constant 112 : index
      %swap3A_1646 = tpu.vector_load %arg6[%swap3A_1644, %swap3A_1645] {strides = array<i32>} : memref<16x128xi32, #tpu.memory_space<vmem>>, vector<1x16xi32>,
      %swap3A_1647 = vector.shape_cast %swap3A_1646 : vector<1x16xi32> to vector<16xi32>
      %swap3A_1648 = vector.shape_cast %add3A_1642 : vector<16xi32> to vector<1x16xi32>
      tpu.vector_store %arg6[%swap3A_1644, %swap3A_1645], %swap3A_1648 {strides = array<i32>} : memref<16x128xi32, #tpu.memory_space<vmem>>, vector<1x16xi32>,
      %dma_start3A_1649 = arith.constant 10 : i32
      %dma_start3A_1650 = arith.constant 2 : i32
      %dma_start3A_1651 = arith.constant 0 : i32
      %dma_start3A_1652 = arith.constant 0 : i32
      %dma_start3A_1653 = tpu.memref_slice %arg7[%dma_start3A_1650, %dma_start3A_1651, %dma_start3A_1652] : memref<4x128x128xf32, #tpu.memory_space<vmem>> -> memref<1x128x128xf32, #tpu.memory_space<vmem>>
      %dma_start3A_1654 = tpu.memref_squeeze %dma_start3A_1653 : memref<1x128x128xf32, #tpu.memory_space<vmem>> -> memref<128x128xf32, #tpu.memory_space<vmem>>
      %dma_start3A_1655 = arith.constant 0 : i32
      %dma_start3A_1656 = tpu.memref_slice %arg6[%dma_start3A_1649, %dma_start3A_1655] : memref<16x128xi32, #tpu.memory_space<vmem>> -> memref<1x128xi32, #tpu.memory_space<vmem>>
      %dma_start3A_1657 = tpu.memref_squeeze %dma_start3A_1656 : memref<1x128xi32, #tpu.memory_space<vmem>> -> memref<128xi32, #tpu.memory_space<vmem>>
      %dma_start3A_1658 = arith.constant 0 : i32
      %dma_start3A_1659 = arith.constant 0 : i32
      %dma_start3A_1660 = tpu.memref_slice %arg2[%dma_start3A_1658, %dma_start3A_1659] : memref<204800x128xf32, #tpu.memory_space<hbm>> -> memref<204800x128xf32, #tpu.memory_space<hbm>>
      tpu.enqueue_indirect_dma source(%dma_start3A_1660 : memref<204800x128xf32, #tpu.memory_space<hbm>>) target(%dma_start3A_1654 : memref<128x128xf32, #tpu.memory_space<vmem>>) offsets(%dma_start3A_1657 : memref<128xi32, #tpu.memory_space<vmem>>) semaphore(%arg8 : memref<!tpu.dma_semaphore, #tpu.memory_space<semaphore_mem>>)
      %dma_wait3A_1661 = arith.constant 7 : i32
      %dma_wait3A_1662 = arith.constant 3 : i32
      %dma_wait3A_1663 = arith.constant 0 : i32
      %dma_wait3A_1664 = arith.constant 0 : i32
      %dma_wait3A_1665 = tpu.memref_slice %arg7[%dma_wait3A_1662, %dma_wait3A_1663, %dma_wait3A_1664] : memref<4x128x128xf32, #tpu.memory_space<vmem>> -> memref<1x128x128xf32, #tpu.memory_space<vmem>>
      %dma_wait3A_1666 = tpu.memref_squeeze %dma_wait3A_1665 : memref<1x128x128xf32, #tpu.memory_space<vmem>> -> memref<128x128xf32, #tpu.memory_space<vmem>>
      %dma_wait3A_1667 = arith.constant 0 : i32
      %dma_wait3A_1668 = tpu.memref_slice %arg6[%dma_wait3A_1661, %dma_wait3A_1667] : memref<16x128xi32, #tpu.memory_space<vmem>> -> memref<1x128xi32, #tpu.memory_space<vmem>>
      %dma_wait3A_1669 = tpu.memref_squeeze %dma_wait3A_1668 : memref<1x128xi32, #tpu.memory_space<vmem>> -> memref<128xi32, #tpu.memory_space<vmem>>
      %dma_wait3A_1670 = arith.constant 0 : i32
      %dma_wait3A_1671 = arith.constant 0 : i32
      %dma_wait3A_1672 = tpu.memref_slice %arg2[%dma_wait3A_1670, %dma_wait3A_1671] : memref<204800x128xf32, #tpu.memory_space<hbm>> -> memref<204800x128xf32, #tpu.memory_space<hbm>>
      tpu.wait_indirect_dma semaphore(%arg8 : memref<!tpu.dma_semaphore, #tpu.memory_space<semaphore_mem>>) src(%dma_wait3A_1672 : memref<204800x128xf32, #tpu.memory_space<hbm>>) dst(%dma_wait3A_1666 : memref<128x128xf32, #tpu.memory_space<vmem>>)
      %add3A_1673 = arith.constant 0 : i32
      %add3A_1674 = arith.addi %mul3A_4, %add3A_1673 : i32
      %mul3A_1675 = arith.constant 1024 : i32
      %mul3A_1676 = arith.muli %add3A_1674, %mul3A_1675 : i32
      %add3A_1677 = arith.constant 896 : i32
      %add3A_1678 = arith.addi %mul3A_1676, %add3A_1677 : i32
      %dma_start3A_1679 = arith.constant 3 : i32
      %dma_start3A_1680 = arith.constant 0 : i32
      %dma_start3A_1681 = arith.constant 0 : i32
      %dma_start3A_1682 = tpu.memref_slice %arg7[%dma_start3A_1679, %dma_start3A_1680, %dma_start3A_1681] : memref<4x128x128xf32, #tpu.memory_space<vmem>> -> memref<1x128x128xf32, #tpu.memory_space<vmem>>
      %dma_start3A_1683 = tpu.memref_squeeze %dma_start3A_1682 : memref<1x128x128xf32, #tpu.memory_space<vmem>> -> memref<128x128xf32, #tpu.memory_space<vmem>>
      %dma_start3A_1684 = arith.constant 0 : i32
      %dma_start3A_1685 = tpu.memref_slice %arg4[%add3A_1678, %dma_start3A_1684] : memref<51200x128xf32, #tpu.memory_space<hbm>> -> memref<128x128xf32, #tpu.memory_space<hbm>>
      %dma_start3A_1686 = arith.constant 0 : i32
      %dma_start3A_1687 = tpu.memref_slice %arg4[%add3A_1678, %dma_start3A_1686] : memref<51200x128xf32, #tpu.memory_space<hbm>> -> memref<128x128xf32, #tpu.memory_space<hbm>>
      %dma_start3A_1688 = arith.constant 0 : i32
      %dma_start3A_1689 = arith.constant 0 : i32
      %dma_start3A_1690 = tpu.memref_slice %arg7[%dma_start3A_1679, %dma_start3A_1688, %dma_start3A_1689] : memref<4x128x128xf32, #tpu.memory_space<vmem>> -> memref<1x128x128xf32, #tpu.memory_space<vmem>>
      %dma_start3A_1691 = tpu.memref_squeeze %dma_start3A_1690 : memref<1x128x128xf32, #tpu.memory_space<vmem>> -> memref<128x128xf32, #tpu.memory_space<vmem>>
      tpu.enqueue_dma source(%dma_start3A_1691 : memref<128x128xf32, #tpu.memory_space<vmem>>) target(%dma_start3A_1687 : memref<128x128xf32, #tpu.memory_space<hbm>>) target_semaphore(%arg9 : memref<!tpu.dma_semaphore, #tpu.memory_space<semaphore_mem>>)
      %dma_wait3A_1692 = arith.constant 3 : i32
      %dma_wait3A_1693 = arith.constant 0 : i32
      %dma_wait3A_1694 = arith.constant 0 : i32
      %dma_wait3A_1695 = tpu.memref_slice %arg7[%dma_wait3A_1692, %dma_wait3A_1693, %dma_wait3A_1694] : memref<4x128x128xf32, #tpu.memory_space<vmem>> -> memref<1x128x128xf32, #tpu.memory_space<vmem>>
      %dma_wait3A_1696 = tpu.memref_squeeze %dma_wait3A_1695 : memref<1x128x128xf32, #tpu.memory_space<vmem>> -> memref<128x128xf32, #tpu.memory_space<vmem>>
      %dma_wait3A_1697 = arith.constant 0 : i32
      %dma_wait3A_1698 = tpu.memref_slice %arg4[%add3A_1678, %dma_wait3A_1697] : memref<51200x128xf32, #tpu.memory_space<hbm>> -> memref<128x128xf32, #tpu.memory_space<hbm>>
      %dma_wait3A_1699 = arith.constant 0 : i32
      %dma_wait3A_1700 = tpu.memref_slice %arg4[%add3A_1678, %dma_wait3A_1699] : memref<51200x128xf32, #tpu.memory_space<hbm>> -> memref<128x128xf32, #tpu.memory_space<hbm>>
      %dma_wait3A_1701 = arith.constant 0 : i32
      %dma_wait3A_1702 = arith.constant 0 : i32
      %dma_wait3A_1703 = tpu.memref_slice %arg7[%dma_wait3A_1692, %dma_wait3A_1701, %dma_wait3A_1702] : memref<4x128x128xf32, #tpu.memory_space<vmem>> -> memref<1x128x128xf32, #tpu.memory_space<vmem>>
      %dma_wait3A_1704 = tpu.memref_squeeze %dma_wait3A_1703 : memref<1x128x128xf32, #tpu.memory_space<vmem>> -> memref<128x128xf32, #tpu.memory_space<vmem>>
      tpu.wait_dma2 semaphore(%arg9 : memref<!tpu.dma_semaphore, #tpu.memory_space<semaphore_mem>>) src(%dma_wait3A_1704 : memref<128x128xf32, #tpu.memory_space<vmem>>) dst(%dma_wait3A_1700 : memref<128x128xf32, #tpu.memory_space<hbm>>)
      %add3A_1705 = arith.constant 1 : i32
      %add3A_1706 = arith.addi %mul3A_4, %add3A_1705 : i32
      %mul3A_1707 = arith.constant 16 : i32
      %mul3A_1708 = arith.muli %add3A_1706, %mul3A_1707 : i32
      %get3A_1709 = arith.index_cast %mul3A_1708 : i32 to index
      %get3A_1710 = tpu.vector_load %arg5[%get3A_1709] {strides = array<i32>} : memref<800xi32, #tpu.memory_space<vmem>>, vector<16xi32>,
      %get3A_1711 = vector.shape_cast %get3A_1710 : vector<16xi32> to vector<16xi32>
      %broadcast_in_dim3A_1712 = arith.constant 384 : i32
      %broadcast_in_dim3A_1713 = vector.broadcast %broadcast_in_dim3A_1712 : i32 to vector<16xi32>
      %add3A_1714 = arith.addi %broadcast_in_dim3A_1713, %iota3A : vector<16xi32>
      %mul3A_1715 = arith.constant 200 : i32
      %mul3A_1716 = vector.broadcast %mul3A_1715 : i32 to vector<16xi32>
      %mul3A_1717 = arith.muli %add3A_1714, %mul3A_1716 : vector<16xi32>
      %add3A_1718 = arith.addi %mul3A_1717, %get3A_1711 : vector<16xi32>
      %swap3A_1719 = arith.constant 11 : i32
      %swap3A_1720 = arith.index_cast %swap3A_1719 : i32 to index
      %swap3A_1721 = arith.constant 0 : index
      %swap3A_1722 = tpu.vector_load %arg6[%swap3A_1720, %swap3A_1721] {strides = array<i32>} : memref<16x128xi32, #tpu.memory_space<vmem>>, vector<1x16xi32>,
      %swap3A_1723 = vector.shape_cast %swap3A_1722 : vector<1x16xi32> to vector<16xi32>
      %swap3A_1724 = vector.shape_cast %add3A_1718 : vector<16xi32> to vector<1x16xi32>
      tpu.vector_store %arg6[%swap3A_1720, %swap3A_1721], %swap3A_1724 {strides = array<i32>} : memref<16x128xi32, #tpu.memory_space<vmem>>, vector<1x16xi32>,
      %broadcast_in_dim3A_1725 = arith.constant 400 : i32
      %broadcast_in_dim3A_1726 = vector.broadcast %broadcast_in_dim3A_1725 : i32 to vector<16xi32>
      %add3A_1727 = arith.addi %broadcast_in_dim3A_1726, %iota3A : vector<16xi32>
      %mul3A_1728 = arith.constant 200 : i32
      %mul3A_1729 = vector.broadcast %mul3A_1728 : i32 to vector<16xi32>
      %mul3A_1730 = arith.muli %add3A_1727, %mul3A_1729 : vector<16xi32>
      %add3A_1731 = arith.addi %mul3A_1730, %get3A_1711 : vector<16xi32>
      %swap3A_1732 = arith.constant 11 : i32
      %swap3A_1733 = arith.index_cast %swap3A_1732 : i32 to index
      %swap3A_1734 = arith.constant 16 : index
      %swap3A_1735 = tpu.vector_load %arg6[%swap3A_1733, %swap3A_1734] {strides = array<i32>} : memref<16x128xi32, #tpu.memory_space<vmem>>, vector<1x16xi32>,
      %swap3A_1736 = vector.shape_cast %swap3A_1735 : vector<1x16xi32> to vector<16xi32>
      %swap3A_1737 = vector.shape_cast %add3A_1731 : vector<16xi32> to vector<1x16xi32>
      tpu.vector_store %arg6[%swap3A_1733, %swap3A_1734], %swap3A_1737 {strides = array<i32>} : memref<16x128xi32, #tpu.memory_space<vmem>>, vector<1x16xi32>,
      %broadcast_in_dim3A_1738 = arith.constant 416 : i32
      %broadcast_in_dim3A_1739 = vector.broadcast %broadcast_in_dim3A_1738 : i32 to vector<16xi32>
      %add3A_1740 = arith.addi %broadcast_in_dim3A_1739, %iota3A : vector<16xi32>
      %mul3A_1741 = arith.constant 200 : i32
      %mul3A_1742 = vector.broadcast %mul3A_1741 : i32 to vector<16xi32>
      %mul3A_1743 = arith.muli %add3A_1740, %mul3A_1742 : vector<16xi32>
      %add3A_1744 = arith.addi %mul3A_1743, %get3A_1711 : vector<16xi32>
      %swap3A_1745 = arith.constant 11 : i32
      %swap3A_1746 = arith.index_cast %swap3A_1745 : i32 to index
      %swap3A_1747 = arith.constant 32 : index
      %swap3A_1748 = tpu.vector_load %arg6[%swap3A_1746, %swap3A_1747] {strides = array<i32>} : memref<16x128xi32, #tpu.memory_space<vmem>>, vector<1x16xi32>,
      %swap3A_1749 = vector.shape_cast %swap3A_1748 : vector<1x16xi32> to vector<16xi32>
      %swap3A_1750 = vector.shape_cast %add3A_1744 : vector<16xi32> to vector<1x16xi32>
      tpu.vector_store %arg6[%swap3A_1746, %swap3A_1747], %swap3A_1750 {strides = array<i32>} : memref<16x128xi32, #tpu.memory_space<vmem>>, vector<1x16xi32>,
      %broadcast_in_dim3A_1751 = arith.constant 432 : i32
      %broadcast_in_dim3A_1752 = vector.broadcast %broadcast_in_dim3A_1751 : i32 to vector<16xi32>
      %add3A_1753 = arith.addi %broadcast_in_dim3A_1752, %iota3A : vector<16xi32>
      %mul3A_1754 = arith.constant 200 : i32
      %mul3A_1755 = vector.broadcast %mul3A_1754 : i32 to vector<16xi32>
      %mul3A_1756 = arith.muli %add3A_1753, %mul3A_1755 : vector<16xi32>
      %add3A_1757 = arith.addi %mul3A_1756, %get3A_1711 : vector<16xi32>
      %swap3A_1758 = arith.constant 11 : i32
      %swap3A_1759 = arith.index_cast %swap3A_1758 : i32 to index
      %swap3A_1760 = arith.constant 48 : index
      %swap3A_1761 = tpu.vector_load %arg6[%swap3A_1759, %swap3A_1760] {strides = array<i32>} : memref<16x128xi32, #tpu.memory_space<vmem>>, vector<1x16xi32>,
      %swap3A_1762 = vector.shape_cast %swap3A_1761 : vector<1x16xi32> to vector<16xi32>
      %swap3A_1763 = vector.shape_cast %add3A_1757 : vector<16xi32> to vector<1x16xi32>
      tpu.vector_store %arg6[%swap3A_1759, %swap3A_1760], %swap3A_1763 {strides = array<i32>} : memref<16x128xi32, #tpu.memory_space<vmem>>, vector<1x16xi32>,
      %broadcast_in_dim3A_1764 = arith.constant 448 : i32
      %broadcast_in_dim3A_1765 = vector.broadcast %broadcast_in_dim3A_1764 : i32 to vector<16xi32>
      %add3A_1766 = arith.addi %broadcast_in_dim3A_1765, %iota3A : vector<16xi32>
      %mul3A_1767 = arith.constant 200 : i32
      %mul3A_1768 = vector.broadcast %mul3A_1767 : i32 to vector<16xi32>
      %mul3A_1769 = arith.muli %add3A_1766, %mul3A_1768 : vector<16xi32>
      %add3A_1770 = arith.addi %mul3A_1769, %get3A_1711 : vector<16xi32>
      %swap3A_1771 = arith.constant 11 : i32
      %swap3A_1772 = arith.index_cast %swap3A_1771 : i32 to index
      %swap3A_1773 = arith.constant 64 : index
      %swap3A_1774 = tpu.vector_load %arg6[%swap3A_1772, %swap3A_1773] {strides = array<i32>} : memref<16x128xi32, #tpu.memory_space<vmem>>, vector<1x16xi32>,
      %swap3A_1775 = vector.shape_cast %swap3A_1774 : vector<1x16xi32> to vector<16xi32>
      %swap3A_1776 = vector.shape_cast %add3A_1770 : vector<16xi32> to vector<1x16xi32>
      tpu.vector_store %arg6[%swap3A_1772, %swap3A_1773], %swap3A_1776 {strides = array<i32>} : memref<16x128xi32, #tpu.memory_space<vmem>>, vector<1x16xi32>,
      %broadcast_in_dim3A_1777 = arith.constant 464 : i32
      %broadcast_in_dim3A_1778 = vector.broadcast %broadcast_in_dim3A_1777 : i32 to vector<16xi32>
      %add3A_1779 = arith.addi %broadcast_in_dim3A_1778, %iota3A : vector<16xi32>
      %mul3A_1780 = arith.constant 200 : i32
      %mul3A_1781 = vector.broadcast %mul3A_1780 : i32 to vector<16xi32>
      %mul3A_1782 = arith.muli %add3A_1779, %mul3A_1781 : vector<16xi32>
      %add3A_1783 = arith.addi %mul3A_1782, %get3A_1711 : vector<16xi32>
      %swap3A_1784 = arith.constant 11 : i32
      %swap3A_1785 = arith.index_cast %swap3A_1784 : i32 to index
      %swap3A_1786 = arith.constant 80 : index
      %swap3A_1787 = tpu.vector_load %arg6[%swap3A_1785, %swap3A_1786] {strides = array<i32>} : memref<16x128xi32, #tpu.memory_space<vmem>>, vector<1x16xi32>,
      %swap3A_1788 = vector.shape_cast %swap3A_1787 : vector<1x16xi32> to vector<16xi32>
      %swap3A_1789 = vector.shape_cast %add3A_1783 : vector<16xi32> to vector<1x16xi32>
      tpu.vector_store %arg6[%swap3A_1785, %swap3A_1786], %swap3A_1789 {strides = array<i32>} : memref<16x128xi32, #tpu.memory_space<vmem>>, vector<1x16xi32>,
      %broadcast_in_dim3A_1790 = arith.constant 480 : i32
      %broadcast_in_dim3A_1791 = vector.broadcast %broadcast_in_dim3A_1790 : i32 to vector<16xi32>
      %add3A_1792 = arith.addi %broadcast_in_dim3A_1791, %iota3A : vector<16xi32>
      %mul3A_1793 = arith.constant 200 : i32
      %mul3A_1794 = vector.broadcast %mul3A_1793 : i32 to vector<16xi32>
      %mul3A_1795 = arith.muli %add3A_1792, %mul3A_1794 : vector<16xi32>
      %add3A_1796 = arith.addi %mul3A_1795, %get3A_1711 : vector<16xi32>
      %swap3A_1797 = arith.constant 11 : i32
      %swap3A_1798 = arith.index_cast %swap3A_1797 : i32 to index
      %swap3A_1799 = arith.constant 96 : index
      %swap3A_1800 = tpu.vector_load %arg6[%swap3A_1798, %swap3A_1799] {strides = array<i32>} : memref<16x128xi32, #tpu.memory_space<vmem>>, vector<1x16xi32>,
      %swap3A_1801 = vector.shape_cast %swap3A_1800 : vector<1x16xi32> to vector<16xi32>
      %swap3A_1802 = vector.shape_cast %add3A_1796 : vector<16xi32> to vector<1x16xi32>
      tpu.vector_store %arg6[%swap3A_1798, %swap3A_1799], %swap3A_1802 {strides = array<i32>} : memref<16x128xi32, #tpu.memory_space<vmem>>, vector<1x16xi32>,
      %broadcast_in_dim3A_1803 = arith.constant 496 : i32
      %broadcast_in_dim3A_1804 = vector.broadcast %broadcast_in_dim3A_1803 : i32 to vector<16xi32>
      %add3A_1805 = arith.addi %broadcast_in_dim3A_1804, %iota3A : vector<16xi32>
      %mul3A_1806 = arith.constant 200 : i32
      %mul3A_1807 = vector.broadcast %mul3A_1806 : i32 to vector<16xi32>
      %mul3A_1808 = arith.muli %add3A_1805, %mul3A_1807 : vector<16xi32>
      %add3A_1809 = arith.addi %mul3A_1808, %get3A_1711 : vector<16xi32>
      %swap3A_1810 = arith.constant 11 : i32
      %swap3A_1811 = arith.index_cast %swap3A_1810 : i32 to index
      %swap3A_1812 = arith.constant 112 : index
      %swap3A_1813 = tpu.vector_load %arg6[%swap3A_1811, %swap3A_1812] {strides = array<i32>} : memref<16x128xi32, #tpu.memory_space<vmem>>, vector<1x16xi32>,
      %swap3A_1814 = vector.shape_cast %swap3A_1813 : vector<1x16xi32> to vector<16xi32>
      %swap3A_1815 = vector.shape_cast %add3A_1809 : vector<16xi32> to vector<1x16xi32>
      tpu.vector_store %arg6[%swap3A_1811, %swap3A_1812], %swap3A_1815 {strides = array<i32>} : memref<16x128xi32, #tpu.memory_space<vmem>>, vector<1x16xi32>,
      %dma_start3A_1816 = arith.constant 11 : i32
      %dma_start3A_1817 = arith.constant 3 : i32
      %dma_start3A_1818 = arith.constant 0 : i32
      %dma_start3A_1819 = arith.constant 0 : i32
      %dma_start3A_1820 = tpu.memref_slice %arg7[%dma_start3A_1817, %dma_start3A_1818, %dma_start3A_1819] : memref<4x128x128xf32, #tpu.memory_space<vmem>> -> memref<1x128x128xf32, #tpu.memory_space<vmem>>
      %dma_start3A_1821 = tpu.memref_squeeze %dma_start3A_1820 : memref<1x128x128xf32, #tpu.memory_space<vmem>> -> memref<128x128xf32, #tpu.memory_space<vmem>>
      %dma_start3A_1822 = arith.constant 0 : i32
      %dma_start3A_1823 = tpu.memref_slice %arg6[%dma_start3A_1816, %dma_start3A_1822] : memref<16x128xi32, #tpu.memory_space<vmem>> -> memref<1x128xi32, #tpu.memory_space<vmem>>
      %dma_start3A_1824 = tpu.memref_squeeze %dma_start3A_1823 : memref<1x128xi32, #tpu.memory_space<vmem>> -> memref<128xi32, #tpu.memory_space<vmem>>
      %dma_start3A_1825 = arith.constant 0 : i32
      %dma_start3A_1826 = arith.constant 0 : i32
      %dma_start3A_1827 = tpu.memref_slice %arg2[%dma_start3A_1825, %dma_start3A_1826] : memref<204800x128xf32, #tpu.memory_space<hbm>> -> memref<204800x128xf32, #tpu.memory_space<hbm>>
      tpu.enqueue_indirect_dma source(%dma_start3A_1827 : memref<204800x128xf32, #tpu.memory_space<hbm>>) target(%dma_start3A_1821 : memref<128x128xf32, #tpu.memory_space<vmem>>) offsets(%dma_start3A_1824 : memref<128xi32, #tpu.memory_space<vmem>>) semaphore(%arg8 : memref<!tpu.dma_semaphore, #tpu.memory_space<semaphore_mem>>)
      %dma_wait3A_1828 = arith.constant 8 : i32
      %dma_wait3A_1829 = arith.constant 0 : i32
      %dma_wait3A_1830 = arith.constant 0 : i32
      %dma_wait3A_1831 = arith.constant 0 : i32
      %dma_wait3A_1832 = tpu.memref_slice %arg7[%dma_wait3A_1829, %dma_wait3A_1830, %dma_wait3A_1831] : memref<4x128x128xf32, #tpu.memory_space<vmem>> -> memref<1x128x128xf32, #tpu.memory_space<vmem>>
      %dma_wait3A_1833 = tpu.memref_squeeze %dma_wait3A_1832 : memref<1x128x128xf32, #tpu.memory_space<vmem>> -> memref<128x128xf32, #tpu.memory_space<vmem>>
      %dma_wait3A_1834 = arith.constant 0 : i32
      %dma_wait3A_1835 = tpu.memref_slice %arg6[%dma_wait3A_1828, %dma_wait3A_1834] : memref<16x128xi32, #tpu.memory_space<vmem>> -> memref<1x128xi32, #tpu.memory_space<vmem>>
      %dma_wait3A_1836 = tpu.memref_squeeze %dma_wait3A_1835 : memref<1x128xi32, #tpu.memory_space<vmem>> -> memref<128xi32, #tpu.memory_space<vmem>>
      %dma_wait3A_1837 = arith.constant 0 : i32
      %dma_wait3A_1838 = arith.constant 0 : i32
      %dma_wait3A_1839 = tpu.memref_slice %arg2[%dma_wait3A_1837, %dma_wait3A_1838] : memref<204800x128xf32, #tpu.memory_space<hbm>> -> memref<204800x128xf32, #tpu.memory_space<hbm>>
      tpu.wait_indirect_dma semaphore(%arg8 : memref<!tpu.dma_semaphore, #tpu.memory_space<semaphore_mem>>) src(%dma_wait3A_1839 : memref<204800x128xf32, #tpu.memory_space<hbm>>) dst(%dma_wait3A_1833 : memref<128x128xf32, #tpu.memory_space<vmem>>)
      %add3A_1840 = arith.constant 1 : i32
      %add3A_1841 = arith.addi %mul3A_4, %add3A_1840 : i32
      %mul3A_1842 = arith.constant 1024 : i32
      %mul3A_1843 = arith.muli %add3A_1841, %mul3A_1842 : i32
      %add3A_1844 = arith.constant 0 : i32
      %add3A_1845 = arith.addi %mul3A_1843, %add3A_1844 : i32
      %dma_start3A_1846 = arith.constant 0 : i32
      %dma_start3A_1847 = arith.constant 0 : i32
      %dma_start3A_1848 = arith.constant 0 : i32
      %dma_start3A_1849 = tpu.memref_slice %arg7[%dma_start3A_1846, %dma_start3A_1847, %dma_start3A_1848] : memref<4x128x128xf32, #tpu.memory_space<vmem>> -> memref<1x128x128xf32, #tpu.memory_space<vmem>>
      %dma_start3A_1850 = tpu.memref_squeeze %dma_start3A_1849 : memref<1x128x128xf32, #tpu.memory_space<vmem>> -> memref<128x128xf32, #tpu.memory_space<vmem>>
      %dma_start3A_1851 = arith.constant 0 : i32
      %dma_start3A_1852 = tpu.memref_slice %arg4[%add3A_1845, %dma_start3A_1851] : memref<51200x128xf32, #tpu.memory_space<hbm>> -> memref<128x128xf32, #tpu.memory_space<hbm>>
      %dma_start3A_1853 = arith.constant 0 : i32
      %dma_start3A_1854 = tpu.memref_slice %arg4[%add3A_1845, %dma_start3A_1853] : memref<51200x128xf32, #tpu.memory_space<hbm>> -> memref<128x128xf32, #tpu.memory_space<hbm>>
      %dma_start3A_1855 = arith.constant 0 : i32
      %dma_start3A_1856 = arith.constant 0 : i32
      %dma_start3A_1857 = tpu.memref_slice %arg7[%dma_start3A_1846, %dma_start3A_1855, %dma_start3A_1856] : memref<4x128x128xf32, #tpu.memory_space<vmem>> -> memref<1x128x128xf32, #tpu.memory_space<vmem>>
      %dma_start3A_1858 = tpu.memref_squeeze %dma_start3A_1857 : memref<1x128x128xf32, #tpu.memory_space<vmem>> -> memref<128x128xf32, #tpu.memory_space<vmem>>
      tpu.enqueue_dma source(%dma_start3A_1858 : memref<128x128xf32, #tpu.memory_space<vmem>>) target(%dma_start3A_1854 : memref<128x128xf32, #tpu.memory_space<hbm>>) target_semaphore(%arg9 : memref<!tpu.dma_semaphore, #tpu.memory_space<semaphore_mem>>)
      %dma_wait3A_1859 = arith.constant 0 : i32
      %dma_wait3A_1860 = arith.constant 0 : i32
      %dma_wait3A_1861 = arith.constant 0 : i32
      %dma_wait3A_1862 = tpu.memref_slice %arg7[%dma_wait3A_1859, %dma_wait3A_1860, %dma_wait3A_1861] : memref<4x128x128xf32, #tpu.memory_space<vmem>> -> memref<1x128x128xf32, #tpu.memory_space<vmem>>
      %dma_wait3A_1863 = tpu.memref_squeeze %dma_wait3A_1862 : memref<1x128x128xf32, #tpu.memory_space<vmem>> -> memref<128x128xf32, #tpu.memory_space<vmem>>
      %dma_wait3A_1864 = arith.constant 0 : i32
      %dma_wait3A_1865 = tpu.memref_slice %arg4[%add3A_1845, %dma_wait3A_1864] : memref<51200x128xf32, #tpu.memory_space<hbm>> -> memref<128x128xf32, #tpu.memory_space<hbm>>
      %dma_wait3A_1866 = arith.constant 0 : i32
      %dma_wait3A_1867 = tpu.memref_slice %arg4[%add3A_1845, %dma_wait3A_1866] : memref<51200x128xf32, #tpu.memory_space<hbm>> -> memref<128x128xf32, #tpu.memory_space<hbm>>
      %dma_wait3A_1868 = arith.constant 0 : i32
      %dma_wait3A_1869 = arith.constant 0 : i32
      %dma_wait3A_1870 = tpu.memref_slice %arg7[%dma_wait3A_1859, %dma_wait3A_1868, %dma_wait3A_1869] : memref<4x128x128xf32, #tpu.memory_space<vmem>> -> memref<1x128x128xf32, #tpu.memory_space<vmem>>
      %dma_wait3A_1871 = tpu.memref_squeeze %dma_wait3A_1870 : memref<1x128x128xf32, #tpu.memory_space<vmem>> -> memref<128x128xf32, #tpu.memory_space<vmem>>
      tpu.wait_dma2 semaphore(%arg9 : memref<!tpu.dma_semaphore, #tpu.memory_space<semaphore_mem>>) src(%dma_wait3A_1871 : memref<128x128xf32, #tpu.memory_space<vmem>>) dst(%dma_wait3A_1867 : memref<128x128xf32, #tpu.memory_space<hbm>>)
      %add3A_1872 = arith.constant 1 : i32
      %add3A_1873 = arith.addi %mul3A_4, %add3A_1872 : i32
      %mul3A_1874 = arith.constant 16 : i32
      %mul3A_1875 = arith.muli %add3A_1873, %mul3A_1874 : i32
      %get3A_1876 = arith.index_cast %mul3A_1875 : i32 to index
      %get3A_1877 = tpu.vector_load %arg5[%get3A_1876] {strides = array<i32>} : memref<800xi32, #tpu.memory_space<vmem>>, vector<16xi32>,
      %get3A_1878 = vector.shape_cast %get3A_1877 : vector<16xi32> to vector<16xi32>
      %broadcast_in_dim3A_1879 = arith.constant 512 : i32
      %broadcast_in_dim3A_1880 = vector.broadcast %broadcast_in_dim3A_1879 : i32 to vector<16xi32>
      %add3A_1881 = arith.addi %broadcast_in_dim3A_1880, %iota3A : vector<16xi32>
      %mul3A_1882 = arith.constant 200 : i32
      %mul3A_1883 = vector.broadcast %mul3A_1882 : i32 to vector<16xi32>
      %mul3A_1884 = arith.muli %add3A_1881, %mul3A_1883 : vector<16xi32>
      %add3A_1885 = arith.addi %mul3A_1884, %get3A_1878 : vector<16xi32>
      %swap3A_1886 = arith.constant 12 : i32
      %swap3A_1887 = arith.index_cast %swap3A_1886 : i32 to index
      %swap3A_1888 = arith.constant 0 : index
      %swap3A_1889 = tpu.vector_load %arg6[%swap3A_1887, %swap3A_1888] {strides = array<i32>} : memref<16x128xi32, #tpu.memory_space<vmem>>, vector<1x16xi32>,
      %swap3A_1890 = vector.shape_cast %swap3A_1889 : vector<1x16xi32> to vector<16xi32>
      %swap3A_1891 = vector.shape_cast %add3A_1885 : vector<16xi32> to vector<1x16xi32>
      tpu.vector_store %arg6[%swap3A_1887, %swap3A_1888], %swap3A_1891 {strides = array<i32>} : memref<16x128xi32, #tpu.memory_space<vmem>>, vector<1x16xi32>,
      %broadcast_in_dim3A_1892 = arith.constant 528 : i32
      %broadcast_in_dim3A_1893 = vector.broadcast %broadcast_in_dim3A_1892 : i32 to vector<16xi32>
      %add3A_1894 = arith.addi %broadcast_in_dim3A_1893, %iota3A : vector<16xi32>
      %mul3A_1895 = arith.constant 200 : i32
      %mul3A_1896 = vector.broadcast %mul3A_1895 : i32 to vector<16xi32>
      %mul3A_1897 = arith.muli %add3A_1894, %mul3A_1896 : vector<16xi32>
      %add3A_1898 = arith.addi %mul3A_1897, %get3A_1878 : vector<16xi32>
      %swap3A_1899 = arith.constant 12 : i32
      %swap3A_1900 = arith.index_cast %swap3A_1899 : i32 to index
      %swap3A_1901 = arith.constant 16 : index
      %swap3A_1902 = tpu.vector_load %arg6[%swap3A_1900, %swap3A_1901] {strides = array<i32>} : memref<16x128xi32, #tpu.memory_space<vmem>>, vector<1x16xi32>,
      %swap3A_1903 = vector.shape_cast %swap3A_1902 : vector<1x16xi32> to vector<16xi32>
      %swap3A_1904 = vector.shape_cast %add3A_1898 : vector<16xi32> to vector<1x16xi32>
      tpu.vector_store %arg6[%swap3A_1900, %swap3A_1901], %swap3A_1904 {strides = array<i32>} : memref<16x128xi32, #tpu.memory_space<vmem>>, vector<1x16xi32>,
      %broadcast_in_dim3A_1905 = arith.constant 544 : i32
      %broadcast_in_dim3A_1906 = vector.broadcast %broadcast_in_dim3A_1905 : i32 to vector<16xi32>
      %add3A_1907 = arith.addi %broadcast_in_dim3A_1906, %iota3A : vector<16xi32>
      %mul3A_1908 = arith.constant 200 : i32
      %mul3A_1909 = vector.broadcast %mul3A_1908 : i32 to vector<16xi32>
      %mul3A_1910 = arith.muli %add3A_1907, %mul3A_1909 : vector<16xi32>
      %add3A_1911 = arith.addi %mul3A_1910, %get3A_1878 : vector<16xi32>
      %swap3A_1912 = arith.constant 12 : i32
      %swap3A_1913 = arith.index_cast %swap3A_1912 : i32 to index
      %swap3A_1914 = arith.constant 32 : index
      %swap3A_1915 = tpu.vector_load %arg6[%swap3A_1913, %swap3A_1914] {strides = array<i32>} : memref<16x128xi32, #tpu.memory_space<vmem>>, vector<1x16xi32>,
      %swap3A_1916 = vector.shape_cast %swap3A_1915 : vector<1x16xi32> to vector<16xi32>
      %swap3A_1917 = vector.shape_cast %add3A_1911 : vector<16xi32> to vector<1x16xi32>
      tpu.vector_store %arg6[%swap3A_1913, %swap3A_1914], %swap3A_1917 {strides = array<i32>} : memref<16x128xi32, #tpu.memory_space<vmem>>, vector<1x16xi32>,
      %broadcast_in_dim3A_1918 = arith.constant 560 : i32
      %broadcast_in_dim3A_1919 = vector.broadcast %broadcast_in_dim3A_1918 : i32 to vector<16xi32>
      %add3A_1920 = arith.addi %broadcast_in_dim3A_1919, %iota3A : vector<16xi32>
      %mul3A_1921 = arith.constant 200 : i32
      %mul3A_1922 = vector.broadcast %mul3A_1921 : i32 to vector<16xi32>
      %mul3A_1923 = arith.muli %add3A_1920, %mul3A_1922 : vector<16xi32>
      %add3A_1924 = arith.addi %mul3A_1923, %get3A_1878 : vector<16xi32>
      %swap3A_1925 = arith.constant 12 : i32
      %swap3A_1926 = arith.index_cast %swap3A_1925 : i32 to index
      %swap3A_1927 = arith.constant 48 : index
      %swap3A_1928 = tpu.vector_load %arg6[%swap3A_1926, %swap3A_1927] {strides = array<i32>} : memref<16x128xi32, #tpu.memory_space<vmem>>, vector<1x16xi32>,
      %swap3A_1929 = vector.shape_cast %swap3A_1928 : vector<1x16xi32> to vector<16xi32>
      %swap3A_1930 = vector.shape_cast %add3A_1924 : vector<16xi32> to vector<1x16xi32>
      tpu.vector_store %arg6[%swap3A_1926, %swap3A_1927], %swap3A_1930 {strides = array<i32>} : memref<16x128xi32, #tpu.memory_space<vmem>>, vector<1x16xi32>,
      %broadcast_in_dim3A_1931 = arith.constant 576 : i32
      %broadcast_in_dim3A_1932 = vector.broadcast %broadcast_in_dim3A_1931 : i32 to vector<16xi32>
      %add3A_1933 = arith.addi %broadcast_in_dim3A_1932, %iota3A : vector<16xi32>
      %mul3A_1934 = arith.constant 200 : i32
      %mul3A_1935 = vector.broadcast %mul3A_1934 : i32 to vector<16xi32>
      %mul3A_1936 = arith.muli %add3A_1933, %mul3A_1935 : vector<16xi32>
      %add3A_1937 = arith.addi %mul3A_1936, %get3A_1878 : vector<16xi32>
      %swap3A_1938 = arith.constant 12 : i32
      %swap3A_1939 = arith.index_cast %swap3A_1938 : i32 to index
      %swap3A_1940 = arith.constant 64 : index
      %swap3A_1941 = tpu.vector_load %arg6[%swap3A_1939, %swap3A_1940] {strides = array<i32>} : memref<16x128xi32, #tpu.memory_space<vmem>>, vector<1x16xi32>,
      %swap3A_1942 = vector.shape_cast %swap3A_1941 : vector<1x16xi32> to vector<16xi32>
      %swap3A_1943 = vector.shape_cast %add3A_1937 : vector<16xi32> to vector<1x16xi32>
      tpu.vector_store %arg6[%swap3A_1939, %swap3A_1940], %swap3A_1943 {strides = array<i32>} : memref<16x128xi32, #tpu.memory_space<vmem>>, vector<1x16xi32>,
      %broadcast_in_dim3A_1944 = arith.constant 592 : i32
      %broadcast_in_dim3A_1945 = vector.broadcast %broadcast_in_dim3A_1944 : i32 to vector<16xi32>
      %add3A_1946 = arith.addi %broadcast_in_dim3A_1945, %iota3A : vector<16xi32>
      %mul3A_1947 = arith.constant 200 : i32
      %mul3A_1948 = vector.broadcast %mul3A_1947 : i32 to vector<16xi32>
      %mul3A_1949 = arith.muli %add3A_1946, %mul3A_1948 : vector<16xi32>
      %add3A_1950 = arith.addi %mul3A_1949, %get3A_1878 : vector<16xi32>
      %swap3A_1951 = arith.constant 12 : i32
      %swap3A_1952 = arith.index_cast %swap3A_1951 : i32 to index
      %swap3A_1953 = arith.constant 80 : index
      %swap3A_1954 = tpu.vector_load %arg6[%swap3A_1952, %swap3A_1953] {strides = array<i32>} : memref<16x128xi32, #tpu.memory_space<vmem>>, vector<1x16xi32>,
      %swap3A_1955 = vector.shape_cast %swap3A_1954 : vector<1x16xi32> to vector<16xi32>
      %swap3A_1956 = vector.shape_cast %add3A_1950 : vector<16xi32> to vector<1x16xi32>
      tpu.vector_store %arg6[%swap3A_1952, %swap3A_1953], %swap3A_1956 {strides = array<i32>} : memref<16x128xi32, #tpu.memory_space<vmem>>, vector<1x16xi32>,
      %broadcast_in_dim3A_1957 = arith.constant 608 : i32
      %broadcast_in_dim3A_1958 = vector.broadcast %broadcast_in_dim3A_1957 : i32 to vector<16xi32>
      %add3A_1959 = arith.addi %broadcast_in_dim3A_1958, %iota3A : vector<16xi32>
      %mul3A_1960 = arith.constant 200 : i32
      %mul3A_1961 = vector.broadcast %mul3A_1960 : i32 to vector<16xi32>
      %mul3A_1962 = arith.muli %add3A_1959, %mul3A_1961 : vector<16xi32>
      %add3A_1963 = arith.addi %mul3A_1962, %get3A_1878 : vector<16xi32>
      %swap3A_1964 = arith.constant 12 : i32
      %swap3A_1965 = arith.index_cast %swap3A_1964 : i32 to index
      %swap3A_1966 = arith.constant 96 : index
      %swap3A_1967 = tpu.vector_load %arg6[%swap3A_1965, %swap3A_1966] {strides = array<i32>} : memref<16x128xi32, #tpu.memory_space<vmem>>, vector<1x16xi32>,
      %swap3A_1968 = vector.shape_cast %swap3A_1967 : vector<1x16xi32> to vector<16xi32>
      %swap3A_1969 = vector.shape_cast %add3A_1963 : vector<16xi32> to vector<1x16xi32>
      tpu.vector_store %arg6[%swap3A_1965, %swap3A_1966], %swap3A_1969 {strides = array<i32>} : memref<16x128xi32, #tpu.memory_space<vmem>>, vector<1x16xi32>,
      %broadcast_in_dim3A_1970 = arith.constant 624 : i32
      %broadcast_in_dim3A_1971 = vector.broadcast %broadcast_in_dim3A_1970 : i32 to vector<16xi32>
      %add3A_1972 = arith.addi %broadcast_in_dim3A_1971, %iota3A : vector<16xi32>
      %mul3A_1973 = arith.constant 200 : i32
      %mul3A_1974 = vector.broadcast %mul3A_1973 : i32 to vector<16xi32>
      %mul3A_1975 = arith.muli %add3A_1972, %mul3A_1974 : vector<16xi32>
      %add3A_1976 = arith.addi %mul3A_1975, %get3A_1878 : vector<16xi32>
      %swap3A_1977 = arith.constant 12 : i32
      %swap3A_1978 = arith.index_cast %swap3A_1977 : i32 to index
      %swap3A_1979 = arith.constant 112 : index
      %swap3A_1980 = tpu.vector_load %arg6[%swap3A_1978, %swap3A_1979] {strides = array<i32>} : memref<16x128xi32, #tpu.memory_space<vmem>>, vector<1x16xi32>,
      %swap3A_1981 = vector.shape_cast %swap3A_1980 : vector<1x16xi32> to vector<16xi32>
      %swap3A_1982 = vector.shape_cast %add3A_1976 : vector<16xi32> to vector<1x16xi32>
      tpu.vector_store %arg6[%swap3A_1978, %swap3A_1979], %swap3A_1982 {strides = array<i32>} : memref<16x128xi32, #tpu.memory_space<vmem>>, vector<1x16xi32>,
      %dma_start3A_1983 = arith.constant 12 : i32
      %dma_start3A_1984 = arith.constant 0 : i32
      %dma_start3A_1985 = arith.constant 0 : i32
      %dma_start3A_1986 = arith.constant 0 : i32
      %dma_start3A_1987 = tpu.memref_slice %arg7[%dma_start3A_1984, %dma_start3A_1985, %dma_start3A_1986] : memref<4x128x128xf32, #tpu.memory_space<vmem>> -> memref<1x128x128xf32, #tpu.memory_space<vmem>>
      %dma_start3A_1988 = tpu.memref_squeeze %dma_start3A_1987 : memref<1x128x128xf32, #tpu.memory_space<vmem>> -> memref<128x128xf32, #tpu.memory_space<vmem>>
      %dma_start3A_1989 = arith.constant 0 : i32
      %dma_start3A_1990 = tpu.memref_slice %arg6[%dma_start3A_1983, %dma_start3A_1989] : memref<16x128xi32, #tpu.memory_space<vmem>> -> memref<1x128xi32, #tpu.memory_space<vmem>>
      %dma_start3A_1991 = tpu.memref_squeeze %dma_start3A_1990 : memref<1x128xi32, #tpu.memory_space<vmem>> -> memref<128xi32, #tpu.memory_space<vmem>>
      %dma_start3A_1992 = arith.constant 0 : i32
      %dma_start3A_1993 = arith.constant 0 : i32
      %dma_start3A_1994 = tpu.memref_slice %arg2[%dma_start3A_1992, %dma_start3A_1993] : memref<204800x128xf32, #tpu.memory_space<hbm>> -> memref<204800x128xf32, #tpu.memory_space<hbm>>
      tpu.enqueue_indirect_dma source(%dma_start3A_1994 : memref<204800x128xf32, #tpu.memory_space<hbm>>) target(%dma_start3A_1988 : memref<128x128xf32, #tpu.memory_space<vmem>>) offsets(%dma_start3A_1991 : memref<128xi32, #tpu.memory_space<vmem>>) semaphore(%arg8 : memref<!tpu.dma_semaphore, #tpu.memory_space<semaphore_mem>>)
      %dma_wait3A_1995 = arith.constant 9 : i32
      %dma_wait3A_1996 = arith.constant 1 : i32
      %dma_wait3A_1997 = arith.constant 0 : i32
      %dma_wait3A_1998 = arith.constant 0 : i32
      %dma_wait3A_1999 = tpu.memref_slice %arg7[%dma_wait3A_1996, %dma_wait3A_1997, %dma_wait3A_1998] : memref<4x128x128xf32, #tpu.memory_space<vmem>> -> memref<1x128x128xf32, #tpu.memory_space<vmem>>
      %dma_wait3A_2000 = tpu.memref_squeeze %dma_wait3A_1999 : memref<1x128x128xf32, #tpu.memory_space<vmem>> -> memref<128x128xf32, #tpu.memory_space<vmem>>
      %dma_wait3A_2001 = arith.constant 0 : i32
      %dma_wait3A_2002 = tpu.memref_slice %arg6[%dma_wait3A_1995, %dma_wait3A_2001] : memref<16x128xi32, #tpu.memory_space<vmem>> -> memref<1x128xi32, #tpu.memory_space<vmem>>
      %dma_wait3A_2003 = tpu.memref_squeeze %dma_wait3A_2002 : memref<1x128xi32, #tpu.memory_space<vmem>> -> memref<128xi32, #tpu.memory_space<vmem>>
      %dma_wait3A_2004 = arith.constant 0 : i32
      %dma_wait3A_2005 = arith.constant 0 : i32
      %dma_wait3A_2006 = tpu.memref_slice %arg2[%dma_wait3A_2004, %dma_wait3A_2005] : memref<204800x128xf32, #tpu.memory_space<hbm>> -> memref<204800x128xf32, #tpu.memory_space<hbm>>
      tpu.wait_indirect_dma semaphore(%arg8 : memref<!tpu.dma_semaphore, #tpu.memory_space<semaphore_mem>>) src(%dma_wait3A_2006 : memref<204800x128xf32, #tpu.memory_space<hbm>>) dst(%dma_wait3A_2000 : memref<128x128xf32, #tpu.memory_space<vmem>>)
      %add3A_2007 = arith.constant 1 : i32
      %add3A_2008 = arith.addi %mul3A_4, %add3A_2007 : i32
      %mul3A_2009 = arith.constant 1024 : i32
      %mul3A_2010 = arith.muli %add3A_2008, %mul3A_2009 : i32
      %add3A_2011 = arith.constant 128 : i32
      %add3A_2012 = arith.addi %mul3A_2010, %add3A_2011 : i32
      %dma_start3A_2013 = arith.constant 1 : i32
      %dma_start3A_2014 = arith.constant 0 : i32
      %dma_start3A_2015 = arith.constant 0 : i32
      %dma_start3A_2016 = tpu.memref_slice %arg7[%dma_start3A_2013, %dma_start3A_2014, %dma_start3A_2015] : memref<4x128x128xf32, #tpu.memory_space<vmem>> -> memref<1x128x128xf32, #tpu.memory_space<vmem>>
      %dma_start3A_2017 = tpu.memref_squeeze %dma_start3A_2016 : memref<1x128x128xf32, #tpu.memory_space<vmem>> -> memref<128x128xf32, #tpu.memory_space<vmem>>
      %dma_start3A_2018 = arith.constant 0 : i32
      %dma_start3A_2019 = tpu.memref_slice %arg4[%add3A_2012, %dma_start3A_2018] : memref<51200x128xf32, #tpu.memory_space<hbm>> -> memref<128x128xf32, #tpu.memory_space<hbm>>
      %dma_start3A_2020 = arith.constant 0 : i32
      %dma_start3A_2021 = tpu.memref_slice %arg4[%add3A_2012, %dma_start3A_2020] : memref<51200x128xf32, #tpu.memory_space<hbm>> -> memref<128x128xf32, #tpu.memory_space<hbm>>
      %dma_start3A_2022 = arith.constant 0 : i32
      %dma_start3A_2023 = arith.constant 0 : i32
      %dma_start3A_2024 = tpu.memref_slice %arg7[%dma_start3A_2013, %dma_start3A_2022, %dma_start3A_2023] : memref<4x128x128xf32, #tpu.memory_space<vmem>> -> memref<1x128x128xf32, #tpu.memory_space<vmem>>
      %dma_start3A_2025 = tpu.memref_squeeze %dma_start3A_2024 : memref<1x128x128xf32, #tpu.memory_space<vmem>> -> memref<128x128xf32, #tpu.memory_space<vmem>>
      tpu.enqueue_dma source(%dma_start3A_2025 : memref<128x128xf32, #tpu.memory_space<vmem>>) target(%dma_start3A_2021 : memref<128x128xf32, #tpu.memory_space<hbm>>) target_semaphore(%arg9 : memref<!tpu.dma_semaphore, #tpu.memory_space<semaphore_mem>>)
      %dma_wait3A_2026 = arith.constant 1 : i32
      %dma_wait3A_2027 = arith.constant 0 : i32
      %dma_wait3A_2028 = arith.constant 0 : i32
      %dma_wait3A_2029 = tpu.memref_slice %arg7[%dma_wait3A_2026, %dma_wait3A_2027, %dma_wait3A_2028] : memref<4x128x128xf32, #tpu.memory_space<vmem>> -> memref<1x128x128xf32, #tpu.memory_space<vmem>>
      %dma_wait3A_2030 = tpu.memref_squeeze %dma_wait3A_2029 : memref<1x128x128xf32, #tpu.memory_space<vmem>> -> memref<128x128xf32, #tpu.memory_space<vmem>>
      %dma_wait3A_2031 = arith.constant 0 : i32
      %dma_wait3A_2032 = tpu.memref_slice %arg4[%add3A_2012, %dma_wait3A_2031] : memref<51200x128xf32, #tpu.memory_space<hbm>> -> memref<128x128xf32, #tpu.memory_space<hbm>>
      %dma_wait3A_2033 = arith.constant 0 : i32
      %dma_wait3A_2034 = tpu.memref_slice %arg4[%add3A_2012, %dma_wait3A_2033] : memref<51200x128xf32, #tpu.memory_space<hbm>> -> memref<128x128xf32, #tpu.memory_space<hbm>>
      %dma_wait3A_2035 = arith.constant 0 : i32
      %dma_wait3A_2036 = arith.constant 0 : i32
      %dma_wait3A_2037 = tpu.memref_slice %arg7[%dma_wait3A_2026, %dma_wait3A_2035, %dma_wait3A_2036] : memref<4x128x128xf32, #tpu.memory_space<vmem>> -> memref<1x128x128xf32, #tpu.memory_space<vmem>>
      %dma_wait3A_2038 = tpu.memref_squeeze %dma_wait3A_2037 : memref<1x128x128xf32, #tpu.memory_space<vmem>> -> memref<128x128xf32, #tpu.memory_space<vmem>>
      tpu.wait_dma2 semaphore(%arg9 : memref<!tpu.dma_semaphore, #tpu.memory_space<semaphore_mem>>) src(%dma_wait3A_2038 : memref<128x128xf32, #tpu.memory_space<vmem>>) dst(%dma_wait3A_2034 : memref<128x128xf32, #tpu.memory_space<hbm>>)
      %add3A_2039 = arith.constant 1 : i32
      %add3A_2040 = arith.addi %mul3A_4, %add3A_2039 : i32
      %mul3A_2041 = arith.constant 16 : i32
      %mul3A_2042 = arith.muli %add3A_2040, %mul3A_2041 : i32
      %get3A_2043 = arith.index_cast %mul3A_2042 : i32 to index
      %get3A_2044 = tpu.vector_load %arg5[%get3A_2043] {strides = array<i32>} : memref<800xi32, #tpu.memory_space<vmem>>, vector<16xi32>,
      %get3A_2045 = vector.shape_cast %get3A_2044 : vector<16xi32> to vector<16xi32>
      %broadcast_in_dim3A_2046 = arith.constant 640 : i32
      %broadcast_in_dim3A_2047 = vector.broadcast %broadcast_in_dim3A_2046 : i32 to vector<16xi32>
      %add3A_2048 = arith.addi %broadcast_in_dim3A_2047, %iota3A : vector<16xi32>
      %mul3A_2049 = arith.constant 200 : i32
      %mul3A_2050 = vector.broadcast %mul3A_2049 : i32 to vector<16xi32>
      %mul3A_2051 = arith.muli %add3A_2048, %mul3A_2050 : vector<16xi32>
      %add3A_2052 = arith.addi %mul3A_2051, %get3A_2045 : vector<16xi32>
      %swap3A_2053 = arith.constant 13 : i32
      %swap3A_2054 = arith.index_cast %swap3A_2053 : i32 to index
      %swap3A_2055 = arith.constant 0 : index
      %swap3A_2056 = tpu.vector_load %arg6[%swap3A_2054, %swap3A_2055] {strides = array<i32>} : memref<16x128xi32, #tpu.memory_space<vmem>>, vector<1x16xi32>,
      %swap3A_2057 = vector.shape_cast %swap3A_2056 : vector<1x16xi32> to vector<16xi32>
      %swap3A_2058 = vector.shape_cast %add3A_2052 : vector<16xi32> to vector<1x16xi32>
      tpu.vector_store %arg6[%swap3A_2054, %swap3A_2055], %swap3A_2058 {strides = array<i32>} : memref<16x128xi32, #tpu.memory_space<vmem>>, vector<1x16xi32>,
      %broadcast_in_dim3A_2059 = arith.constant 656 : i32
      %broadcast_in_dim3A_2060 = vector.broadcast %broadcast_in_dim3A_2059 : i32 to vector<16xi32>
      %add3A_2061 = arith.addi %broadcast_in_dim3A_2060, %iota3A : vector<16xi32>
      %mul3A_2062 = arith.constant 200 : i32
      %mul3A_2063 = vector.broadcast %mul3A_2062 : i32 to vector<16xi32>
      %mul3A_2064 = arith.muli %add3A_2061, %mul3A_2063 : vector<16xi32>
      %add3A_2065 = arith.addi %mul3A_2064, %get3A_2045 : vector<16xi32>
      %swap3A_2066 = arith.constant 13 : i32
      %swap3A_2067 = arith.index_cast %swap3A_2066 : i32 to index
      %swap3A_2068 = arith.constant 16 : index
      %swap3A_2069 = tpu.vector_load %arg6[%swap3A_2067, %swap3A_2068] {strides = array<i32>} : memref<16x128xi32, #tpu.memory_space<vmem>>, vector<1x16xi32>,
      %swap3A_2070 = vector.shape_cast %swap3A_2069 : vector<1x16xi32> to vector<16xi32>
      %swap3A_2071 = vector.shape_cast %add3A_2065 : vector<16xi32> to vector<1x16xi32>
      tpu.vector_store %arg6[%swap3A_2067, %swap3A_2068], %swap3A_2071 {strides = array<i32>} : memref<16x128xi32, #tpu.memory_space<vmem>>, vector<1x16xi32>,
      %broadcast_in_dim3A_2072 = arith.constant 672 : i32
      %broadcast_in_dim3A_2073 = vector.broadcast %broadcast_in_dim3A_2072 : i32 to vector<16xi32>
      %add3A_2074 = arith.addi %broadcast_in_dim3A_2073, %iota3A : vector<16xi32>
      %mul3A_2075 = arith.constant 200 : i32
      %mul3A_2076 = vector.broadcast %mul3A_2075 : i32 to vector<16xi32>
      %mul3A_2077 = arith.muli %add3A_2074, %mul3A_2076 : vector<16xi32>
      %add3A_2078 = arith.addi %mul3A_2077, %get3A_2045 : vector<16xi32>
      %swap3A_2079 = arith.constant 13 : i32
      %swap3A_2080 = arith.index_cast %swap3A_2079 : i32 to index
      %swap3A_2081 = arith.constant 32 : index
      %swap3A_2082 = tpu.vector_load %arg6[%swap3A_2080, %swap3A_2081] {strides = array<i32>} : memref<16x128xi32, #tpu.memory_space<vmem>>, vector<1x16xi32>,
      %swap3A_2083 = vector.shape_cast %swap3A_2082 : vector<1x16xi32> to vector<16xi32>
      %swap3A_2084 = vector.shape_cast %add3A_2078 : vector<16xi32> to vector<1x16xi32>
      tpu.vector_store %arg6[%swap3A_2080, %swap3A_2081], %swap3A_2084 {strides = array<i32>} : memref<16x128xi32, #tpu.memory_space<vmem>>, vector<1x16xi32>,
      %broadcast_in_dim3A_2085 = arith.constant 688 : i32
      %broadcast_in_dim3A_2086 = vector.broadcast %broadcast_in_dim3A_2085 : i32 to vector<16xi32>
      %add3A_2087 = arith.addi %broadcast_in_dim3A_2086, %iota3A : vector<16xi32>
      %mul3A_2088 = arith.constant 200 : i32
      %mul3A_2089 = vector.broadcast %mul3A_2088 : i32 to vector<16xi32>
      %mul3A_2090 = arith.muli %add3A_2087, %mul3A_2089 : vector<16xi32>
      %add3A_2091 = arith.addi %mul3A_2090, %get3A_2045 : vector<16xi32>
      %swap3A_2092 = arith.constant 13 : i32
      %swap3A_2093 = arith.index_cast %swap3A_2092 : i32 to index
      %swap3A_2094 = arith.constant 48 : index
      %swap3A_2095 = tpu.vector_load %arg6[%swap3A_2093, %swap3A_2094] {strides = array<i32>} : memref<16x128xi32, #tpu.memory_space<vmem>>, vector<1x16xi32>,
      %swap3A_2096 = vector.shape_cast %swap3A_2095 : vector<1x16xi32> to vector<16xi32>
      %swap3A_2097 = vector.shape_cast %add3A_2091 : vector<16xi32> to vector<1x16xi32>
      tpu.vector_store %arg6[%swap3A_2093, %swap3A_2094], %swap3A_2097 {strides = array<i32>} : memref<16x128xi32, #tpu.memory_space<vmem>>, vector<1x16xi32>,
      %broadcast_in_dim3A_2098 = arith.constant 704 : i32
      %broadcast_in_dim3A_2099 = vector.broadcast %broadcast_in_dim3A_2098 : i32 to vector<16xi32>
      %add3A_2100 = arith.addi %broadcast_in_dim3A_2099, %iota3A : vector<16xi32>
      %mul3A_2101 = arith.constant 200 : i32
      %mul3A_2102 = vector.broadcast %mul3A_2101 : i32 to vector<16xi32>
      %mul3A_2103 = arith.muli %add3A_2100, %mul3A_2102 : vector<16xi32>
      %add3A_2104 = arith.addi %mul3A_2103, %get3A_2045 : vector<16xi32>
      %swap3A_2105 = arith.constant 13 : i32
      %swap3A_2106 = arith.index_cast %swap3A_2105 : i32 to index
      %swap3A_2107 = arith.constant 64 : index
      %swap3A_2108 = tpu.vector_load %arg6[%swap3A_2106, %swap3A_2107] {strides = array<i32>} : memref<16x128xi32, #tpu.memory_space<vmem>>, vector<1x16xi32>,
      %swap3A_2109 = vector.shape_cast %swap3A_2108 : vector<1x16xi32> to vector<16xi32>
      %swap3A_2110 = vector.shape_cast %add3A_2104 : vector<16xi32> to vector<1x16xi32>
      tpu.vector_store %arg6[%swap3A_2106, %swap3A_2107], %swap3A_2110 {strides = array<i32>} : memref<16x128xi32, #tpu.memory_space<vmem>>, vector<1x16xi32>,
      %broadcast_in_dim3A_2111 = arith.constant 720 : i32
      %broadcast_in_dim3A_2112 = vector.broadcast %broadcast_in_dim3A_2111 : i32 to vector<16xi32>
      %add3A_2113 = arith.addi %broadcast_in_dim3A_2112, %iota3A : vector<16xi32>
      %mul3A_2114 = arith.constant 200 : i32
      %mul3A_2115 = vector.broadcast %mul3A_2114 : i32 to vector<16xi32>
      %mul3A_2116 = arith.muli %add3A_2113, %mul3A_2115 : vector<16xi32>
      %add3A_2117 = arith.addi %mul3A_2116, %get3A_2045 : vector<16xi32>
      %swap3A_2118 = arith.constant 13 : i32
      %swap3A_2119 = arith.index_cast %swap3A_2118 : i32 to index
      %swap3A_2120 = arith.constant 80 : index
      %swap3A_2121 = tpu.vector_load %arg6[%swap3A_2119, %swap3A_2120] {strides = array<i32>} : memref<16x128xi32, #tpu.memory_space<vmem>>, vector<1x16xi32>,
      %swap3A_2122 = vector.shape_cast %swap3A_2121 : vector<1x16xi32> to vector<16xi32>
      %swap3A_2123 = vector.shape_cast %add3A_2117 : vector<16xi32> to vector<1x16xi32>
      tpu.vector_store %arg6[%swap3A_2119, %swap3A_2120], %swap3A_2123 {strides = array<i32>} : memref<16x128xi32, #tpu.memory_space<vmem>>, vector<1x16xi32>,
      %broadcast_in_dim3A_2124 = arith.constant 736 : i32
      %broadcast_in_dim3A_2125 = vector.broadcast %broadcast_in_dim3A_2124 : i32 to vector<16xi32>
      %add3A_2126 = arith.addi %broadcast_in_dim3A_2125, %iota3A : vector<16xi32>
      %mul3A_2127 = arith.constant 200 : i32
      %mul3A_2128 = vector.broadcast %mul3A_2127 : i32 to vector<16xi32>
      %mul3A_2129 = arith.muli %add3A_2126, %mul3A_2128 : vector<16xi32>
      %add3A_2130 = arith.addi %mul3A_2129, %get3A_2045 : vector<16xi32>
      %swap3A_2131 = arith.constant 13 : i32
      %swap3A_2132 = arith.index_cast %swap3A_2131 : i32 to index
      %swap3A_2133 = arith.constant 96 : index
      %swap3A_2134 = tpu.vector_load %arg6[%swap3A_2132, %swap3A_2133] {strides = array<i32>} : memref<16x128xi32, #tpu.memory_space<vmem>>, vector<1x16xi32>,
      %swap3A_2135 = vector.shape_cast %swap3A_2134 : vector<1x16xi32> to vector<16xi32>
      %swap3A_2136 = vector.shape_cast %add3A_2130 : vector<16xi32> to vector<1x16xi32>
      tpu.vector_store %arg6[%swap3A_2132, %swap3A_2133], %swap3A_2136 {strides = array<i32>} : memref<16x128xi32, #tpu.memory_space<vmem>>, vector<1x16xi32>,
      %broadcast_in_dim3A_2137 = arith.constant 752 : i32
      %broadcast_in_dim3A_2138 = vector.broadcast %broadcast_in_dim3A_2137 : i32 to vector<16xi32>
      %add3A_2139 = arith.addi %broadcast_in_dim3A_2138, %iota3A : vector<16xi32>
      %mul3A_2140 = arith.constant 200 : i32
      %mul3A_2141 = vector.broadcast %mul3A_2140 : i32 to vector<16xi32>
      %mul3A_2142 = arith.muli %add3A_2139, %mul3A_2141 : vector<16xi32>
      %add3A_2143 = arith.addi %mul3A_2142, %get3A_2045 : vector<16xi32>
      %swap3A_2144 = arith.constant 13 : i32
      %swap3A_2145 = arith.index_cast %swap3A_2144 : i32 to index
      %swap3A_2146 = arith.constant 112 : index
      %swap3A_2147 = tpu.vector_load %arg6[%swap3A_2145, %swap3A_2146] {strides = array<i32>} : memref<16x128xi32, #tpu.memory_space<vmem>>, vector<1x16xi32>,
      %swap3A_2148 = vector.shape_cast %swap3A_2147 : vector<1x16xi32> to vector<16xi32>
      %swap3A_2149 = vector.shape_cast %add3A_2143 : vector<16xi32> to vector<1x16xi32>
      tpu.vector_store %arg6[%swap3A_2145, %swap3A_2146], %swap3A_2149 {strides = array<i32>} : memref<16x128xi32, #tpu.memory_space<vmem>>, vector<1x16xi32>,
      %dma_start3A_2150 = arith.constant 13 : i32
      %dma_start3A_2151 = arith.constant 1 : i32
      %dma_start3A_2152 = arith.constant 0 : i32
      %dma_start3A_2153 = arith.constant 0 : i32
      %dma_start3A_2154 = tpu.memref_slice %arg7[%dma_start3A_2151, %dma_start3A_2152, %dma_start3A_2153] : memref<4x128x128xf32, #tpu.memory_space<vmem>> -> memref<1x128x128xf32, #tpu.memory_space<vmem>>
      %dma_start3A_2155 = tpu.memref_squeeze %dma_start3A_2154 : memref<1x128x128xf32, #tpu.memory_space<vmem>> -> memref<128x128xf32, #tpu.memory_space<vmem>>
      %dma_start3A_2156 = arith.constant 0 : i32
      %dma_start3A_2157 = tpu.memref_slice %arg6[%dma_start3A_2150, %dma_start3A_2156] : memref<16x128xi32, #tpu.memory_space<vmem>> -> memref<1x128xi32, #tpu.memory_space<vmem>>
      %dma_start3A_2158 = tpu.memref_squeeze %dma_start3A_2157 : memref<1x128xi32, #tpu.memory_space<vmem>> -> memref<128xi32, #tpu.memory_space<vmem>>
      %dma_start3A_2159 = arith.constant 0 : i32
      %dma_start3A_2160 = arith.constant 0 : i32
      %dma_start3A_2161 = tpu.memref_slice %arg2[%dma_start3A_2159, %dma_start3A_2160] : memref<204800x128xf32, #tpu.memory_space<hbm>> -> memref<204800x128xf32, #tpu.memory_space<hbm>>
      tpu.enqueue_indirect_dma source(%dma_start3A_2161 : memref<204800x128xf32, #tpu.memory_space<hbm>>) target(%dma_start3A_2155 : memref<128x128xf32, #tpu.memory_space<vmem>>) offsets(%dma_start3A_2158 : memref<128xi32, #tpu.memory_space<vmem>>) semaphore(%arg8 : memref<!tpu.dma_semaphore, #tpu.memory_space<semaphore_mem>>)
      %dma_wait3A_2162 = arith.constant 10 : i32
      %dma_wait3A_2163 = arith.constant 2 : i32
      %dma_wait3A_2164 = arith.constant 0 : i32
      %dma_wait3A_2165 = arith.constant 0 : i32
      %dma_wait3A_2166 = tpu.memref_slice %arg7[%dma_wait3A_2163, %dma_wait3A_2164, %dma_wait3A_2165] : memref<4x128x128xf32, #tpu.memory_space<vmem>> -> memref<1x128x128xf32, #tpu.memory_space<vmem>>
      %dma_wait3A_2167 = tpu.memref_squeeze %dma_wait3A_2166 : memref<1x128x128xf32, #tpu.memory_space<vmem>> -> memref<128x128xf32, #tpu.memory_space<vmem>>
      %dma_wait3A_2168 = arith.constant 0 : i32
      %dma_wait3A_2169 = tpu.memref_slice %arg6[%dma_wait3A_2162, %dma_wait3A_2168] : memref<16x128xi32, #tpu.memory_space<vmem>> -> memref<1x128xi32, #tpu.memory_space<vmem>>
      %dma_wait3A_2170 = tpu.memref_squeeze %dma_wait3A_2169 : memref<1x128xi32, #tpu.memory_space<vmem>> -> memref<128xi32, #tpu.memory_space<vmem>>
      %dma_wait3A_2171 = arith.constant 0 : i32
      %dma_wait3A_2172 = arith.constant 0 : i32
      %dma_wait3A_2173 = tpu.memref_slice %arg2[%dma_wait3A_2171, %dma_wait3A_2172] : memref<204800x128xf32, #tpu.memory_space<hbm>> -> memref<204800x128xf32, #tpu.memory_space<hbm>>
      tpu.wait_indirect_dma semaphore(%arg8 : memref<!tpu.dma_semaphore, #tpu.memory_space<semaphore_mem>>) src(%dma_wait3A_2173 : memref<204800x128xf32, #tpu.memory_space<hbm>>) dst(%dma_wait3A_2167 : memref<128x128xf32, #tpu.memory_space<vmem>>)
      %add3A_2174 = arith.constant 1 : i32
      %add3A_2175 = arith.addi %mul3A_4, %add3A_2174 : i32
      %mul3A_2176 = arith.constant 1024 : i32
      %mul3A_2177 = arith.muli %add3A_2175, %mul3A_2176 : i32
      %add3A_2178 = arith.constant 256 : i32
      %add3A_2179 = arith.addi %mul3A_2177, %add3A_2178 : i32
      %dma_start3A_2180 = arith.constant 2 : i32
      %dma_start3A_2181 = arith.constant 0 : i32
      %dma_start3A_2182 = arith.constant 0 : i32
      %dma_start3A_2183 = tpu.memref_slice %arg7[%dma_start3A_2180, %dma_start3A_2181, %dma_start3A_2182] : memref<4x128x128xf32, #tpu.memory_space<vmem>> -> memref<1x128x128xf32, #tpu.memory_space<vmem>>
      %dma_start3A_2184 = tpu.memref_squeeze %dma_start3A_2183 : memref<1x128x128xf32, #tpu.memory_space<vmem>> -> memref<128x128xf32, #tpu.memory_space<vmem>>
      %dma_start3A_2185 = arith.constant 0 : i32
      %dma_start3A_2186 = tpu.memref_slice %arg4[%add3A_2179, %dma_start3A_2185] : memref<51200x128xf32, #tpu.memory_space<hbm>> -> memref<128x128xf32, #tpu.memory_space<hbm>>
      %dma_start3A_2187 = arith.constant 0 : i32
      %dma_start3A_2188 = tpu.memref_slice %arg4[%add3A_2179, %dma_start3A_2187] : memref<51200x128xf32, #tpu.memory_space<hbm>> -> memref<128x128xf32, #tpu.memory_space<hbm>>
      %dma_start3A_2189 = arith.constant 0 : i32
      %dma_start3A_2190 = arith.constant 0 : i32
      %dma_start3A_2191 = tpu.memref_slice %arg7[%dma_start3A_2180, %dma_start3A_2189, %dma_start3A_2190] : memref<4x128x128xf32, #tpu.memory_space<vmem>> -> memref<1x128x128xf32, #tpu.memory_space<vmem>>
      %dma_start3A_2192 = tpu.memref_squeeze %dma_start3A_2191 : memref<1x128x128xf32, #tpu.memory_space<vmem>> -> memref<128x128xf32, #tpu.memory_space<vmem>>
      tpu.enqueue_dma source(%dma_start3A_2192 : memref<128x128xf32, #tpu.memory_space<vmem>>) target(%dma_start3A_2188 : memref<128x128xf32, #tpu.memory_space<hbm>>) target_semaphore(%arg9 : memref<!tpu.dma_semaphore, #tpu.memory_space<semaphore_mem>>)
      %dma_wait3A_2193 = arith.constant 2 : i32
      %dma_wait3A_2194 = arith.constant 0 : i32
      %dma_wait3A_2195 = arith.constant 0 : i32
      %dma_wait3A_2196 = tpu.memref_slice %arg7[%dma_wait3A_2193, %dma_wait3A_2194, %dma_wait3A_2195] : memref<4x128x128xf32, #tpu.memory_space<vmem>> -> memref<1x128x128xf32, #tpu.memory_space<vmem>>
      %dma_wait3A_2197 = tpu.memref_squeeze %dma_wait3A_2196 : memref<1x128x128xf32, #tpu.memory_space<vmem>> -> memref<128x128xf32, #tpu.memory_space<vmem>>
      %dma_wait3A_2198 = arith.constant 0 : i32
      %dma_wait3A_2199 = tpu.memref_slice %arg4[%add3A_2179, %dma_wait3A_2198] : memref<51200x128xf32, #tpu.memory_space<hbm>> -> memref<128x128xf32, #tpu.memory_space<hbm>>
      %dma_wait3A_2200 = arith.constant 0 : i32
      %dma_wait3A_2201 = tpu.memref_slice %arg4[%add3A_2179, %dma_wait3A_2200] : memref<51200x128xf32, #tpu.memory_space<hbm>> -> memref<128x128xf32, #tpu.memory_space<hbm>>
      %dma_wait3A_2202 = arith.constant 0 : i32
      %dma_wait3A_2203 = arith.constant 0 : i32
      %dma_wait3A_2204 = tpu.memref_slice %arg7[%dma_wait3A_2193, %dma_wait3A_2202, %dma_wait3A_2203] : memref<4x128x128xf32, #tpu.memory_space<vmem>> -> memref<1x128x128xf32, #tpu.memory_space<vmem>>
      %dma_wait3A_2205 = tpu.memref_squeeze %dma_wait3A_2204 : memref<1x128x128xf32, #tpu.memory_space<vmem>> -> memref<128x128xf32, #tpu.memory_space<vmem>>
      tpu.wait_dma2 semaphore(%arg9 : memref<!tpu.dma_semaphore, #tpu.memory_space<semaphore_mem>>) src(%dma_wait3A_2205 : memref<128x128xf32, #tpu.memory_space<vmem>>) dst(%dma_wait3A_2201 : memref<128x128xf32, #tpu.memory_space<hbm>>)
      %add3A_2206 = arith.constant 1 : i32
      %add3A_2207 = arith.addi %mul3A_4, %add3A_2206 : i32
      %mul3A_2208 = arith.constant 16 : i32
      %mul3A_2209 = arith.muli %add3A_2207, %mul3A_2208 : i32
      %get3A_2210 = arith.index_cast %mul3A_2209 : i32 to index
      %get3A_2211 = tpu.vector_load %arg5[%get3A_2210] {strides = array<i32>} : memref<800xi32, #tpu.memory_space<vmem>>, vector<16xi32>,
      %get3A_2212 = vector.shape_cast %get3A_2211 : vector<16xi32> to vector<16xi32>
      %broadcast_in_dim3A_2213 = arith.constant 768 : i32
      %broadcast_in_dim3A_2214 = vector.broadcast %broadcast_in_dim3A_2213 : i32 to vector<16xi32>
      %add3A_2215 = arith.addi %broadcast_in_dim3A_2214, %iota3A : vector<16xi32>
      %mul3A_2216 = arith.constant 200 : i32
      %mul3A_2217 = vector.broadcast %mul3A_2216 : i32 to vector<16xi32>
      %mul3A_2218 = arith.muli %add3A_2215, %mul3A_2217 : vector<16xi32>
      %add3A_2219 = arith.addi %mul3A_2218, %get3A_2212 : vector<16xi32>
      %swap3A_2220 = arith.constant 14 : i32
      %swap3A_2221 = arith.index_cast %swap3A_2220 : i32 to index
      %swap3A_2222 = arith.constant 0 : index
      %swap3A_2223 = tpu.vector_load %arg6[%swap3A_2221, %swap3A_2222] {strides = array<i32>} : memref<16x128xi32, #tpu.memory_space<vmem>>, vector<1x16xi32>,
      %swap3A_2224 = vector.shape_cast %swap3A_2223 : vector<1x16xi32> to vector<16xi32>
      %swap3A_2225 = vector.shape_cast %add3A_2219 : vector<16xi32> to vector<1x16xi32>
      tpu.vector_store %arg6[%swap3A_2221, %swap3A_2222], %swap3A_2225 {strides = array<i32>} : memref<16x128xi32, #tpu.memory_space<vmem>>, vector<1x16xi32>,
      %broadcast_in_dim3A_2226 = arith.constant 784 : i32
      %broadcast_in_dim3A_2227 = vector.broadcast %broadcast_in_dim3A_2226 : i32 to vector<16xi32>
      %add3A_2228 = arith.addi %broadcast_in_dim3A_2227, %iota3A : vector<16xi32>
      %mul3A_2229 = arith.constant 200 : i32
      %mul3A_2230 = vector.broadcast %mul3A_2229 : i32 to vector<16xi32>
      %mul3A_2231 = arith.muli %add3A_2228, %mul3A_2230 : vector<16xi32>
      %add3A_2232 = arith.addi %mul3A_2231, %get3A_2212 : vector<16xi32>
      %swap3A_2233 = arith.constant 14 : i32
      %swap3A_2234 = arith.index_cast %swap3A_2233 : i32 to index
      %swap3A_2235 = arith.constant 16 : index
      %swap3A_2236 = tpu.vector_load %arg6[%swap3A_2234, %swap3A_2235] {strides = array<i32>} : memref<16x128xi32, #tpu.memory_space<vmem>>, vector<1x16xi32>,
      %swap3A_2237 = vector.shape_cast %swap3A_2236 : vector<1x16xi32> to vector<16xi32>
      %swap3A_2238 = vector.shape_cast %add3A_2232 : vector<16xi32> to vector<1x16xi32>
      tpu.vector_store %arg6[%swap3A_2234, %swap3A_2235], %swap3A_2238 {strides = array<i32>} : memref<16x128xi32, #tpu.memory_space<vmem>>, vector<1x16xi32>,
      %broadcast_in_dim3A_2239 = arith.constant 800 : i32
      %broadcast_in_dim3A_2240 = vector.broadcast %broadcast_in_dim3A_2239 : i32 to vector<16xi32>
      %add3A_2241 = arith.addi %broadcast_in_dim3A_2240, %iota3A : vector<16xi32>
      %mul3A_2242 = arith.constant 200 : i32
      %mul3A_2243 = vector.broadcast %mul3A_2242 : i32 to vector<16xi32>
      %mul3A_2244 = arith.muli %add3A_2241, %mul3A_2243 : vector<16xi32>
      %add3A_2245 = arith.addi %mul3A_2244, %get3A_2212 : vector<16xi32>
      %swap3A_2246 = arith.constant 14 : i32
      %swap3A_2247 = arith.index_cast %swap3A_2246 : i32 to index
      %swap3A_2248 = arith.constant 32 : index
      %swap3A_2249 = tpu.vector_load %arg6[%swap3A_2247, %swap3A_2248] {strides = array<i32>} : memref<16x128xi32, #tpu.memory_space<vmem>>, vector<1x16xi32>,
      %swap3A_2250 = vector.shape_cast %swap3A_2249 : vector<1x16xi32> to vector<16xi32>
      %swap3A_2251 = vector.shape_cast %add3A_2245 : vector<16xi32> to vector<1x16xi32>
      tpu.vector_store %arg6[%swap3A_2247, %swap3A_2248], %swap3A_2251 {strides = array<i32>} : memref<16x128xi32, #tpu.memory_space<vmem>>, vector<1x16xi32>,
      %broadcast_in_dim3A_2252 = arith.constant 816 : i32
      %broadcast_in_dim3A_2253 = vector.broadcast %broadcast_in_dim3A_2252 : i32 to vector<16xi32>
      %add3A_2254 = arith.addi %broadcast_in_dim3A_2253, %iota3A : vector<16xi32>
      %mul3A_2255 = arith.constant 200 : i32
      %mul3A_2256 = vector.broadcast %mul3A_2255 : i32 to vector<16xi32>
      %mul3A_2257 = arith.muli %add3A_2254, %mul3A_2256 : vector<16xi32>
      %add3A_2258 = arith.addi %mul3A_2257, %get3A_2212 : vector<16xi32>
      %swap3A_2259 = arith.constant 14 : i32
      %swap3A_2260 = arith.index_cast %swap3A_2259 : i32 to index
      %swap3A_2261 = arith.constant 48 : index
      %swap3A_2262 = tpu.vector_load %arg6[%swap3A_2260, %swap3A_2261] {strides = array<i32>} : memref<16x128xi32, #tpu.memory_space<vmem>>, vector<1x16xi32>,
      %swap3A_2263 = vector.shape_cast %swap3A_2262 : vector<1x16xi32> to vector<16xi32>
      %swap3A_2264 = vector.shape_cast %add3A_2258 : vector<16xi32> to vector<1x16xi32>
      tpu.vector_store %arg6[%swap3A_2260, %swap3A_2261], %swap3A_2264 {strides = array<i32>} : memref<16x128xi32, #tpu.memory_space<vmem>>, vector<1x16xi32>,
      %broadcast_in_dim3A_2265 = arith.constant 832 : i32
      %broadcast_in_dim3A_2266 = vector.broadcast %broadcast_in_dim3A_2265 : i32 to vector<16xi32>
      %add3A_2267 = arith.addi %broadcast_in_dim3A_2266, %iota3A : vector<16xi32>
      %mul3A_2268 = arith.constant 200 : i32
      %mul3A_2269 = vector.broadcast %mul3A_2268 : i32 to vector<16xi32>
      %mul3A_2270 = arith.muli %add3A_2267, %mul3A_2269 : vector<16xi32>
      %add3A_2271 = arith.addi %mul3A_2270, %get3A_2212 : vector<16xi32>
      %swap3A_2272 = arith.constant 14 : i32
      %swap3A_2273 = arith.index_cast %swap3A_2272 : i32 to index
      %swap3A_2274 = arith.constant 64 : index
      %swap3A_2275 = tpu.vector_load %arg6[%swap3A_2273, %swap3A_2274] {strides = array<i32>} : memref<16x128xi32, #tpu.memory_space<vmem>>, vector<1x16xi32>,
      %swap3A_2276 = vector.shape_cast %swap3A_2275 : vector<1x16xi32> to vector<16xi32>
      %swap3A_2277 = vector.shape_cast %add3A_2271 : vector<16xi32> to vector<1x16xi32>
      tpu.vector_store %arg6[%swap3A_2273, %swap3A_2274], %swap3A_2277 {strides = array<i32>} : memref<16x128xi32, #tpu.memory_space<vmem>>, vector<1x16xi32>,
      %broadcast_in_dim3A_2278 = arith.constant 848 : i32
      %broadcast_in_dim3A_2279 = vector.broadcast %broadcast_in_dim3A_2278 : i32 to vector<16xi32>
      %add3A_2280 = arith.addi %broadcast_in_dim3A_2279, %iota3A : vector<16xi32>
      %mul3A_2281 = arith.constant 200 : i32
      %mul3A_2282 = vector.broadcast %mul3A_2281 : i32 to vector<16xi32>
      %mul3A_2283 = arith.muli %add3A_2280, %mul3A_2282 : vector<16xi32>
      %add3A_2284 = arith.addi %mul3A_2283, %get3A_2212 : vector<16xi32>
      %swap3A_2285 = arith.constant 14 : i32
      %swap3A_2286 = arith.index_cast %swap3A_2285 : i32 to index
      %swap3A_2287 = arith.constant 80 : index
      %swap3A_2288 = tpu.vector_load %arg6[%swap3A_2286, %swap3A_2287] {strides = array<i32>} : memref<16x128xi32, #tpu.memory_space<vmem>>, vector<1x16xi32>,
      %swap3A_2289 = vector.shape_cast %swap3A_2288 : vector<1x16xi32> to vector<16xi32>
      %swap3A_2290 = vector.shape_cast %add3A_2284 : vector<16xi32> to vector<1x16xi32>
      tpu.vector_store %arg6[%swap3A_2286, %swap3A_2287], %swap3A_2290 {strides = array<i32>} : memref<16x128xi32, #tpu.memory_space<vmem>>, vector<1x16xi32>,
      %broadcast_in_dim3A_2291 = arith.constant 864 : i32
      %broadcast_in_dim3A_2292 = vector.broadcast %broadcast_in_dim3A_2291 : i32 to vector<16xi32>
      %add3A_2293 = arith.addi %broadcast_in_dim3A_2292, %iota3A : vector<16xi32>
      %mul3A_2294 = arith.constant 200 : i32
      %mul3A_2295 = vector.broadcast %mul3A_2294 : i32 to vector<16xi32>
      %mul3A_2296 = arith.muli %add3A_2293, %mul3A_2295 : vector<16xi32>
      %add3A_2297 = arith.addi %mul3A_2296, %get3A_2212 : vector<16xi32>
      %swap3A_2298 = arith.constant 14 : i32
      %swap3A_2299 = arith.index_cast %swap3A_2298 : i32 to index
      %swap3A_2300 = arith.constant 96 : index
      %swap3A_2301 = tpu.vector_load %arg6[%swap3A_2299, %swap3A_2300] {strides = array<i32>} : memref<16x128xi32, #tpu.memory_space<vmem>>, vector<1x16xi32>,
      %swap3A_2302 = vector.shape_cast %swap3A_2301 : vector<1x16xi32> to vector<16xi32>
      %swap3A_2303 = vector.shape_cast %add3A_2297 : vector<16xi32> to vector<1x16xi32>
      tpu.vector_store %arg6[%swap3A_2299, %swap3A_2300], %swap3A_2303 {strides = array<i32>} : memref<16x128xi32, #tpu.memory_space<vmem>>, vector<1x16xi32>,
      %broadcast_in_dim3A_2304 = arith.constant 880 : i32
      %broadcast_in_dim3A_2305 = vector.broadcast %broadcast_in_dim3A_2304 : i32 to vector<16xi32>
      %add3A_2306 = arith.addi %broadcast_in_dim3A_2305, %iota3A : vector<16xi32>
      %mul3A_2307 = arith.constant 200 : i32
      %mul3A_2308 = vector.broadcast %mul3A_2307 : i32 to vector<16xi32>
      %mul3A_2309 = arith.muli %add3A_2306, %mul3A_2308 : vector<16xi32>
      %add3A_2310 = arith.addi %mul3A_2309, %get3A_2212 : vector<16xi32>
      %swap3A_2311 = arith.constant 14 : i32
      %swap3A_2312 = arith.index_cast %swap3A_2311 : i32 to index
      %swap3A_2313 = arith.constant 112 : index
      %swap3A_2314 = tpu.vector_load %arg6[%swap3A_2312, %swap3A_2313] {strides = array<i32>} : memref<16x128xi32, #tpu.memory_space<vmem>>, vector<1x16xi32>,
      %swap3A_2315 = vector.shape_cast %swap3A_2314 : vector<1x16xi32> to vector<16xi32>
      %swap3A_2316 = vector.shape_cast %add3A_2310 : vector<16xi32> to vector<1x16xi32>
      tpu.vector_store %arg6[%swap3A_2312, %swap3A_2313], %swap3A_2316 {strides = array<i32>} : memref<16x128xi32, #tpu.memory_space<vmem>>, vector<1x16xi32>,
      %dma_start3A_2317 = arith.constant 14 : i32
      %dma_start3A_2318 = arith.constant 2 : i32
      %dma_start3A_2319 = arith.constant 0 : i32
      %dma_start3A_2320 = arith.constant 0 : i32
      %dma_start3A_2321 = tpu.memref_slice %arg7[%dma_start3A_2318, %dma_start3A_2319, %dma_start3A_2320] : memref<4x128x128xf32, #tpu.memory_space<vmem>> -> memref<1x128x128xf32, #tpu.memory_space<vmem>>
      %dma_start3A_2322 = tpu.memref_squeeze %dma_start3A_2321 : memref<1x128x128xf32, #tpu.memory_space<vmem>> -> memref<128x128xf32, #tpu.memory_space<vmem>>
      %dma_start3A_2323 = arith.constant 0 : i32
      %dma_start3A_2324 = tpu.memref_slice %arg6[%dma_start3A_2317, %dma_start3A_2323] : memref<16x128xi32, #tpu.memory_space<vmem>> -> memref<1x128xi32, #tpu.memory_space<vmem>>
      %dma_start3A_2325 = tpu.memref_squeeze %dma_start3A_2324 : memref<1x128xi32, #tpu.memory_space<vmem>> -> memref<128xi32, #tpu.memory_space<vmem>>
      %dma_start3A_2326 = arith.constant 0 : i32
      %dma_start3A_2327 = arith.constant 0 : i32
      %dma_start3A_2328 = tpu.memref_slice %arg2[%dma_start3A_2326, %dma_start3A_2327] : memref<204800x128xf32, #tpu.memory_space<hbm>> -> memref<204800x128xf32, #tpu.memory_space<hbm>>
      tpu.enqueue_indirect_dma source(%dma_start3A_2328 : memref<204800x128xf32, #tpu.memory_space<hbm>>) target(%dma_start3A_2322 : memref<128x128xf32, #tpu.memory_space<vmem>>) offsets(%dma_start3A_2325 : memref<128xi32, #tpu.memory_space<vmem>>) semaphore(%arg8 : memref<!tpu.dma_semaphore, #tpu.memory_space<semaphore_mem>>)
      %dma_wait3A_2329 = arith.constant 11 : i32
      %dma_wait3A_2330 = arith.constant 3 : i32
      %dma_wait3A_2331 = arith.constant 0 : i32
      %dma_wait3A_2332 = arith.constant 0 : i32
      %dma_wait3A_2333 = tpu.memref_slice %arg7[%dma_wait3A_2330, %dma_wait3A_2331, %dma_wait3A_2332] : memref<4x128x128xf32, #tpu.memory_space<vmem>> -> memref<1x128x128xf32, #tpu.memory_space<vmem>>
      %dma_wait3A_2334 = tpu.memref_squeeze %dma_wait3A_2333 : memref<1x128x128xf32, #tpu.memory_space<vmem>> -> memref<128x128xf32, #tpu.memory_space<vmem>>
      %dma_wait3A_2335 = arith.constant 0 : i32
      %dma_wait3A_2336 = tpu.memref_slice %arg6[%dma_wait3A_2329, %dma_wait3A_2335] : memref<16x128xi32, #tpu.memory_space<vmem>> -> memref<1x128xi32, #tpu.memory_space<vmem>>
      %dma_wait3A_2337 = tpu.memref_squeeze %dma_wait3A_2336 : memref<1x128xi32, #tpu.memory_space<vmem>> -> memref<128xi32, #tpu.memory_space<vmem>>
      %dma_wait3A_2338 = arith.constant 0 : i32
      %dma_wait3A_2339 = arith.constant 0 : i32
      %dma_wait3A_2340 = tpu.memref_slice %arg2[%dma_wait3A_2338, %dma_wait3A_2339] : memref<204800x128xf32, #tpu.memory_space<hbm>> -> memref<204800x128xf32, #tpu.memory_space<hbm>>
      tpu.wait_indirect_dma semaphore(%arg8 : memref<!tpu.dma_semaphore, #tpu.memory_space<semaphore_mem>>) src(%dma_wait3A_2340 : memref<204800x128xf32, #tpu.memory_space<hbm>>) dst(%dma_wait3A_2334 : memref<128x128xf32, #tpu.memory_space<vmem>>)
      %add3A_2341 = arith.constant 1 : i32
      %add3A_2342 = arith.addi %mul3A_4, %add3A_2341 : i32
      %mul3A_2343 = arith.constant 1024 : i32
      %mul3A_2344 = arith.muli %add3A_2342, %mul3A_2343 : i32
      %add3A_2345 = arith.constant 384 : i32
      %add3A_2346 = arith.addi %mul3A_2344, %add3A_2345 : i32
      %dma_start3A_2347 = arith.constant 3 : i32
      %dma_start3A_2348 = arith.constant 0 : i32
      %dma_start3A_2349 = arith.constant 0 : i32
      %dma_start3A_2350 = tpu.memref_slice %arg7[%dma_start3A_2347, %dma_start3A_2348, %dma_start3A_2349] : memref<4x128x128xf32, #tpu.memory_space<vmem>> -> memref<1x128x128xf32, #tpu.memory_space<vmem>>
      %dma_start3A_2351 = tpu.memref_squeeze %dma_start3A_2350 : memref<1x128x128xf32, #tpu.memory_space<vmem>> -> memref<128x128xf32, #tpu.memory_space<vmem>>
      %dma_start3A_2352 = arith.constant 0 : i32
      %dma_start3A_2353 = tpu.memref_slice %arg4[%add3A_2346, %dma_start3A_2352] : memref<51200x128xf32, #tpu.memory_space<hbm>> -> memref<128x128xf32, #tpu.memory_space<hbm>>
      %dma_start3A_2354 = arith.constant 0 : i32
      %dma_start3A_2355 = tpu.memref_slice %arg4[%add3A_2346, %dma_start3A_2354] : memref<51200x128xf32, #tpu.memory_space<hbm>> -> memref<128x128xf32, #tpu.memory_space<hbm>>
      %dma_start3A_2356 = arith.constant 0 : i32
      %dma_start3A_2357 = arith.constant 0 : i32
      %dma_start3A_2358 = tpu.memref_slice %arg7[%dma_start3A_2347, %dma_start3A_2356, %dma_start3A_2357] : memref<4x128x128xf32, #tpu.memory_space<vmem>> -> memref<1x128x128xf32, #tpu.memory_space<vmem>>
      %dma_start3A_2359 = tpu.memref_squeeze %dma_start3A_2358 : memref<1x128x128xf32, #tpu.memory_space<vmem>> -> memref<128x128xf32, #tpu.memory_space<vmem>>
      tpu.enqueue_dma source(%dma_start3A_2359 : memref<128x128xf32, #tpu.memory_space<vmem>>) target(%dma_start3A_2355 : memref<128x128xf32, #tpu.memory_space<hbm>>) target_semaphore(%arg9 : memref<!tpu.dma_semaphore, #tpu.memory_space<semaphore_mem>>)
      %dma_wait3A_2360 = arith.constant 3 : i32
      %dma_wait3A_2361 = arith.constant 0 : i32
      %dma_wait3A_2362 = arith.constant 0 : i32
      %dma_wait3A_2363 = tpu.memref_slice %arg7[%dma_wait3A_2360, %dma_wait3A_2361, %dma_wait3A_2362] : memref<4x128x128xf32, #tpu.memory_space<vmem>> -> memref<1x128x128xf32, #tpu.memory_space<vmem>>
      %dma_wait3A_2364 = tpu.memref_squeeze %dma_wait3A_2363 : memref<1x128x128xf32, #tpu.memory_space<vmem>> -> memref<128x128xf32, #tpu.memory_space<vmem>>
      %dma_wait3A_2365 = arith.constant 0 : i32
      %dma_wait3A_2366 = tpu.memref_slice %arg4[%add3A_2346, %dma_wait3A_2365] : memref<51200x128xf32, #tpu.memory_space<hbm>> -> memref<128x128xf32, #tpu.memory_space<hbm>>
      %dma_wait3A_2367 = arith.constant 0 : i32
      %dma_wait3A_2368 = tpu.memref_slice %arg4[%add3A_2346, %dma_wait3A_2367] : memref<51200x128xf32, #tpu.memory_space<hbm>> -> memref<128x128xf32, #tpu.memory_space<hbm>>
      %dma_wait3A_2369 = arith.constant 0 : i32
      %dma_wait3A_2370 = arith.constant 0 : i32
      %dma_wait3A_2371 = tpu.memref_slice %arg7[%dma_wait3A_2360, %dma_wait3A_2369, %dma_wait3A_2370] : memref<4x128x128xf32, #tpu.memory_space<vmem>> -> memref<1x128x128xf32, #tpu.memory_space<vmem>>
      %dma_wait3A_2372 = tpu.memref_squeeze %dma_wait3A_2371 : memref<1x128x128xf32, #tpu.memory_space<vmem>> -> memref<128x128xf32, #tpu.memory_space<vmem>>
      tpu.wait_dma2 semaphore(%arg9 : memref<!tpu.dma_semaphore, #tpu.memory_space<semaphore_mem>>) src(%dma_wait3A_2372 : memref<128x128xf32, #tpu.memory_space<vmem>>) dst(%dma_wait3A_2368 : memref<128x128xf32, #tpu.memory_space<hbm>>)
      %add3A_2373 = arith.constant 1 : i32
      %add3A_2374 = arith.addi %mul3A_4, %add3A_2373 : i32
      %mul3A_2375 = arith.constant 16 : i32
      %mul3A_2376 = arith.muli %add3A_2374, %mul3A_2375 : i32
      %get3A_2377 = arith.index_cast %mul3A_2376 : i32 to index
      %get3A_2378 = tpu.vector_load %arg5[%get3A_2377] {strides = array<i32>} : memref<800xi32, #tpu.memory_space<vmem>>, vector<16xi32>,
      %get3A_2379 = vector.shape_cast %get3A_2378 : vector<16xi32> to vector<16xi32>
      %broadcast_in_dim3A_2380 = arith.constant 896 : i32
      %broadcast_in_dim3A_2381 = vector.broadcast %broadcast_in_dim3A_2380 : i32 to vector<16xi32>
      %add3A_2382 = arith.addi %broadcast_in_dim3A_2381, %iota3A : vector<16xi32>
      %mul3A_2383 = arith.constant 200 : i32
      %mul3A_2384 = vector.broadcast %mul3A_2383 : i32 to vector<16xi32>
      %mul3A_2385 = arith.muli %add3A_2382, %mul3A_2384 : vector<16xi32>
      %add3A_2386 = arith.addi %mul3A_2385, %get3A_2379 : vector<16xi32>
      %swap3A_2387 = arith.constant 15 : i32
      %swap3A_2388 = arith.index_cast %swap3A_2387 : i32 to index
      %swap3A_2389 = arith.constant 0 : index
      %swap3A_2390 = tpu.vector_load %arg6[%swap3A_2388, %swap3A_2389] {strides = array<i32>} : memref<16x128xi32, #tpu.memory_space<vmem>>, vector<1x16xi32>,
      %swap3A_2391 = vector.shape_cast %swap3A_2390 : vector<1x16xi32> to vector<16xi32>
      %swap3A_2392 = vector.shape_cast %add3A_2386 : vector<16xi32> to vector<1x16xi32>
      tpu.vector_store %arg6[%swap3A_2388, %swap3A_2389], %swap3A_2392 {strides = array<i32>} : memref<16x128xi32, #tpu.memory_space<vmem>>, vector<1x16xi32>,
      %broadcast_in_dim3A_2393 = arith.constant 912 : i32
      %broadcast_in_dim3A_2394 = vector.broadcast %broadcast_in_dim3A_2393 : i32 to vector<16xi32>
      %add3A_2395 = arith.addi %broadcast_in_dim3A_2394, %iota3A : vector<16xi32>
      %mul3A_2396 = arith.constant 200 : i32
      %mul3A_2397 = vector.broadcast %mul3A_2396 : i32 to vector<16xi32>
      %mul3A_2398 = arith.muli %add3A_2395, %mul3A_2397 : vector<16xi32>
      %add3A_2399 = arith.addi %mul3A_2398, %get3A_2379 : vector<16xi32>
      %swap3A_2400 = arith.constant 15 : i32
      %swap3A_2401 = arith.index_cast %swap3A_2400 : i32 to index
      %swap3A_2402 = arith.constant 16 : index
      %swap3A_2403 = tpu.vector_load %arg6[%swap3A_2401, %swap3A_2402] {strides = array<i32>} : memref<16x128xi32, #tpu.memory_space<vmem>>, vector<1x16xi32>,
      %swap3A_2404 = vector.shape_cast %swap3A_2403 : vector<1x16xi32> to vector<16xi32>
      %swap3A_2405 = vector.shape_cast %add3A_2399 : vector<16xi32> to vector<1x16xi32>
      tpu.vector_store %arg6[%swap3A_2401, %swap3A_2402], %swap3A_2405 {strides = array<i32>} : memref<16x128xi32, #tpu.memory_space<vmem>>, vector<1x16xi32>,
      %broadcast_in_dim3A_2406 = arith.constant 928 : i32
      %broadcast_in_dim3A_2407 = vector.broadcast %broadcast_in_dim3A_2406 : i32 to vector<16xi32>
      %add3A_2408 = arith.addi %broadcast_in_dim3A_2407, %iota3A : vector<16xi32>
      %mul3A_2409 = arith.constant 200 : i32
      %mul3A_2410 = vector.broadcast %mul3A_2409 : i32 to vector<16xi32>
      %mul3A_2411 = arith.muli %add3A_2408, %mul3A_2410 : vector<16xi32>
      %add3A_2412 = arith.addi %mul3A_2411, %get3A_2379 : vector<16xi32>
      %swap3A_2413 = arith.constant 15 : i32
      %swap3A_2414 = arith.index_cast %swap3A_2413 : i32 to index
      %swap3A_2415 = arith.constant 32 : index
      %swap3A_2416 = tpu.vector_load %arg6[%swap3A_2414, %swap3A_2415] {strides = array<i32>} : memref<16x128xi32, #tpu.memory_space<vmem>>, vector<1x16xi32>,
      %swap3A_2417 = vector.shape_cast %swap3A_2416 : vector<1x16xi32> to vector<16xi32>
      %swap3A_2418 = vector.shape_cast %add3A_2412 : vector<16xi32> to vector<1x16xi32>
      tpu.vector_store %arg6[%swap3A_2414, %swap3A_2415], %swap3A_2418 {strides = array<i32>} : memref<16x128xi32, #tpu.memory_space<vmem>>, vector<1x16xi32>,
      %broadcast_in_dim3A_2419 = arith.constant 944 : i32
      %broadcast_in_dim3A_2420 = vector.broadcast %broadcast_in_dim3A_2419 : i32 to vector<16xi32>
      %add3A_2421 = arith.addi %broadcast_in_dim3A_2420, %iota3A : vector<16xi32>
      %mul3A_2422 = arith.constant 200 : i32
      %mul3A_2423 = vector.broadcast %mul3A_2422 : i32 to vector<16xi32>
      %mul3A_2424 = arith.muli %add3A_2421, %mul3A_2423 : vector<16xi32>
      %add3A_2425 = arith.addi %mul3A_2424, %get3A_2379 : vector<16xi32>
      %swap3A_2426 = arith.constant 15 : i32
      %swap3A_2427 = arith.index_cast %swap3A_2426 : i32 to index
      %swap3A_2428 = arith.constant 48 : index
      %swap3A_2429 = tpu.vector_load %arg6[%swap3A_2427, %swap3A_2428] {strides = array<i32>} : memref<16x128xi32, #tpu.memory_space<vmem>>, vector<1x16xi32>,
      %swap3A_2430 = vector.shape_cast %swap3A_2429 : vector<1x16xi32> to vector<16xi32>
      %swap3A_2431 = vector.shape_cast %add3A_2425 : vector<16xi32> to vector<1x16xi32>
      tpu.vector_store %arg6[%swap3A_2427, %swap3A_2428], %swap3A_2431 {strides = array<i32>} : memref<16x128xi32, #tpu.memory_space<vmem>>, vector<1x16xi32>,
      %broadcast_in_dim3A_2432 = arith.constant 960 : i32
      %broadcast_in_dim3A_2433 = vector.broadcast %broadcast_in_dim3A_2432 : i32 to vector<16xi32>
      %add3A_2434 = arith.addi %broadcast_in_dim3A_2433, %iota3A : vector<16xi32>
      %mul3A_2435 = arith.constant 200 : i32
      %mul3A_2436 = vector.broadcast %mul3A_2435 : i32 to vector<16xi32>
      %mul3A_2437 = arith.muli %add3A_2434, %mul3A_2436 : vector<16xi32>
      %add3A_2438 = arith.addi %mul3A_2437, %get3A_2379 : vector<16xi32>
      %swap3A_2439 = arith.constant 15 : i32
      %swap3A_2440 = arith.index_cast %swap3A_2439 : i32 to index
      %swap3A_2441 = arith.constant 64 : index
      %swap3A_2442 = tpu.vector_load %arg6[%swap3A_2440, %swap3A_2441] {strides = array<i32>} : memref<16x128xi32, #tpu.memory_space<vmem>>, vector<1x16xi32>,
      %swap3A_2443 = vector.shape_cast %swap3A_2442 : vector<1x16xi32> to vector<16xi32>
      %swap3A_2444 = vector.shape_cast %add3A_2438 : vector<16xi32> to vector<1x16xi32>
      tpu.vector_store %arg6[%swap3A_2440, %swap3A_2441], %swap3A_2444 {strides = array<i32>} : memref<16x128xi32, #tpu.memory_space<vmem>>, vector<1x16xi32>,
      %broadcast_in_dim3A_2445 = arith.constant 976 : i32
      %broadcast_in_dim3A_2446 = vector.broadcast %broadcast_in_dim3A_2445 : i32 to vector<16xi32>
      %add3A_2447 = arith.addi %broadcast_in_dim3A_2446, %iota3A : vector<16xi32>
      %mul3A_2448 = arith.constant 200 : i32
      %mul3A_2449 = vector.broadcast %mul3A_2448 : i32 to vector<16xi32>
      %mul3A_2450 = arith.muli %add3A_2447, %mul3A_2449 : vector<16xi32>
      %add3A_2451 = arith.addi %mul3A_2450, %get3A_2379 : vector<16xi32>
      %swap3A_2452 = arith.constant 15 : i32
      %swap3A_2453 = arith.index_cast %swap3A_2452 : i32 to index
      %swap3A_2454 = arith.constant 80 : index
      %swap3A_2455 = tpu.vector_load %arg6[%swap3A_2453, %swap3A_2454] {strides = array<i32>} : memref<16x128xi32, #tpu.memory_space<vmem>>, vector<1x16xi32>,
      %swap3A_2456 = vector.shape_cast %swap3A_2455 : vector<1x16xi32> to vector<16xi32>
      %swap3A_2457 = vector.shape_cast %add3A_2451 : vector<16xi32> to vector<1x16xi32>
      tpu.vector_store %arg6[%swap3A_2453, %swap3A_2454], %swap3A_2457 {strides = array<i32>} : memref<16x128xi32, #tpu.memory_space<vmem>>, vector<1x16xi32>,
      %broadcast_in_dim3A_2458 = arith.constant 992 : i32
      %broadcast_in_dim3A_2459 = vector.broadcast %broadcast_in_dim3A_2458 : i32 to vector<16xi32>
      %add3A_2460 = arith.addi %broadcast_in_dim3A_2459, %iota3A : vector<16xi32>
      %mul3A_2461 = arith.constant 200 : i32
      %mul3A_2462 = vector.broadcast %mul3A_2461 : i32 to vector<16xi32>
      %mul3A_2463 = arith.muli %add3A_2460, %mul3A_2462 : vector<16xi32>
      %add3A_2464 = arith.addi %mul3A_2463, %get3A_2379 : vector<16xi32>
      %swap3A_2465 = arith.constant 15 : i32
      %swap3A_2466 = arith.index_cast %swap3A_2465 : i32 to index
      %swap3A_2467 = arith.constant 96 : index
      %swap3A_2468 = tpu.vector_load %arg6[%swap3A_2466, %swap3A_2467] {strides = array<i32>} : memref<16x128xi32, #tpu.memory_space<vmem>>, vector<1x16xi32>,
      %swap3A_2469 = vector.shape_cast %swap3A_2468 : vector<1x16xi32> to vector<16xi32>
      %swap3A_2470 = vector.shape_cast %add3A_2464 : vector<16xi32> to vector<1x16xi32>
      tpu.vector_store %arg6[%swap3A_2466, %swap3A_2467], %swap3A_2470 {strides = array<i32>} : memref<16x128xi32, #tpu.memory_space<vmem>>, vector<1x16xi32>,
      %broadcast_in_dim3A_2471 = arith.constant 1008 : i32
      %broadcast_in_dim3A_2472 = vector.broadcast %broadcast_in_dim3A_2471 : i32 to vector<16xi32>
      %add3A_2473 = arith.addi %broadcast_in_dim3A_2472, %iota3A : vector<16xi32>
      %mul3A_2474 = arith.constant 200 : i32
      %mul3A_2475 = vector.broadcast %mul3A_2474 : i32 to vector<16xi32>
      %mul3A_2476 = arith.muli %add3A_2473, %mul3A_2475 : vector<16xi32>
      %add3A_2477 = arith.addi %mul3A_2476, %get3A_2379 : vector<16xi32>
      %swap3A_2478 = arith.constant 15 : i32
      %swap3A_2479 = arith.index_cast %swap3A_2478 : i32 to index
      %swap3A_2480 = arith.constant 112 : index
      %swap3A_2481 = tpu.vector_load %arg6[%swap3A_2479, %swap3A_2480] {strides = array<i32>} : memref<16x128xi32, #tpu.memory_space<vmem>>, vector<1x16xi32>,
      %swap3A_2482 = vector.shape_cast %swap3A_2481 : vector<1x16xi32> to vector<16xi32>
      %swap3A_2483 = vector.shape_cast %add3A_2477 : vector<16xi32> to vector<1x16xi32>
      tpu.vector_store %arg6[%swap3A_2479, %swap3A_2480], %swap3A_2483 {strides = array<i32>} : memref<16x128xi32, #tpu.memory_space<vmem>>, vector<1x16xi32>,
      %dma_start3A_2484 = arith.constant 15 : i32
      %dma_start3A_2485 = arith.constant 3 : i32
      %dma_start3A_2486 = arith.constant 0 : i32
      %dma_start3A_2487 = arith.constant 0 : i32
      %dma_start3A_2488 = tpu.memref_slice %arg7[%dma_start3A_2485, %dma_start3A_2486, %dma_start3A_2487] : memref<4x128x128xf32, #tpu.memory_space<vmem>> -> memref<1x128x128xf32, #tpu.memory_space<vmem>>
      %dma_start3A_2489 = tpu.memref_squeeze %dma_start3A_2488 : memref<1x128x128xf32, #tpu.memory_space<vmem>> -> memref<128x128xf32, #tpu.memory_space<vmem>>
      %dma_start3A_2490 = arith.constant 0 : i32
      %dma_start3A_2491 = tpu.memref_slice %arg6[%dma_start3A_2484, %dma_start3A_2490] : memref<16x128xi32, #tpu.memory_space<vmem>> -> memref<1x128xi32, #tpu.memory_space<vmem>>
      %dma_start3A_2492 = tpu.memref_squeeze %dma_start3A_2491 : memref<1x128xi32, #tpu.memory_space<vmem>> -> memref<128xi32, #tpu.memory_space<vmem>>
      %dma_start3A_2493 = arith.constant 0 : i32
      %dma_start3A_2494 = arith.constant 0 : i32
      %dma_start3A_2495 = tpu.memref_slice %arg2[%dma_start3A_2493, %dma_start3A_2494] : memref<204800x128xf32, #tpu.memory_space<hbm>> -> memref<204800x128xf32, #tpu.memory_space<hbm>>
      tpu.enqueue_indirect_dma source(%dma_start3A_2495 : memref<204800x128xf32, #tpu.memory_space<hbm>>) target(%dma_start3A_2489 : memref<128x128xf32, #tpu.memory_space<vmem>>) offsets(%dma_start3A_2492 : memref<128xi32, #tpu.memory_space<vmem>>) semaphore(%arg8 : memref<!tpu.dma_semaphore, #tpu.memory_space<semaphore_mem>>)
      %dma_wait3A_2496 = arith.constant 12 : i32
      %dma_wait3A_2497 = arith.constant 0 : i32
      %dma_wait3A_2498 = arith.constant 0 : i32
      %dma_wait3A_2499 = arith.constant 0 : i32
      %dma_wait3A_2500 = tpu.memref_slice %arg7[%dma_wait3A_2497, %dma_wait3A_2498, %dma_wait3A_2499] : memref<4x128x128xf32, #tpu.memory_space<vmem>> -> memref<1x128x128xf32, #tpu.memory_space<vmem>>
      %dma_wait3A_2501 = tpu.memref_squeeze %dma_wait3A_2500 : memref<1x128x128xf32, #tpu.memory_space<vmem>> -> memref<128x128xf32, #tpu.memory_space<vmem>>
      %dma_wait3A_2502 = arith.constant 0 : i32
      %dma_wait3A_2503 = tpu.memref_slice %arg6[%dma_wait3A_2496, %dma_wait3A_2502] : memref<16x128xi32, #tpu.memory_space<vmem>> -> memref<1x128xi32, #tpu.memory_space<vmem>>
      %dma_wait3A_2504 = tpu.memref_squeeze %dma_wait3A_2503 : memref<1x128xi32, #tpu.memory_space<vmem>> -> memref<128xi32, #tpu.memory_space<vmem>>
      %dma_wait3A_2505 = arith.constant 0 : i32
      %dma_wait3A_2506 = arith.constant 0 : i32
      %dma_wait3A_2507 = tpu.memref_slice %arg2[%dma_wait3A_2505, %dma_wait3A_2506] : memref<204800x128xf32, #tpu.memory_space<hbm>> -> memref<204800x128xf32, #tpu.memory_space<hbm>>
      tpu.wait_indirect_dma semaphore(%arg8 : memref<!tpu.dma_semaphore, #tpu.memory_space<semaphore_mem>>) src(%dma_wait3A_2507 : memref<204800x128xf32, #tpu.memory_space<hbm>>) dst(%dma_wait3A_2501 : memref<128x128xf32, #tpu.memory_space<vmem>>)
      %add3A_2508 = arith.constant 1 : i32
      %add3A_2509 = arith.addi %mul3A_4, %add3A_2508 : i32
      %mul3A_2510 = arith.constant 1024 : i32
      %mul3A_2511 = arith.muli %add3A_2509, %mul3A_2510 : i32
      %add3A_2512 = arith.constant 512 : i32
      %add3A_2513 = arith.addi %mul3A_2511, %add3A_2512 : i32
      %dma_start3A_2514 = arith.constant 0 : i32
      %dma_start3A_2515 = arith.constant 0 : i32
      %dma_start3A_2516 = arith.constant 0 : i32
      %dma_start3A_2517 = tpu.memref_slice %arg7[%dma_start3A_2514, %dma_start3A_2515, %dma_start3A_2516] : memref<4x128x128xf32, #tpu.memory_space<vmem>> -> memref<1x128x128xf32, #tpu.memory_space<vmem>>
      %dma_start3A_2518 = tpu.memref_squeeze %dma_start3A_2517 : memref<1x128x128xf32, #tpu.memory_space<vmem>> -> memref<128x128xf32, #tpu.memory_space<vmem>>
      %dma_start3A_2519 = arith.constant 0 : i32
      %dma_start3A_2520 = tpu.memref_slice %arg4[%add3A_2513, %dma_start3A_2519] : memref<51200x128xf32, #tpu.memory_space<hbm>> -> memref<128x128xf32, #tpu.memory_space<hbm>>
      %dma_start3A_2521 = arith.constant 0 : i32
      %dma_start3A_2522 = tpu.memref_slice %arg4[%add3A_2513, %dma_start3A_2521] : memref<51200x128xf32, #tpu.memory_space<hbm>> -> memref<128x128xf32, #tpu.memory_space<hbm>>
      %dma_start3A_2523 = arith.constant 0 : i32
      %dma_start3A_2524 = arith.constant 0 : i32
      %dma_start3A_2525 = tpu.memref_slice %arg7[%dma_start3A_2514, %dma_start3A_2523, %dma_start3A_2524] : memref<4x128x128xf32, #tpu.memory_space<vmem>> -> memref<1x128x128xf32, #tpu.memory_space<vmem>>
      %dma_start3A_2526 = tpu.memref_squeeze %dma_start3A_2525 : memref<1x128x128xf32, #tpu.memory_space<vmem>> -> memref<128x128xf32, #tpu.memory_space<vmem>>
      tpu.enqueue_dma source(%dma_start3A_2526 : memref<128x128xf32, #tpu.memory_space<vmem>>) target(%dma_start3A_2522 : memref<128x128xf32, #tpu.memory_space<hbm>>) target_semaphore(%arg9 : memref<!tpu.dma_semaphore, #tpu.memory_space<semaphore_mem>>)
      %dma_wait3A_2527 = arith.constant 13 : i32
      %dma_wait3A_2528 = arith.constant 1 : i32
      %dma_wait3A_2529 = arith.constant 0 : i32
      %dma_wait3A_2530 = arith.constant 0 : i32
      %dma_wait3A_2531 = tpu.memref_slice %arg7[%dma_wait3A_2528, %dma_wait3A_2529, %dma_wait3A_2530] : memref<4x128x128xf32, #tpu.memory_space<vmem>> -> memref<1x128x128xf32, #tpu.memory_space<vmem>>
      %dma_wait3A_2532 = tpu.memref_squeeze %dma_wait3A_2531 : memref<1x128x128xf32, #tpu.memory_space<vmem>> -> memref<128x128xf32, #tpu.memory_space<vmem>>
      %dma_wait3A_2533 = arith.constant 0 : i32
      %dma_wait3A_2534 = tpu.memref_slice %arg6[%dma_wait3A_2527, %dma_wait3A_2533] : memref<16x128xi32, #tpu.memory_space<vmem>> -> memref<1x128xi32, #tpu.memory_space<vmem>>
      %dma_wait3A_2535 = tpu.memref_squeeze %dma_wait3A_2534 : memref<1x128xi32, #tpu.memory_space<vmem>> -> memref<128xi32, #tpu.memory_space<vmem>>
      %dma_wait3A_2536 = arith.constant 0 : i32
      %dma_wait3A_2537 = arith.constant 0 : i32
      %dma_wait3A_2538 = tpu.memref_slice %arg2[%dma_wait3A_2536, %dma_wait3A_2537] : memref<204800x128xf32, #tpu.memory_space<hbm>> -> memref<204800x128xf32, #tpu.memory_space<hbm>>
      tpu.wait_indirect_dma semaphore(%arg8 : memref<!tpu.dma_semaphore, #tpu.memory_space<semaphore_mem>>) src(%dma_wait3A_2538 : memref<204800x128xf32, #tpu.memory_space<hbm>>) dst(%dma_wait3A_2532 : memref<128x128xf32, #tpu.memory_space<vmem>>)
      %add3A_2539 = arith.constant 1 : i32
      %add3A_2540 = arith.addi %mul3A_4, %add3A_2539 : i32
      %mul3A_2541 = arith.constant 1024 : i32
      %mul3A_2542 = arith.muli %add3A_2540, %mul3A_2541 : i32
      %add3A_2543 = arith.constant 640 : i32
      %add3A_2544 = arith.addi %mul3A_2542, %add3A_2543 : i32
      %dma_start3A_2545 = arith.constant 1 : i32
      %dma_start3A_2546 = arith.constant 0 : i32
      %dma_start3A_2547 = arith.constant 0 : i32
      %dma_start3A_2548 = tpu.memref_slice %arg7[%dma_start3A_2545, %dma_start3A_2546, %dma_start3A_2547] : memref<4x128x128xf32, #tpu.memory_space<vmem>> -> memref<1x128x128xf32, #tpu.memory_space<vmem>>
      %dma_start3A_2549 = tpu.memref_squeeze %dma_start3A_2548 : memref<1x128x128xf32, #tpu.memory_space<vmem>> -> memref<128x128xf32, #tpu.memory_space<vmem>>
      %dma_start3A_2550 = arith.constant 0 : i32
      %dma_start3A_2551 = tpu.memref_slice %arg4[%add3A_2544, %dma_start3A_2550] : memref<51200x128xf32, #tpu.memory_space<hbm>> -> memref<128x128xf32, #tpu.memory_space<hbm>>
      %dma_start3A_2552 = arith.constant 0 : i32
      %dma_start3A_2553 = tpu.memref_slice %arg4[%add3A_2544, %dma_start3A_2552] : memref<51200x128xf32, #tpu.memory_space<hbm>> -> memref<128x128xf32, #tpu.memory_space<hbm>>
      %dma_start3A_2554 = arith.constant 0 : i32
      %dma_start3A_2555 = arith.constant 0 : i32
      %dma_start3A_2556 = tpu.memref_slice %arg7[%dma_start3A_2545, %dma_start3A_2554, %dma_start3A_2555] : memref<4x128x128xf32, #tpu.memory_space<vmem>> -> memref<1x128x128xf32, #tpu.memory_space<vmem>>
      %dma_start3A_2557 = tpu.memref_squeeze %dma_start3A_2556 : memref<1x128x128xf32, #tpu.memory_space<vmem>> -> memref<128x128xf32, #tpu.memory_space<vmem>>
      tpu.enqueue_dma source(%dma_start3A_2557 : memref<128x128xf32, #tpu.memory_space<vmem>>) target(%dma_start3A_2553 : memref<128x128xf32, #tpu.memory_space<hbm>>) target_semaphore(%arg9 : memref<!tpu.dma_semaphore, #tpu.memory_space<semaphore_mem>>)
      %dma_wait3A_2558 = arith.constant 14 : i32
      %dma_wait3A_2559 = arith.constant 2 : i32
      %dma_wait3A_2560 = arith.constant 0 : i32
      %dma_wait3A_2561 = arith.constant 0 : i32
      %dma_wait3A_2562 = tpu.memref_slice %arg7[%dma_wait3A_2559, %dma_wait3A_2560, %dma_wait3A_2561] : memref<4x128x128xf32, #tpu.memory_space<vmem>> -> memref<1x128x128xf32, #tpu.memory_space<vmem>>
      %dma_wait3A_2563 = tpu.memref_squeeze %dma_wait3A_2562 : memref<1x128x128xf32, #tpu.memory_space<vmem>> -> memref<128x128xf32, #tpu.memory_space<vmem>>
      %dma_wait3A_2564 = arith.constant 0 : i32
      %dma_wait3A_2565 = tpu.memref_slice %arg6[%dma_wait3A_2558, %dma_wait3A_2564] : memref<16x128xi32, #tpu.memory_space<vmem>> -> memref<1x128xi32, #tpu.memory_space<vmem>>
      %dma_wait3A_2566 = tpu.memref_squeeze %dma_wait3A_2565 : memref<1x128xi32, #tpu.memory_space<vmem>> -> memref<128xi32, #tpu.memory_space<vmem>>
      %dma_wait3A_2567 = arith.constant 0 : i32
      %dma_wait3A_2568 = arith.constant 0 : i32
      %dma_wait3A_2569 = tpu.memref_slice %arg2[%dma_wait3A_2567, %dma_wait3A_2568] : memref<204800x128xf32, #tpu.memory_space<hbm>> -> memref<204800x128xf32, #tpu.memory_space<hbm>>
      tpu.wait_indirect_dma semaphore(%arg8 : memref<!tpu.dma_semaphore, #tpu.memory_space<semaphore_mem>>) src(%dma_wait3A_2569 : memref<204800x128xf32, #tpu.memory_space<hbm>>) dst(%dma_wait3A_2563 : memref<128x128xf32, #tpu.memory_space<vmem>>)
      %add3A_2570 = arith.constant 1 : i32
      %add3A_2571 = arith.addi %mul3A_4, %add3A_2570 : i32
      %mul3A_2572 = arith.constant 1024 : i32
      %mul3A_2573 = arith.muli %add3A_2571, %mul3A_2572 : i32
      %add3A_2574 = arith.constant 768 : i32
      %add3A_2575 = arith.addi %mul3A_2573, %add3A_2574 : i32
      %dma_start3A_2576 = arith.constant 2 : i32
      %dma_start3A_2577 = arith.constant 0 : i32
      %dma_start3A_2578 = arith.constant 0 : i32
      %dma_start3A_2579 = tpu.memref_slice %arg7[%dma_start3A_2576, %dma_start3A_2577, %dma_start3A_2578] : memref<4x128x128xf32, #tpu.memory_space<vmem>> -> memref<1x128x128xf32, #tpu.memory_space<vmem>>
      %dma_start3A_2580 = tpu.memref_squeeze %dma_start3A_2579 : memref<1x128x128xf32, #tpu.memory_space<vmem>> -> memref<128x128xf32, #tpu.memory_space<vmem>>
      %dma_start3A_2581 = arith.constant 0 : i32
      %dma_start3A_2582 = tpu.memref_slice %arg4[%add3A_2575, %dma_start3A_2581] : memref<51200x128xf32, #tpu.memory_space<hbm>> -> memref<128x128xf32, #tpu.memory_space<hbm>>
      %dma_start3A_2583 = arith.constant 0 : i32
      %dma_start3A_2584 = tpu.memref_slice %arg4[%add3A_2575, %dma_start3A_2583] : memref<51200x128xf32, #tpu.memory_space<hbm>> -> memref<128x128xf32, #tpu.memory_space<hbm>>
      %dma_start3A_2585 = arith.constant 0 : i32
      %dma_start3A_2586 = arith.constant 0 : i32
      %dma_start3A_2587 = tpu.memref_slice %arg7[%dma_start3A_2576, %dma_start3A_2585, %dma_start3A_2586] : memref<4x128x128xf32, #tpu.memory_space<vmem>> -> memref<1x128x128xf32, #tpu.memory_space<vmem>>
      %dma_start3A_2588 = tpu.memref_squeeze %dma_start3A_2587 : memref<1x128x128xf32, #tpu.memory_space<vmem>> -> memref<128x128xf32, #tpu.memory_space<vmem>>
      tpu.enqueue_dma source(%dma_start3A_2588 : memref<128x128xf32, #tpu.memory_space<vmem>>) target(%dma_start3A_2584 : memref<128x128xf32, #tpu.memory_space<hbm>>) target_semaphore(%arg9 : memref<!tpu.dma_semaphore, #tpu.memory_space<semaphore_mem>>)
      %dma_wait3A_2589 = arith.constant 15 : i32
      %dma_wait3A_2590 = arith.constant 3 : i32
      %dma_wait3A_2591 = arith.constant 0 : i32
      %dma_wait3A_2592 = arith.constant 0 : i32
      %dma_wait3A_2593 = tpu.memref_slice %arg7[%dma_wait3A_2590, %dma_wait3A_2591, %dma_wait3A_2592] : memref<4x128x128xf32, #tpu.memory_space<vmem>> -> memref<1x128x128xf32, #tpu.memory_space<vmem>>
      %dma_wait3A_2594 = tpu.memref_squeeze %dma_wait3A_2593 : memref<1x128x128xf32, #tpu.memory_space<vmem>> -> memref<128x128xf32, #tpu.memory_space<vmem>>
      %dma_wait3A_2595 = arith.constant 0 : i32
      %dma_wait3A_2596 = tpu.memref_slice %arg6[%dma_wait3A_2589, %dma_wait3A_2595] : memref<16x128xi32, #tpu.memory_space<vmem>> -> memref<1x128xi32, #tpu.memory_space<vmem>>
      %dma_wait3A_2597 = tpu.memref_squeeze %dma_wait3A_2596 : memref<1x128xi32, #tpu.memory_space<vmem>> -> memref<128xi32, #tpu.memory_space<vmem>>
      %dma_wait3A_2598 = arith.constant 0 : i32
      %dma_wait3A_2599 = arith.constant 0 : i32
      %dma_wait3A_2600 = tpu.memref_slice %arg2[%dma_wait3A_2598, %dma_wait3A_2599] : memref<204800x128xf32, #tpu.memory_space<hbm>> -> memref<204800x128xf32, #tpu.memory_space<hbm>>
      tpu.wait_indirect_dma semaphore(%arg8 : memref<!tpu.dma_semaphore, #tpu.memory_space<semaphore_mem>>) src(%dma_wait3A_2600 : memref<204800x128xf32, #tpu.memory_space<hbm>>) dst(%dma_wait3A_2594 : memref<128x128xf32, #tpu.memory_space<vmem>>)
      %add3A_2601 = arith.constant 1 : i32
      %add3A_2602 = arith.addi %mul3A_4, %add3A_2601 : i32
      %mul3A_2603 = arith.constant 1024 : i32
      %mul3A_2604 = arith.muli %add3A_2602, %mul3A_2603 : i32
      %add3A_2605 = arith.constant 896 : i32
      %add3A_2606 = arith.addi %mul3A_2604, %add3A_2605 : i32
      %dma_start3A_2607 = arith.constant 3 : i32
      %dma_start3A_2608 = arith.constant 0 : i32
      %dma_start3A_2609 = arith.constant 0 : i32
      %dma_start3A_2610 = tpu.memref_slice %arg7[%dma_start3A_2607, %dma_start3A_2608, %dma_start3A_2609] : memref<4x128x128xf32, #tpu.memory_space<vmem>> -> memref<1x128x128xf32, #tpu.memory_space<vmem>>
      %dma_start3A_2611 = tpu.memref_squeeze %dma_start3A_2610 : memref<1x128x128xf32, #tpu.memory_space<vmem>> -> memref<128x128xf32, #tpu.memory_space<vmem>>
      %dma_start3A_2612 = arith.constant 0 : i32
      %dma_start3A_2613 = tpu.memref_slice %arg4[%add3A_2606, %dma_start3A_2612] : memref<51200x128xf32, #tpu.memory_space<hbm>> -> memref<128x128xf32, #tpu.memory_space<hbm>>
      %dma_start3A_2614 = arith.constant 0 : i32
      %dma_start3A_2615 = tpu.memref_slice %arg4[%add3A_2606, %dma_start3A_2614] : memref<51200x128xf32, #tpu.memory_space<hbm>> -> memref<128x128xf32, #tpu.memory_space<hbm>>
      %dma_start3A_2616 = arith.constant 0 : i32
      %dma_start3A_2617 = arith.constant 0 : i32
      %dma_start3A_2618 = tpu.memref_slice %arg7[%dma_start3A_2607, %dma_start3A_2616, %dma_start3A_2617] : memref<4x128x128xf32, #tpu.memory_space<vmem>> -> memref<1x128x128xf32, #tpu.memory_space<vmem>>
      %dma_start3A_2619 = tpu.memref_squeeze %dma_start3A_2618 : memref<1x128x128xf32, #tpu.memory_space<vmem>> -> memref<128x128xf32, #tpu.memory_space<vmem>>
      tpu.enqueue_dma source(%dma_start3A_2619 : memref<128x128xf32, #tpu.memory_space<vmem>>) target(%dma_start3A_2615 : memref<128x128xf32, #tpu.memory_space<hbm>>) target_semaphore(%arg9 : memref<!tpu.dma_semaphore, #tpu.memory_space<semaphore_mem>>)
      %dma_wait3A_2620 = arith.constant 0 : i32
      %dma_wait3A_2621 = arith.constant 0 : i32
      %dma_wait3A_2622 = arith.constant 0 : i32
      %dma_wait3A_2623 = tpu.memref_slice %arg7[%dma_wait3A_2620, %dma_wait3A_2621, %dma_wait3A_2622] : memref<4x128x128xf32, #tpu.memory_space<vmem>> -> memref<1x128x128xf32, #tpu.memory_space<vmem>>
      %dma_wait3A_2624 = tpu.memref_squeeze %dma_wait3A_2623 : memref<1x128x128xf32, #tpu.memory_space<vmem>> -> memref<128x128xf32, #tpu.memory_space<vmem>>
      %dma_wait3A_2625 = arith.constant 0 : i32
      %dma_wait3A_2626 = tpu.memref_slice %arg4[%add3A_2513, %dma_wait3A_2625] : memref<51200x128xf32, #tpu.memory_space<hbm>> -> memref<128x128xf32, #tpu.memory_space<hbm>>
      %dma_wait3A_2627 = arith.constant 0 : i32
      %dma_wait3A_2628 = tpu.memref_slice %arg4[%add3A_2513, %dma_wait3A_2627] : memref<51200x128xf32, #tpu.memory_space<hbm>> -> memref<128x128xf32, #tpu.memory_space<hbm>>
      %dma_wait3A_2629 = arith.constant 0 : i32
      %dma_wait3A_2630 = arith.constant 0 : i32
      %dma_wait3A_2631 = tpu.memref_slice %arg7[%dma_wait3A_2620, %dma_wait3A_2629, %dma_wait3A_2630] : memref<4x128x128xf32, #tpu.memory_space<vmem>> -> memref<1x128x128xf32, #tpu.memory_space<vmem>>
      %dma_wait3A_2632 = tpu.memref_squeeze %dma_wait3A_2631 : memref<1x128x128xf32, #tpu.memory_space<vmem>> -> memref<128x128xf32, #tpu.memory_space<vmem>>
      tpu.wait_dma2 semaphore(%arg9 : memref<!tpu.dma_semaphore, #tpu.memory_space<semaphore_mem>>) src(%dma_wait3A_2632 : memref<128x128xf32, #tpu.memory_space<vmem>>) dst(%dma_wait3A_2628 : memref<128x128xf32, #tpu.memory_space<hbm>>)
      %dma_wait3A_2633 = arith.constant 1 : i32
      %dma_wait3A_2634 = arith.constant 0 : i32
      %dma_wait3A_2635 = arith.constant 0 : i32
      %dma_wait3A_2636 = tpu.memref_slice %arg7[%dma_wait3A_2633, %dma_wait3A_2634, %dma_wait3A_2635] : memref<4x128x128xf32, #tpu.memory_space<vmem>> -> memref<1x128x128xf32, #tpu.memory_space<vmem>>
      %dma_wait3A_2637 = tpu.memref_squeeze %dma_wait3A_2636 : memref<1x128x128xf32, #tpu.memory_space<vmem>> -> memref<128x128xf32, #tpu.memory_space<vmem>>
      %dma_wait3A_2638 = arith.constant 0 : i32
      %dma_wait3A_2639 = tpu.memref_slice %arg4[%add3A_2544, %dma_wait3A_2638] : memref<51200x128xf32, #tpu.memory_space<hbm>> -> memref<128x128xf32, #tpu.memory_space<hbm>>
      %dma_wait3A_2640 = arith.constant 0 : i32
      %dma_wait3A_2641 = tpu.memref_slice %arg4[%add3A_2544, %dma_wait3A_2640] : memref<51200x128xf32, #tpu.memory_space<hbm>> -> memref<128x128xf32, #tpu.memory_space<hbm>>
      %dma_wait3A_2642 = arith.constant 0 : i32
      %dma_wait3A_2643 = arith.constant 0 : i32
      %dma_wait3A_2644 = tpu.memref_slice %arg7[%dma_wait3A_2633, %dma_wait3A_2642, %dma_wait3A_2643] : memref<4x128x128xf32, #tpu.memory_space<vmem>> -> memref<1x128x128xf32, #tpu.memory_space<vmem>>
      %dma_wait3A_2645 = tpu.memref_squeeze %dma_wait3A_2644 : memref<1x128x128xf32, #tpu.memory_space<vmem>> -> memref<128x128xf32, #tpu.memory_space<vmem>>
      tpu.wait_dma2 semaphore(%arg9 : memref<!tpu.dma_semaphore, #tpu.memory_space<semaphore_mem>>) src(%dma_wait3A_2645 : memref<128x128xf32, #tpu.memory_space<vmem>>) dst(%dma_wait3A_2641 : memref<128x128xf32, #tpu.memory_space<hbm>>)
      %dma_wait3A_2646 = arith.constant 2 : i32
      %dma_wait3A_2647 = arith.constant 0 : i32
      %dma_wait3A_2648 = arith.constant 0 : i32
      %dma_wait3A_2649 = tpu.memref_slice %arg7[%dma_wait3A_2646, %dma_wait3A_2647, %dma_wait3A_2648] : memref<4x128x128xf32, #tpu.memory_space<vmem>> -> memref<1x128x128xf32, #tpu.memory_space<vmem>>
      %dma_wait3A_2650 = tpu.memref_squeeze %dma_wait3A_2649 : memref<1x128x128xf32, #tpu.memory_space<vmem>> -> memref<128x128xf32, #tpu.memory_space<vmem>>
      %dma_wait3A_2651 = arith.constant 0 : i32
      %dma_wait3A_2652 = tpu.memref_slice %arg4[%add3A_2575, %dma_wait3A_2651] : memref<51200x128xf32, #tpu.memory_space<hbm>> -> memref<128x128xf32, #tpu.memory_space<hbm>>
      %dma_wait3A_2653 = arith.constant 0 : i32
      %dma_wait3A_2654 = tpu.memref_slice %arg4[%add3A_2575, %dma_wait3A_2653] : memref<51200x128xf32, #tpu.memory_space<hbm>> -> memref<128x128xf32, #tpu.memory_space<hbm>>
      %dma_wait3A_2655 = arith.constant 0 : i32
      %dma_wait3A_2656 = arith.constant 0 : i32
      %dma_wait3A_2657 = tpu.memref_slice %arg7[%dma_wait3A_2646, %dma_wait3A_2655, %dma_wait3A_2656] : memref<4x128x128xf32, #tpu.memory_space<vmem>> -> memref<1x128x128xf32, #tpu.memory_space<vmem>>
      %dma_wait3A_2658 = tpu.memref_squeeze %dma_wait3A_2657 : memref<1x128x128xf32, #tpu.memory_space<vmem>> -> memref<128x128xf32, #tpu.memory_space<vmem>>
      tpu.wait_dma2 semaphore(%arg9 : memref<!tpu.dma_semaphore, #tpu.memory_space<semaphore_mem>>) src(%dma_wait3A_2658 : memref<128x128xf32, #tpu.memory_space<vmem>>) dst(%dma_wait3A_2654 : memref<128x128xf32, #tpu.memory_space<hbm>>)
      %dma_wait3A_2659 = arith.constant 3 : i32
      %dma_wait3A_2660 = arith.constant 0 : i32
      %dma_wait3A_2661 = arith.constant 0 : i32
      %dma_wait3A_2662 = tpu.memref_slice %arg7[%dma_wait3A_2659, %dma_wait3A_2660, %dma_wait3A_2661] : memref<4x128x128xf32, #tpu.memory_space<vmem>> -> memref<1x128x128xf32, #tpu.memory_space<vmem>>
      %dma_wait3A_2663 = tpu.memref_squeeze %dma_wait3A_2662 : memref<1x128x128xf32, #tpu.memory_space<vmem>> -> memref<128x128xf32, #tpu.memory_space<vmem>>
      %dma_wait3A_2664 = arith.constant 0 : i32
      %dma_wait3A_2665 = tpu.memref_slice %arg4[%add3A_2606, %dma_wait3A_2664] : memref<51200x128xf32, #tpu.memory_space<hbm>> -> memref<128x128xf32, #tpu.memory_space<hbm>>
      %dma_wait3A_2666 = arith.constant 0 : i32
      %dma_wait3A_2667 = tpu.memref_slice %arg4[%add3A_2606, %dma_wait3A_2666] : memref<51200x128xf32, #tpu.memory_space<hbm>> -> memref<128x128xf32, #tpu.memory_space<hbm>>
      %dma_wait3A_2668 = arith.constant 0 : i32
      %dma_wait3A_2669 = arith.constant 0 : i32
      %dma_wait3A_2670 = tpu.memref_slice %arg7[%dma_wait3A_2659, %dma_wait3A_2668, %dma_wait3A_2669] : memref<4x128x128xf32, #tpu.memory_space<vmem>> -> memref<1x128x128xf32, #tpu.memory_space<vmem>>
      %dma_wait3A_2671 = tpu.memref_squeeze %dma_wait3A_2670 : memref<1x128x128xf32, #tpu.memory_space<vmem>> -> memref<128x128xf32, #tpu.memory_space<vmem>>
      tpu.wait_dma2 semaphore(%arg9 : memref<!tpu.dma_semaphore, #tpu.memory_space<semaphore_mem>>) src(%dma_wait3A_2671 : memref<128x128xf32, #tpu.memory_space<vmem>>) dst(%dma_wait3A_2667 : memref<128x128xf32, #tpu.memory_space<hbm>>)
    } else {
    }
    return
  }
}

</mosaic_0001>

<sc_bundles>
// kernel: kernel.3.cloned.1.call-start
scs
__scs_entry_jumppad:
0x0: {  	(pc) =	sbr.rel $0x88, $3  }
0x1: {  	(tag) =	ssettag $0x0;
	lr =	simm.s32 $0x1  }
0x2: {  	[smem:$0x3F9F] =	sst lr;
	_ =	strace $0xD0000000  }
0x3: {  	_ = 	snop  }
0x4: {  	_ = 	snop  }
0x5: {  	_ = 	snop  }
0x6: {  	_ = 	snop  }
0x7: {  	_ = 	snop  }
__scs_overlays_trampoline_lowered:
0x8: {  	[smem:$0x3FAE] =	sst s0  }
0x9: {  	[smem:$0x3FAF] =	sst s1  }
0xa: {  	[smem:$0x3FB0] =	sst s2  }
0xb: {  	[smem:$0x3FB1] =	sst s3  }
0xc: {  	[smem:$0x3FB2] =	sst s4  }
0xd: {  	[smem:$0x3FB3] =	sst s5  }
0xe: {  	[smem:$0x3FB4] =	sst s6  }
0xf: {  	[smem:$0x3FB5] =	sst s7  }
0x10: {  	[smem:$0x3FB6] =	sst s8  }
0x11: {  	[smem:$0x3FB7] =	sst s9;
	s0 =	simm.s32 @!p0 $0x0  }
0x12: {  	s1 =	sld [smem:$0x3F9D];
	s0 =	simm.s32 @p0 $0x1  }
0x13: {  	[smem:$0x3FB8] =	sst s0;
	s0 =	simm.s32 @!p1 $0x0  }
0x14: {  	s2 =	sld [smem:$0x3F9C];
	s0 =	simm.s32 @p1 $0x1  }
0x15: {  	[smem:$0x3FB9] =	sst s0;
	s0 =	simm.s32 @!p2 $0x0  }
0x16: {  	s3 =	sld [smem:$0x3FDB];
	s0 =	simm.s32 @p2 $0x1  }
0x17: {  	s4 =	simm.s32 $0x1BF5;
	[smem:$0x3FBB] =	sst s0  }
0x18: {  	s0 =	sld [smem:$0x3F9E];
	_ =	swait.ge [sflag:s4], $0x0  }
0x19: {  	s7 =	sld [smem:$0x3F9F]  }
0x1a: {  	s8 =	sadd.s32 $0xFFFFE003, lr  }
0x1b: {  	s9 =	sadd.s32 $0xFFFFFEF7, lr;
	s5 =	simm.s32 $0xFFFFFFFF;
	p2 =	slt.u32 s8, $0xFFFFF086  }
0x1c: {  	p1 =	slt.u32 s9, $0xF7A;
	s5 =	simm.s32 @!p2 $0x0  }
0x1d: {  	s5 =	simm.s32 @p1 $0x1;
	p0 =	seq.s32 s7, s2  }
0x1e: {  	s7 =	smul.u32 @!p0 $0xF7A, s2;
	p2 =	seq.s32 @!p0 s5, $0x0  }
0x1f: {  	s9 =	smul.u32 $0xF7A, s1;
	s8 =	simm.s32 @!p0 $0x1BF5;
	p2 =	por !p2, p0  }
0x20: {  	[sflag:s8] =	ssyncset.s32 @!p0 $0xFFFFF086;
	s6 =	sadd.s32 @!p0 s3, s7;
	s7 =	simm.s32 @!p0 $0x108  }
0x21: {  	s3 =	sadd.s32 s3, s9;
	s6 =	sadd.s32 @!p0 $0x88, s6;
	s7 =	simm.s32 @p2 $0x1082  }
0x22: {  	[simem:s7], [sflag:s8] =	dma.local @!p0 [hbm:s6], $0xF7A  }
0x23: {  	s9 =	sor.u32 $0xD0000000, s2;
	s6 =	simm.s32 $0x108;
	_ =	swait.ge @!p0 [sflag:s8], $0x0  }
0x24: {  	s3 =	sadd.s32 $0x88, s3;
	s6 =	simm.s32 @!p1 $0x1082;
	[sflag:s4] =	ssyncset.s32 $0xFFFFF086  }
0x25: {  	[simem:s6], [sflag:s4] =	dma.local [hbm:s3], $0xF7A  }
0x26: {  	[smem:$0x3F9F] =	sst s1;
	(tag) =	ssettag s2;
	_ =	strace s9  }
0x27: {  	s1 =	sld [smem:$0x3FAF]  }
0x28: {  	s2 =	sld [smem:$0x3FB0]  }
0x29: {  	s4 =	sld [smem:$0x3FB2]  }
0x2a: {  	p0 =	seq.s32 s5, $0x0;
	s5 =	sld [smem:$0x3FB3]  }
0x2b: {  	s6 =	sld [smem:$0x3FB4]  }
0x2c: {  	s7 =	sld [smem:$0x3FB5]  }
0x2d: {  	s3 =	simm.s32 $0x108;
	s8 =	sld [smem:$0x3FB6]  }
0x2e: {  	s3 =	simm.s32 @!p0 $0x1082;
	s9 =	sld [smem:$0x3FB7]  }
0x2f: {  	lr =	sadd.s32 s0, s3;
	s0 =	sld [smem:$0x3FAE]  }
0x30: {  	s3 =	sld [smem:$0x3FB1]  }
0x31: {  	[smem:$0x3FBA] =	sst s10  }
0x32: {  	s10 =	sld [smem:$0x3FB8];
	_ =	sdelay $0x3  }
0x33: {  	p0 =	seq.s32 s10, $0x1;
	s10 =	sld [smem:$0x3FBA];
	_ =	sdelay $0x3  }
0x34: {  	[smem:$0x3FBA] =	sst s10  }
0x35: {  	s10 =	sld [smem:$0x3FB9];
	_ =	sdelay $0x3  }
0x36: {  	p1 =	seq.s32 s10, $0x1;
	s10 =	sld [smem:$0x3FBA];
	_ =	sdelay $0x3  }
0x37: {  	[smem:$0x3FBA] =	sst s10  }
0x38: {  	s10 =	sld [smem:$0x3FBB]  }
0x39: {  	_ = 	snop;
	(pc) =	sbr.ind lr, $3  }
0x3a: {  	_ = 	snop  }
0x3b: {  	_ = 	snop  }
0x3c: {  	p2 =	seq.s32 s10, $0x1;
	s10 =	sld [smem:$0x3FBA]  }
0x3d: {  	_ =	shalt  }
0x3e: {  	_ =	shalt  }
0x3f: {  	_ =	shalt  }
0x40: {  	_ =	shalt  }
0x41: {  	_ =	shalt  }
0x42: {  	_ =	shalt  }
0x43: {  	_ =	shalt  }
0x44: {  	_ =	shalt  }
0x45: {  	_ =	shalt  }
0x46: {  	_ =	shalt  }
0x47: {  	_ =	shalt  }
0x48: {  	_ =	shalt  }
0x49: {  	_ =	shalt  }
0x4a: {  	_ =	shalt  }
0x4b: {  	_ =	shalt  }
0x4c: {  	_ =	shalt  }
0x4d: {  	_ =	shalt  }
0x4e: {  	_ =	shalt  }
0x4f: {  	_ =	shalt  }
0x50: {  	_ =	shalt  }
0x51: {  	_ =	shalt  }
0x52: {  	_ =	shalt  }
0x53: {  	_ =	shalt  }
0x54: {  	_ =	shalt  }
0x55: {  	_ =	shalt  }
0x56: {  	_ =	shalt  }
0x57: {  	_ =	shalt  }
0x58: {  	_ =	shalt  }
0x59: {  	_ =	shalt  }
0x5a: {  	_ =	shalt  }
0x5b: {  	_ =	shalt  }
0x5c: {  	_ =	shalt  }
0x5d: {  	_ =	shalt  }
0x5e: {  	_ =	shalt  }
0x5f: {  	_ =	shalt  }
0x60: {  	_ =	shalt  }
0x61: {  	_ =	shalt  }
0x62: {  	_ =	shalt  }
0x63: {  	_ =	shalt  }
0x64: {  	_ =	shalt  }
0x65: {  	_ =	shalt  }
0x66: {  	_ =	shalt  }
0x67: {  	_ =	shalt  }
0x68: {  	_ =	shalt  }
0x69: {  	_ =	shalt  }
0x6a: {  	_ =	shalt  }
0x6b: {  	_ =	shalt  }
0x6c: {  	_ =	shalt  }
0x6d: {  	_ =	shalt  }
0x6e: {  	_ =	shalt  }
0x6f: {  	_ =	shalt  }
0x70: {  	_ =	shalt  }
0x71: {  	_ =	shalt  }
0x72: {  	_ =	shalt  }
0x73: {  	_ =	shalt  }
0x74: {  	_ =	shalt  }
0x75: {  	_ =	shalt  }
0x76: {  	_ =	shalt  }
0x77: {  	_ =	shalt  }
0x78: {  	_ =	shalt  }
0x79: {  	_ =	shalt  }
0x7a: {  	_ =	shalt  }
0x7b: {  	_ =	shalt  }
0x7c: {  	_ =	shalt  }
0x7d: {  	_ =	shalt  }
0x7e: {  	_ =	shalt  }
0x7f: {  	_ =	shalt  }
0x80: {  	_ =	shalt  }
0x81: {  	_ =	shalt  }
0x82: {  	_ =	shalt  }
0x83: {  	_ =	shalt  }
0x84: {  	_ =	shalt  }
0x85: {  	_ =	shalt  }
0x86: {  	_ =	shalt  }
0x87: {  	_ =	shalt  }
.Lfunc_end0:
.L_simem_size_0:
called_computation_lowered:
.L_overlay_start_0:
0x88: {  	s2 =	sld [smem:$0x3FD9]  }
0x89: {  	s3 =	sld [smem:$0x3FFE];
	_ =	sdelay $0x1  }
0x8a: {  	s1 =	srdreg.scid  }
0x8b: {  	s0 =	sand.u32 $0x1, s1  }
0x8c: {  	s17 =	sshll.u32 s0, $0xA;
	s2 =	sadd.s32 s3, s2  }
0x8d: {  	s2 =	sadd.s32 s2, s17  }
0x8e: {  	[smem:$0x3FC6] =	sst s2  }
0x8f: {  	_ = 	snop  }
0x90: {  	s2 =	sld [smem:$0x3FC9]  }
0x91: {  	s18 =	sld [smem:$0x3FD0];
	(tm) =	ssettm $0x1  }
0x92: {  	s4 =	sld [smem:$0x3FFB];
	_ =	sdelay $0x3  }
0x93: {  	_ =	strace s4  }
0x94: {  	s4 =	sld [smem:$0x3FFC];
	_ =	sdelay $0x3  }
0x95: {  	_ =	strace s4  }
0x96: {  	s4 =	sld [smem:$0x3FFD];
	_ =	sdelay $0x3  }
0x97: {  	_ =	strace s4  }
0x98: {  	_ =	strace $0x8FFFFFFF  }
0x99: {  	s19 =	sld [smem:$0x3FDB];
	_ =	sdelay $0x1  }
0x9a: {  	s5 =	simm.s32 $_scs_section_size  }
0x9b: {  	s6 =	simm.s32 $_size__tile_overlayer_lowered;
	s7 =	simm.s32 $_tile_overlayer_lowered  }
0x9c: {  	s22 =	simm.s32 $0x1BFF;
	s21 =	sshll.u32 s7, $0x1;
	s4 =	sadd.s32 s5, s19  }
0x9d: {  	s8 =	simm.s32 $0x0;
	s20 =	sshll.u32 s6, $0x1;
	s6 =	sadd.s32 s21, s4  }
0x9e: {  	[timem:s8], [sflag:s22] =	dma.local [hbm:s6], s20  }
0x9f: {  	_ =	swait.ge [sflag:s22], s20  }
0xa0: {  	s5 =	ssub.s32 $0x0, s20;
	[sflag:s22] =	ssyncset.done $0x0  }
0xa1: {  	[sflag:s22] =	ssyncadd.s32 s5;
	_ =	sdelay $0x1  }
0xa2: {  	s23 =	simm.s32 $0x1B8B  }
0xa3: {  	_ =	swait.ge [sflag:s23], $0x1  }
0xa4: {  	[sflag:s23] =	ssyncset.done $0x0  }
0xa5: {  	s25 =	simm.s32 $0x1B8E;
	s24 =	sld [smem:$0x3FFE];
	[sflag:s23] =	ssyncadd.s32 $0xFFFFFFFF  }
0xa6: {  	s26 =	simm.s32 $execute0_lowered;
	[smem:$0x3FD2] =	sst s25  }
0xa7: {  	s6 =	sshll.u32 s26, $0x1;
	_ =	strace $0x80000046;
	[dreg:$0x1] =	wrdreg $0xFFFFFFFF  }
0xa8: {  	s28 =	simm.s32 $_size_execute0_lowered;
	s4 =	sadd.s32 s4, s6;
	[dreg:$0x0] =	wrdreg $0x0  }
0xa9: {  	s6 =	sshll.u32 s28, $0x1;
	[dreg:$0x2] =	wrdreg s4  }
0xaa: {  	[dreg:$0x3] =	wrdreg s6  }
0xab: {  	[dreg:$0x4] =	wrdreg $0xC0  }
0xac: {  	_ =	task [dreg:s8], $0x5FFFF  }
0xad: {  	[dreg:$0x1] =	wrdreg $0xFFFFFFFF  }
0xae: {  	[dreg:$0x0] =	wrdreg $0x60  }
0xaf: {  	[dreg:$0x2] =	wrdreg s2  }
0xb0: {  	[dreg:$0x3] =	wrdreg s24  }
0xb1: {  	[dreg:$0x4] =	wrdreg s18  }
0xb2: {  	[dreg:$0x5] =	wrdreg $0x9  }
0xb3: {  	_ =	task.clear_ibuf [dreg:s8], $0x6FFFF;
	_ =	strace $0x90000046  }
0xb4: {  	s29 =	simm.s32 $0x9;
	_ =	strace $0x80000048  }
0xb5: {  	_ =	swait.ge [sflag:s29], $0x1  }
0xb6: {  	[sflag:s29] =	ssyncadd.s32 $0xFFFFFFFF  }
0xb7: {  	_ =	strace $0x90000048  }
0xb8: {  	_ =	sfence  }
0xb9: {  	s30 =	sld [smem:$0x0];
	_ =	sdelay $0x2  }
0xba: {  	s31 =	sshll.u32 s1, $0xD;
	s1 =	sshrl.u32 s1, $0x2  }
0xbb: {  	s3 =	sand.u32 $0x4000, s31;
	s1 =	sadd.s32 s1, s30  }
0xbc: {  	s0 =	sor.u32 s3, s0;
	s1 =	sshll.u32 s1, $0x11  }
0xbd: {  	s0 =	sor.u32 s1, s0  }
0xbe: {  	s0 =	sadd.s32 $0x8F2B, s0  }
0xbf: {  	[sflag:s0] =	ssyncadd.remote.s32 $0x1  }
0xc0: {  	_ =	sfence.sel $0xFFFF  }
0xc1: {  	[dreg:$0x0] =	wrdreg $0xFFFFFFFF;
	(pc) =	sbr.abs _section_cstart, $3  }
0xc2: {  	[dreg:$0x1] =	wrdreg $0xFFFFFFFF  }
0xc3: {  	_ =	task.clear_ibuf [dreg:s8], $0x2FFFF;
	_ =	strace $0x9FFFFFFF  }
0xc4: {  	(tm) =	ssettm $0x7FFFFFFF  }
0xc5: {  	_ =	shalt  }
tec
execute0_lowered:
.L_overlay_start_1:
0x0: {  	(tag) =	ssettag $0x1  }
0x1: {  	s2 =	srdreg.scid;
	s0 =	stileid.u32  }
0x2: {  	s2 =	sand.u32 $0x1, s2;
	s4 =	sshll.u32 s0, $0x1  }
0x3: {  	s4 =	sor.u32 s2, s4  }
0x4: {  	p0 =	sgt.u32 s4, $0x18  }
.Ltmp0:
0x5: {  	_ = 	snop;
	(pc) =	sbr.rel @p0 .LBB2_3-.Ltmp0, $4  }
0x6: {  	s1 =	rddreg [dreg:$0x0]  }
0x7: {  	s6 =	rddreg [dreg:$0x1];
	s3 =	simm.s32 $0x0  }
0x8: {  	[smem:$0x7FF] =	sst s3  }
0x9: {  	s5 =	rddreg [dreg:$0x2];
	_ =	strace $0x80000047  }
0xa: {  	v0 =	vlaneseq.u32  }
0xb: {  	v2 =	vmul.u32 $0xC8, v0;
	_ =	sdelay $0x1  }
0xc: {  	v1 =	vadd.s32 $0xC80, v2;
	[tilespmem:$0x1FFE0] =	vst v2  }
0xd: {  	v63 =	vadd.s32 $0x1900, v2;
	[tilespmem:$0x1FC00] =	vst v1  }
0xe: {  	v4 =	vadd.s32 $0x2580, v2;
	[tilespmem:$0x1FC10] =	vst v63  }
0xf: {  	v5 =	vadd.s32 $0x3200, v2;
	[tilespmem:$0x1FC20] =	vst v4  }
0x10: {  	v6 =	vadd.s32 $0x3E80, v2;
	[tilespmem:$0x1FC30] =	vst v5  }
0x11: {  	v7 =	vadd.s32 $0x4B00, v2;
	[tilespmem:$0x1FC40] =	vst v6  }
0x12: {  	v8 =	vadd.s32 $0x5780, v2;
	[tilespmem:$0x1FC50] =	vst v7  }
0x13: {  	v9 =	vadd.s32 $0x6400, v2;
	[tilespmem:$0x1FC60] =	vst v8  }
0x14: {  	v10 =	vadd.s32 $0x7080, v2;
	[tilespmem:$0x1FC70] =	vst v9  }
0x15: {  	v11 =	vadd.s32 $0x7D00, v2;
	[tilespmem:$0x1FC80] =	vst v10  }
0x16: {  	v12 =	vadd.s32 $0x8980, v2;
	[tilespmem:$0x1FC90] =	vst v11  }
0x17: {  	v13 =	vadd.s32 $0x9600, v2;
	[tilespmem:$0x1FCA0] =	vst v12  }
0x18: {  	v14 =	vadd.s32 $0xA280, v2;
	[tilespmem:$0x1FCB0] =	vst v13  }
0x19: {  	v15 =	vadd.s32 $0xAF00, v2;
	[tilespmem:$0x1FCC0] =	vst v14  }
0x1a: {  	v16 =	vadd.s32 $0xBB80, v2;
	[tilespmem:$0x1FCD0] =	vst v15  }
0x1b: {  	v17 =	vadd.s32 $0xC800, v2;
	[tilespmem:$0x1FCE0] =	vst v16  }
0x1c: {  	v18 =	vadd.s32 $0xD480, v2;
	[tilespmem:$0x1FCF0] =	vst v17  }
0x1d: {  	v19 =	vadd.s32 $0xE100, v2;
	[tilespmem:$0x1FD00] =	vst v18  }
0x1e: {  	v20 =	vadd.s32 $0xED80, v2;
	[tilespmem:$0x1FD10] =	vst v19  }
0x1f: {  	v21 =	vadd.s32 $0xFA00, v2;
	[tilespmem:$0x1FD20] =	vst v20  }
0x20: {  	v22 =	vadd.s32 $0x10680, v2;
	[tilespmem:$0x1FD30] =	vst v21  }
0x21: {  	v23 =	vadd.s32 $0x11300, v2;
	[tilespmem:$0x1FD40] =	vst v22  }
0x22: {  	v24 =	vadd.s32 $0x11F80, v2;
	[tilespmem:$0x1FD50] =	vst v23  }
0x23: {  	v25 =	vadd.s32 $0x12C00, v2;
	[tilespmem:$0x1FD60] =	vst v24  }
0x24: {  	v26 =	vadd.s32 $0x13880, v2;
	[tilespmem:$0x1FD70] =	vst v25  }
0x25: {  	v27 =	vadd.s32 $0x14500, v2;
	[tilespmem:$0x1FD80] =	vst v26  }
0x26: {  	v28 =	vadd.s32 $0x15180, v2;
	[tilespmem:$0x1FD90] =	vst v27  }
0x27: {  	v29 =	vadd.s32 $0x15E00, v2;
	[tilespmem:$0x1FDA0] =	vst v28  }
0x28: {  	v30 =	vadd.s32 $0x16A80, v2;
	[tilespmem:$0x1FDB0] =	vst v29  }
0x29: {  	v31 =	vadd.s32 $0x17700, v2;
	[tilespmem:$0x1FDC0] =	vst v30  }
0x2a: {  	v32 =	vadd.s32 $0x18380, v2;
	[tilespmem:$0x1FDD0] =	vst v31  }
0x2b: {  	v33 =	vor.u32 $0x19000, v2;
	[tilespmem:$0x1FDE0] =	vst v32  }
0x2c: {  	v34 =	vadd.s32 $0x19C80, v2;
	[tilespmem:$0x1FDF0] =	vst v33  }
0x2d: {  	v35 =	vadd.s32 $0x1A900, v2;
	[tilespmem:$0x1FE00] =	vst v34  }
0x2e: {  	v36 =	vadd.s32 $0x1B580, v2;
	[tilespmem:$0x1FE10] =	vst v35  }
0x2f: {  	v37 =	vadd.s32 $0x1C200, v2;
	[tilespmem:$0x1FE20] =	vst v36  }
0x30: {  	v38 =	vadd.s32 $0x1CE80, v2;
	[tilespmem:$0x1FE30] =	vst v37  }
0x31: {  	v39 =	vadd.s32 $0x1DB00, v2;
	[tilespmem:$0x1FE40] =	vst v38  }
0x32: {  	v40 =	vadd.s32 $0x1E780, v2;
	[tilespmem:$0x1FE50] =	vst v39  }
0x33: {  	s6 =	sadd.s32 $0x400, s6;
	s7 =	sshll.u32 s4, $0xF;
	s8 =	sadd.s32 $0x800, s5;
	v41 =	vadd.s32 $0x1F400, v2;
	[tilespmem:$0x1FE60] =	vst v40  }
0x34: {  	s9 =	sadd.s32 $0x1000, s5;
	s10 =	sadd.s32 $0x1800, s5;
	s11 =	sadd.s32 $0x2000, s5;
	v42 =	vadd.s32 $0x20080, v2;
	[tilespmem:$0x1FE70] =	vst v41  }
0x35: {  	s26 =	sadd.s32 $0x2800, s5;
	s12 =	sshllo.u32 s4, $0x1;
	s14 =	sadd.s32 $0x3000, s5;
	v43 =	vadd.s32 $0x20D00, v2;
	[tilespmem:$0x1FE80] =	vst v42  }
0x36: {  	s15 =	sadd.s32 $0x3800, s5;
	[dreg:$0x4] =	wrdreg s6;
	s21 =	sadd.s32 s5, s7;
	v44 =	vadd.s32 $0x21980, v2;
	[tilespmem:$0x1FE90] =	vst v43  }
0x37: {  	s20 =	sshll.u32 s4, $0x7;
	s22 =	sadd.s32 s7, s8;
	[dreg:$0x5] =	wrdreg s21;
	v45 =	vadd.s32 $0x22600, v2;
	[tilespmem:$0x1FEA0] =	vst v44  }
0x38: {  	s2 =	ssub.s32 $0x2, s2;
	s23 =	sadd.s32 s7, s9;
	[dreg:$0x6] =	wrdreg s22;
	v46 =	vadd.s32 $0x23280, v2;
	[tilespmem:$0x1FEB0] =	vst v45  }
0x39: {  	s28 =	simm.s32 $0x900;
	s24 =	sadd.s32 s7, s10;
	[dreg:$0x7] =	wrdreg s23;
	v47 =	vadd.s32 $0x23F00, v2;
	[tilespmem:$0x1FEC0] =	vst v46  }
0x3a: {  	s29 =	simm.s32 $0x980;
	s25 =	sadd.s32 s7, s11;
	[dreg:$0x8] =	wrdreg s24;
	v48 =	vadd.s32 $0x24B80, v2;
	[tilespmem:$0x1FED0] =	vst v47  }
0x3b: {  	s30 =	simm.s32 $0xA00;
	s13 =	sadd.s32 s7, s26;
	[dreg:$0x9] =	wrdreg s25;
	v49 =	vadd.s32 $0x25800, v2;
	[tilespmem:$0x1FEE0] =	vst v48  }
0x3c: {  	s31 =	simm.s32 $0xA80;
	s0 =	sadd.s32 s7, s14;
	[dreg:$0xa] =	wrdreg s13;
	v50 =	vadd.s32 $0x26480, v2;
	[tilespmem:$0x1FEF0] =	vst v49  }
0x3d: {  	s7 =	sadd.s32 s7, s15;
	s16 =	sshll.u32 s12, $0xE;
	[dreg:$0xb] =	wrdreg s0;
	v51 =	vadd.s32 $0x27100, v2;
	[tilespmem:$0x1FF00] =	vst v50  }
0x3e: {  	s6 =	simm.s32 $0x3;
	[dreg:$0xc] =	wrdreg s7;
	s17 =	sadd.s32 s5, s16;
	v52 =	vadd.s32 $0x27D80, v2;
	[tilespmem:$0x1FF10] =	vst v51  }
0x3f: {  	s18 =	sadd.s32 s16, s8;
	s19 =	sadd.s32 s16, s9;
	s21 =	sadd.s32 s16, s10;
	v53 =	vadd.s32 $0x28A00, v2;
	[tilespmem:$0x1FF20] =	vst v52  }
0x40: {  	s23 =	sshll.u32 s12, $0x6;
	s22 =	sadd.s32 s16, s11;
	s24 =	sadd.s32 s16, s26;
	v54 =	vadd.s32 $0x29680, v2;
	[tilespmem:$0x1FF30] =	vst v53  }
0x41: {  	s25 =	sadd.s32 s16, s14;
	s26 =	sshrl.u32 s2, $0x1;
	[dreg:$0xd] =	wrdreg s17;
	v55 =	vadd.s32 $0x2A300, v2;
	[tilespmem:$0x1FF40] =	vst v54  }
0x42: {  	s4 =	sadd.s32 s16, s15;
	s7 =	sshrl.u32 s20, $0x2;
	[dreg:$0xe] =	wrdreg s18;
	v56 =	vadd.s32 $0x2AF80, v2;
	[tilespmem:$0x1FF50] =	vst v55  }
0x43: {  	s8 =	simm.s32 $0x80;
	s9 =	simm.s32 $0x380;
	[dreg:$0xf] =	wrdreg s19;
	v57 =	vadd.s32 $0x2BC00, v2;
	[tilespmem:$0x1FF60] =	vst v56  }
0x44: {  	s10 =	simm.s32 $0xB80;
	s11 =	simm.s32 $0x400;
	[dreg:$0x10] =	wrdreg s21;
	v58 =	vadd.s32 $0x2C880, v2;
	[tilespmem:$0x1FF70] =	vst v57  }
0x45: {  	s12 =	simm.s32 $0x4B80;
	s13 =	simm.s32 $0x480;
	[dreg:$0x11] =	wrdreg s22;
	v59 =	vadd.s32 $0x2D500, v2;
	[tilespmem:$0x1FF80] =	vst v58  }
0x46: {  	s14 =	simm.s32 $0x8B80;
	s15 =	simm.s32 $0x500;
	[dreg:$0x12] =	wrdreg s24;
	v60 =	vadd.s32 $0x2E180, v2;
	[tilespmem:$0x1FF90] =	vst v59  }
0x47: {  	s16 =	simm.s32 $0xCB80;
	s20 =	simm.s32 $0x600;
	[dreg:$0x13] =	wrdreg s25;
	v61 =	vadd.s32 $0x2EE00, v2;
	[tilespmem:$0x1FFA0] =	vst v60  }
0x48: {  	s2 =	ssub.s32 s2, s26;
	s17 =	simm.s32 $0x1;
	s18 =	simm.s32 $0x2;
	v62 =	vadd.s32 $0x2FA80, v2;
	[tilespmem:$0x1FFB0] =	vst v61  }
0x49: {  	s19 =	simm.s32 $0x580;
	s21 =	simm.s32 $0x680;
	s22 =	simm.s32 $0x700;
	v0 =	vadd.s32 $0x30700, v2;
	[tilespmem:$0x1FFC0] =	vst v62  }
0x4a: {  	s23 =	sshrl.u32 s23, $0x2;
	s24 =	simm.s32 $0x780;
	s25 =	simm.s32 $0x800;
	[tilespmem:$0x1FFD0] =	vst v0;
	v63 =	vadd.s32 $0x31380, v2  }
0x4b: {  	s26 =	simm.s32 $0x880;
	s5 =	smax.u32 s2, $0x1;
	s2 =	simm.s32 $0xB00;
	[tilespmem:$0x1FFF0] =	vst v63  }
.LBB2_2:
0x4c: {  	s0 =	rddreg [dreg:$0x4]  }
0x4d: {  	[tilespmem:s3], [sflag:$0x3] =	stream.linear.gather [hbm4b:s0+s3], $0x380, $0x38;
	[tilespmem:$0x10B80] =	vst v63  }
0x4e: {  	_ =	swait.ge [sflag:s6], $0x380  }
0x4f: {  	[sflag:s6] =	ssyncset.done $0x0  }
0x50: {  	v10 =	vld [tilespmem:$0x1FFE0];
	[sflag:s6] =	ssyncadd.s32 $0xFFFFFC80  }
0x51: {  	v1 =	vld [tilespmem:s7+$0x0]  }
0x52: {  	v3 =	vld [tilespmem:$0x1FC00]  }
0x53: {  	v4 =	vld [tilespmem:$0x1FC10]  }
0x54: {  	v5 =	vld [tilespmem:$0x1FC20]  }
0x55: {  	v6 =	vld [tilespmem:$0x1FC30]  }
0x56: {  	v7 =	vld [tilespmem:$0x1FC40];
	v2 =	vadd.s32 v10, v1  }
0x57: {  	v8 =	vld [tilespmem:$0x1FC50];
	v20 =	vadd.s32 v3, v1;
	[tilespmem:$0x380] =	vst v2  }
0x58: {  	v9 =	vld [tilespmem:$0x1FC60];
	v21 =	vadd.s32 v4, v1;
	[tilespmem:$0x390] =	vst v20  }
0x59: {  	v22 =	vadd.s32 v5, v1;
	[tilespmem:$0x3A0] =	vst v21  }
0x5a: {  	v23 =	vadd.s32 v6, v1;
	[tilespmem:$0x3B0] =	vst v22  }
0x5b: {  	v24 =	vadd.s32 v7, v1;
	[tilespmem:$0x3C0] =	vst v23  }
0x5c: {  	v25 =	vadd.s32 v8, v1;
	[tilespmem:$0x3D0] =	vst v24  }
0x5d: {  	v1 =	vadd.s32 v9, v1;
	[tilespmem:$0x3E0] =	vst v25  }
0x5e: {  	[tilespmem:$0x3F0] =	vst v1  }
0x5f: {  	v18 =	vld [tilespmem:$0x1FC70];
	[tilespmem:s10], [sflag:$0x1] =	stream.indirect.gather [hbm4b:s1+s8], $0x80, s9, s8, $0xb8  }
0x60: {  	v1 =	vld [tilespmem:s7+$0x0]  }
0x61: {  	v11 =	vld [tilespmem:$0x1FC80]  }
0x62: {  	v12 =	vld [tilespmem:$0x1FC90]  }
0x63: {  	v13 =	vld [tilespmem:$0x1FCA0]  }
0x64: {  	v14 =	vld [tilespmem:$0x1FCB0]  }
0x65: {  	v15 =	vld [tilespmem:$0x1FCC0];
	v26 =	vadd.s32 v18, v1  }
0x66: {  	v16 =	vld [tilespmem:$0x1FCD0];
	v27 =	vadd.s32 v11, v1;
	[tilespmem:$0x400] =	vst v26  }
0x67: {  	v17 =	vld [tilespmem:$0x1FCE0];
	v28 =	vadd.s32 v12, v1;
	[tilespmem:$0x410] =	vst v27  }
0x68: {  	v29 =	vadd.s32 v13, v1;
	[tilespmem:$0x420] =	vst v28  }
0x69: {  	v30 =	vadd.s32 v14, v1;
	[tilespmem:$0x430] =	vst v29  }
0x6a: {  	v31 =	vadd.s32 v15, v1;
	[tilespmem:$0x440] =	vst v30  }
0x6b: {  	v32 =	vadd.s32 v16, v1;
	[tilespmem:$0x450] =	vst v31  }
0x6c: {  	v1 =	vadd.s32 v17, v1;
	[tilespmem:$0x460] =	vst v32  }
0x6d: {  	[tilespmem:$0x470] =	vst v1  }
0x6e: {  	v26 =	vld [tilespmem:$0x1FCF0];
	[tilespmem:s12], [sflag:$0x1] =	stream.indirect.gather [hbm4b:s1+s8], $0x80, s11, s8, $0xb8  }
0x6f: {  	v1 =	vld [tilespmem:s7+$0x0]  }
0x70: {  	v19 =	vld [tilespmem:$0x1FD00]  }
0x71: {  	v20 =	vld [tilespmem:$0x1FD10]  }
0x72: {  	v21 =	vld [tilespmem:$0x1FD20]  }
0x73: {  	v22 =	vld [tilespmem:$0x1FD30]  }
0x74: {  	v23 =	vld [tilespmem:$0x1FD40];
	v33 =	vadd.s32 v26, v1  }
0x75: {  	v24 =	vld [tilespmem:$0x1FD50];
	v34 =	vadd.s32 v19, v1;
	[tilespmem:$0x480] =	vst v33  }
0x76: {  	v25 =	vld [tilespmem:$0x1FD60];
	v35 =	vadd.s32 v20, v1;
	[tilespmem:$0x490] =	vst v34  }
0x77: {  	v36 =	vadd.s32 v21, v1;
	[tilespmem:$0x4A0] =	vst v35  }
0x78: {  	v37 =	vadd.s32 v22, v1;
	[tilespmem:$0x4B0] =	vst v36  }
0x79: {  	v38 =	vadd.s32 v23, v1;
	[tilespmem:$0x4C0] =	vst v37  }
0x7a: {  	v39 =	vadd.s32 v24, v1;
	[tilespmem:$0x4D0] =	vst v38  }
0x7b: {  	v1 =	vadd.s32 v25, v1;
	[tilespmem:$0x4E0] =	vst v39  }
0x7c: {  	[tilespmem:$0x4F0] =	vst v1  }
0x7d: {  	v0 =	vld [tilespmem:$0x1FD70];
	[tilespmem:s14], [sflag:$0x1] =	stream.indirect.gather [hbm4b:s1+s8], $0x80, s13, s8, $0xb8  }
0x7e: {  	v1 =	vld [tilespmem:s7+$0x0]  }
0x7f: {  	v27 =	vld [tilespmem:$0x1FD80]  }
0x80: {  	v28 =	vld [tilespmem:$0x1FD90]  }
0x81: {  	v29 =	vld [tilespmem:$0x1FDA0]  }
0x82: {  	v30 =	vld [tilespmem:$0x1FDB0]  }
0x83: {  	v31 =	vld [tilespmem:$0x1FDC0];
	v40 =	vadd.s32 v0, v1  }
0x84: {  	v32 =	vld [tilespmem:$0x1FDD0];
	v41 =	vadd.s32 v27, v1;
	[tilespmem:$0x500] =	vst v40  }
0x85: {  	v33 =	vld [tilespmem:$0x1FDE0];
	v42 =	vadd.s32 v28, v1;
	[tilespmem:$0x510] =	vst v41  }
0x86: {  	v43 =	vadd.s32 v29, v1;
	[tilespmem:$0x520] =	vst v42  }
0x87: {  	v44 =	vadd.s32 v30, v1;
	[tilespmem:$0x530] =	vst v43  }
0x88: {  	v45 =	vadd.s32 v31, v1;
	[tilespmem:$0x540] =	vst v44  }
0x89: {  	v46 =	vadd.s32 v32, v1;
	[tilespmem:$0x550] =	vst v45  }
0x8a: {  	v1 =	vadd.s32 v33, v1;
	[tilespmem:$0x560] =	vst v46  }
0x8b: {  	[tilespmem:$0x570] =	vst v1  }
0x8c: {  	[tilespmem:s16], [sflag:$0x1] =	stream.indirect.gather [hbm4b:s1+s8], $0x80, s15, s8, $0xb8;
	[tilespmem:$0x10B80] =	vst v63  }
0x8d: {  	_ =	swait.ge [sflag:s17], $0x4000  }
0x8e: {  	[sflag:s17] =	ssyncset.done $0x0  }
0x8f: {  	s0 =	rddreg [dreg:$0x5];
	[sflag:s17] =	ssyncadd.s32 $0xFFFFC000  }
0x90: {  	[hbm4b:s0+s3] =	stream.linear.scatter [tilespmem:s10], [sflag:$0x2], $0x4000, $0x38;
	[tilespmem:$0x10B80] =	vst v63  }
0x91: {  	_ =	swait.ge [sflag:s18], $0x4000  }
0x92: {  	[sflag:s18] =	ssyncset.done $0x0  }
0x93: {  	v34 =	vld [tilespmem:$0x1FDF0];
	[sflag:s18] =	ssyncadd.s32 $0xFFFFC000  }
0x94: {  	v47 =	vld [tilespmem:s7+$0x0]  }
0x95: {  	v35 =	vld [tilespmem:$0x1FE00]  }
0x96: {  	v36 =	vld [tilespmem:$0x1FE10]  }
0x97: {  	v37 =	vld [tilespmem:$0x1FE20]  }
0x98: {  	v38 =	vld [tilespmem:$0x1FE30]  }
0x99: {  	v39 =	vld [tilespmem:$0x1FE40];
	v48 =	vadd.s32 v34, v47  }
0x9a: {  	v40 =	vld [tilespmem:$0x1FE50];
	v49 =	vadd.s32 v35, v47;
	[tilespmem:$0x580] =	vst v48  }
0x9b: {  	v41 =	vld [tilespmem:$0x1FE60];
	v50 =	vadd.s32 v36, v47;
	[tilespmem:$0x590] =	vst v49  }
0x9c: {  	v51 =	vadd.s32 v37, v47;
	[tilespmem:$0x5A0] =	vst v50  }
0x9d: {  	v52 =	vadd.s32 v38, v47;
	[tilespmem:$0x5B0] =	vst v51  }
0x9e: {  	v53 =	vadd.s32 v39, v47;
	[tilespmem:$0x5C0] =	vst v52  }
0x9f: {  	v54 =	vadd.s32 v40, v47;
	[tilespmem:$0x5D0] =	vst v53  }
0xa0: {  	v1 =	vadd.s32 v41, v47;
	[tilespmem:$0x5E0] =	vst v54  }
0xa1: {  	[tilespmem:$0x5F0] =	vst v1  }
0xa2: {  	[tilespmem:s10], [sflag:$0x1] =	stream.indirect.gather [hbm4b:s1+s8], $0x80, s19, s8, $0xb8;
	[tilespmem:$0x10B80] =	vst v63  }
0xa3: {  	_ =	swait.ge [sflag:s17], $0x4000  }
0xa4: {  	[sflag:s17] =	ssyncset.done $0x0  }
0xa5: {  	s0 =	rddreg [dreg:$0x6];
	[sflag:s17] =	ssyncadd.s32 $0xFFFFC000  }
0xa6: {  	[hbm4b:s0+s3] =	stream.linear.scatter [tilespmem:s12], [sflag:$0x2], $0x4000, $0x38;
	[tilespmem:$0x10B80] =	vst v63  }
0xa7: {  	_ =	swait.ge [sflag:s18], $0x4000  }
0xa8: {  	[sflag:s18] =	ssyncset.done $0x0  }
0xa9: {  	v42 =	vld [tilespmem:$0x1FE70];
	[sflag:s18] =	ssyncadd.s32 $0xFFFFC000  }
0xaa: {  	v55 =	vld [tilespmem:s7+$0x0]  }
0xab: {  	v43 =	vld [tilespmem:$0x1FE80]  }
0xac: {  	v44 =	vld [tilespmem:$0x1FE90]  }
0xad: {  	v45 =	vld [tilespmem:$0x1FEA0]  }
0xae: {  	v46 =	vld [tilespmem:$0x1FEB0]  }
0xaf: {  	v47 =	vld [tilespmem:$0x1FEC0];
	v56 =	vadd.s32 v42, v55  }
0xb0: {  	v48 =	vld [tilespmem:$0x1FED0];
	v57 =	vadd.s32 v43, v55;
	[tilespmem:$0x600] =	vst v56  }
0xb1: {  	v49 =	vld [tilespmem:$0x1FEE0];
	v58 =	vadd.s32 v44, v55;
	[tilespmem:$0x610] =	vst v57  }
0xb2: {  	v59 =	vadd.s32 v45, v55;
	[tilespmem:$0x620] =	vst v58  }
0xb3: {  	v60 =	vadd.s32 v46, v55;
	[tilespmem:$0x630] =	vst v59  }
0xb4: {  	v61 =	vadd.s32 v47, v55;
	[tilespmem:$0x640] =	vst v60  }
0xb5: {  	v62 =	vadd.s32 v48, v55;
	[tilespmem:$0x650] =	vst v61  }
0xb6: {  	v1 =	vadd.s32 v49, v55;
	[tilespmem:$0x660] =	vst v62  }
0xb7: {  	[tilespmem:$0x670] =	vst v1  }
0xb8: {  	[tilespmem:s12], [sflag:$0x1] =	stream.indirect.gather [hbm4b:s1+s8], $0x80, s20, s8, $0xb8;
	[tilespmem:$0x10B80] =	vst v63  }
0xb9: {  	_ =	swait.ge [sflag:s17], $0x4000  }
0xba: {  	[sflag:s17] =	ssyncset.done $0x0  }
0xbb: {  	s0 =	rddreg [dreg:$0x7];
	[sflag:s17] =	ssyncadd.s32 $0xFFFFC000  }
0xbc: {  	[hbm4b:s0+s3] =	stream.linear.scatter [tilespmem:s14], [sflag:$0x2], $0x4000, $0x38;
	[tilespmem:$0x10B80] =	vst v63  }
0xbd: {  	_ =	swait.ge [sflag:s18], $0x4000  }
0xbe: {  	[sflag:s18] =	ssyncset.done $0x0  }
0xbf: {  	v50 =	vld [tilespmem:$0x1FEF0];
	[sflag:s18] =	ssyncadd.s32 $0xFFFFC000  }
0xc0: {  	v63 =	vld [tilespmem:s7+$0x0]  }
0xc1: {  	v51 =	vld [tilespmem:$0x1FF00];
	_ =	sdelay $0x3  }
0xc2: {  	v52 =	vadd.s32 v50, v63  }
0xc3: {  	v53 =	vadd.s32 v51, v63;
	[tilespmem:$0x680] =	vst v52;
	v52 =	vld [tilespmem:$0x1FF10]  }
0xc4: {  	[tilespmem:$0x690] =	vst v53;
	v53 =	vld [tilespmem:$0x1FF20];
	_ =	sdelay $0x3  }
0xc5: {  	v54 =	vadd.s32 v52, v63  }
0xc6: {  	v55 =	vadd.s32 v53, v63;
	[tilespmem:$0x6A0] =	vst v54;
	v54 =	vld [tilespmem:$0x1FF30]  }
0xc7: {  	[tilespmem:$0x6B0] =	vst v55;
	v55 =	vld [tilespmem:$0x1FF40];
	_ =	sdelay $0x3  }
0xc8: {  	v56 =	vadd.s32 v54, v63  }
0xc9: {  	v57 =	vadd.s32 v55, v63;
	[tilespmem:$0x6C0] =	vst v56;
	v56 =	vld [tilespmem:$0x1FF50]  }
0xca: {  	[tilespmem:$0x6D0] =	vst v57;
	v57 =	vld [tilespmem:$0x1FF60];
	_ =	sdelay $0x3  }
0xcb: {  	v58 =	vadd.s32 v56, v63  }
0xcc: {  	v1 =	vadd.s32 v57, v63;
	[tilespmem:$0x6E0] =	vst v58  }
0xcd: {  	[tilespmem:$0x6F0] =	vst v1  }
0xce: {  	[tilespmem:s14], [sflag:$0x1] =	stream.indirect.gather [hbm4b:s1+s8], $0x80, s21, s8, $0xb8;
	[tilespmem:$0x10B80] =	vst v63  }
0xcf: {  	_ =	swait.ge [sflag:s17], $0x4000  }
0xd0: {  	[sflag:s17] =	ssyncset.done $0x0  }
0xd1: {  	s0 =	rddreg [dreg:$0x8];
	[sflag:s17] =	ssyncadd.s32 $0xFFFFC000  }
0xd2: {  	[hbm4b:s0+s3] =	stream.linear.scatter [tilespmem:s16], [sflag:$0x2], $0x4000, $0x38;
	[tilespmem:$0x10B80] =	vst v63  }
0xd3: {  	_ =	swait.ge [sflag:s18], $0x4000  }
0xd4: {  	[sflag:s18] =	ssyncset.done $0x0  }
0xd5: {  	v58 =	vld [tilespmem:$0x1FF70];
	[sflag:s18] =	ssyncadd.s32 $0xFFFFC000  }
0xd6: {  	v1 =	vld [tilespmem:s7+$0x0];
	_ =	sdelay $0x4  }
0xd7: {  	v59 =	vadd.s32 v58, v1  }
0xd8: {  	[tilespmem:$0x700] =	vst v59;
	v59 =	vld [tilespmem:$0x1FF80];
	_ =	sdelay $0x4  }
0xd9: {  	v60 =	vadd.s32 v59, v1  }
0xda: {  	[tilespmem:$0x710] =	vst v60;
	v60 =	vld [tilespmem:$0x1FF90];
	_ =	sdelay $0x4  }
0xdb: {  	v61 =	vadd.s32 v60, v1  }
0xdc: {  	[tilespmem:$0x720] =	vst v61;
	v61 =	vld [tilespmem:$0x1FFA0];
	_ =	sdelay $0x4  }
0xdd: {  	v62 =	vadd.s32 v61, v1  }
0xde: {  	[tilespmem:$0x730] =	vst v62;
	v62 =	vld [tilespmem:$0x1FFB0];
	_ =	sdelay $0x4  }
0xdf: {  	v63 =	vadd.s32 v62, v1  }
0xe0: {  	[tilespmem:$0x740] =	vst v63;
	v63 =	vld [tilespmem:$0x1FFC0]  }
0xe1: {  	v0 =	vld [tilespmem:$0x1FFD0];
	_ =	sdelay $0x3  }
0xe2: {  	v2 =	vadd.s32 v63, v1  }
0xe3: {  	[tilespmem:$0x750] =	vst v2;
	v2 =	vadd.s32 v0, v1;
	v0 =	vld [tilespmem:$0x1FFF0];
	_ =	sdelay $0x4  }
0xe4: {  	[tilespmem:$0x760] =	vst v2;
	v1 =	vadd.s32 v0, v1  }
0xe5: {  	[tilespmem:$0x770] =	vst v1  }
0xe6: {  	[tilespmem:s16], [sflag:$0x1] =	stream.indirect.gather [hbm4b:s1+s8], $0x80, s22, s8, $0xb8;
	[tilespmem:$0x10B80] =	vst v63  }
0xe7: {  	_ =	swait.ge [sflag:s17], $0x4000  }
0xe8: {  	[sflag:s17] =	ssyncset.done $0x0  }
0xe9: {  	s0 =	rddreg [dreg:$0x9];
	[sflag:s17] =	ssyncadd.s32 $0xFFFFC000  }
0xea: {  	[hbm4b:s0+s3] =	stream.linear.scatter [tilespmem:s10], [sflag:$0x2], $0x4000, $0x38;
	[tilespmem:$0x10B80] =	vst v63  }
0xeb: {  	_ =	swait.ge [sflag:s18], $0x4000  }
0xec: {  	[sflag:s18] =	ssyncset.done $0x0  }
0xed: {  	[sflag:s18] =	ssyncadd.s32 $0xFFFFC000  }
0xee: {  	v1 =	vld [tilespmem:s23+$0x0];
	_ =	sdelay $0x4  }
0xef: {  	v10 =	vadd.s32 v10, v1  }
0xf0: {  	[tilespmem:$0x780] =	vst v10;
	v10 =	vadd.s32 v3, v1  }
0xf1: {  	[tilespmem:$0x790] =	vst v10;
	v10 =	vadd.s32 v4, v1  }
0xf2: {  	v4 =	vadd.s32 v5, v1;
	[tilespmem:$0x7A0] =	vst v10  }
0xf3: {  	v5 =	vadd.s32 v6, v1;
	[tilespmem:$0x7B0] =	vst v4  }
0xf4: {  	v6 =	vadd.s32 v7, v1;
	[tilespmem:$0x7C0] =	vst v5  }
0xf5: {  	v7 =	vadd.s32 v8, v1;
	[tilespmem:$0x7D0] =	vst v6  }
0xf6: {  	v1 =	vadd.s32 v9, v1;
	[tilespmem:$0x7E0] =	vst v7  }
0xf7: {  	[tilespmem:$0x7F0] =	vst v1  }
0xf8: {  	[tilespmem:s10], [sflag:$0x1] =	stream.indirect.gather [hbm4b:s1+s8], $0x80, s24, s8, $0xb8;
	[tilespmem:$0x10B80] =	vst v63  }
0xf9: {  	_ =	swait.ge [sflag:s17], $0x4000  }
0xfa: {  	[sflag:s17] =	ssyncset.done $0x0  }
0xfb: {  	s0 =	rddreg [dreg:$0xa];
	[sflag:s17] =	ssyncadd.s32 $0xFFFFC000  }
0xfc: {  	[hbm4b:s0+s3] =	stream.linear.scatter [tilespmem:s12], [sflag:$0x2], $0x4000, $0x38;
	[tilespmem:$0x10B80] =	vst v63  }
0xfd: {  	_ =	swait.ge [sflag:s18], $0x4000  }
0xfe: {  	[sflag:s18] =	ssyncset.done $0x0  }
0xff: {  	[sflag:s18] =	ssyncadd.s32 $0xFFFFC000  }
0x100: {  	v8 =	vld [tilespmem:s23+$0x0];
	_ =	sdelay $0x4  }
0x101: {  	v9 =	vadd.s32 v18, v8  }
0x102: {  	v10 =	vadd.s32 v11, v8;
	[tilespmem:$0x800] =	vst v9  }
0x103: {  	v11 =	vadd.s32 v12, v8;
	[tilespmem:$0x810] =	vst v10  }
0x104: {  	v12 =	vadd.s32 v13, v8;
	[tilespmem:$0x820] =	vst v11  }
0x105: {  	v13 =	vadd.s32 v14, v8;
	[tilespmem:$0x830] =	vst v12  }
0x106: {  	v14 =	vadd.s32 v15, v8;
	[tilespmem:$0x840] =	vst v13  }
0x107: {  	v15 =	vadd.s32 v16, v8;
	[tilespmem:$0x850] =	vst v14  }
0x108: {  	v1 =	vadd.s32 v17, v8;
	[tilespmem:$0x860] =	vst v15  }
0x109: {  	[tilespmem:$0x870] =	vst v1  }
0x10a: {  	[tilespmem:s12], [sflag:$0x1] =	stream.indirect.gather [hbm4b:s1+s8], $0x80, s25, s8, $0xb8;
	[tilespmem:$0x10B80] =	vst v63  }
0x10b: {  	_ =	swait.ge [sflag:s17], $0x4000  }
0x10c: {  	[sflag:s17] =	ssyncset.done $0x0  }
0x10d: {  	s0 =	rddreg [dreg:$0xb];
	[sflag:s17] =	ssyncadd.s32 $0xFFFFC000  }
0x10e: {  	[hbm4b:s0+s3] =	stream.linear.scatter [tilespmem:s14], [sflag:$0x2], $0x4000, $0x38;
	[tilespmem:$0x10B80] =	vst v63  }
0x10f: {  	_ =	swait.ge [sflag:s18], $0x4000  }
0x110: {  	[sflag:s18] =	ssyncset.done $0x0  }
0x111: {  	[sflag:s18] =	ssyncadd.s32 $0xFFFFC000  }
0x112: {  	v16 =	vld [tilespmem:s23+$0x0];
	_ =	sdelay $0x4  }
0x113: {  	v17 =	vadd.s32 v26, v16  }
0x114: {  	v18 =	vadd.s32 v19, v16;
	[tilespmem:$0x880] =	vst v17  }
0x115: {  	v19 =	vadd.s32 v20, v16;
	[tilespmem:$0x890] =	vst v18  }
0x116: {  	v20 =	vadd.s32 v21, v16;
	[tilespmem:$0x8A0] =	vst v19  }
0x117: {  	v21 =	vadd.s32 v22, v16;
	[tilespmem:$0x8B0] =	vst v20  }
0x118: {  	v22 =	vadd.s32 v23, v16;
	[tilespmem:$0x8C0] =	vst v21  }
0x119: {  	v23 =	vadd.s32 v24, v16;
	[tilespmem:$0x8D0] =	vst v22  }
0x11a: {  	v1 =	vadd.s32 v25, v16;
	[tilespmem:$0x8E0] =	vst v23  }
0x11b: {  	[tilespmem:$0x8F0] =	vst v1  }
0x11c: {  	[tilespmem:s14], [sflag:$0x1] =	stream.indirect.gather [hbm4b:s1+s8], $0x80, s26, s8, $0xb8;
	[tilespmem:$0x10B80] =	vst v63  }
0x11d: {  	_ =	swait.ge [sflag:s17], $0x4000  }
0x11e: {  	[sflag:s17] =	ssyncset.done $0x0  }
0x11f: {  	s0 =	rddreg [dreg:$0xc];
	[sflag:s17] =	ssyncadd.s32 $0xFFFFC000  }
0x120: {  	[hbm4b:s0+s3] =	stream.linear.scatter [tilespmem:s16], [sflag:$0x2], $0x4000, $0x38;
	[tilespmem:$0x10B80] =	vst v63  }
0x121: {  	_ =	swait.ge [sflag:s18], $0x4000  }
0x122: {  	[sflag:s18] =	ssyncset.done $0x0  }
0x123: {  	v25 =	vld [tilespmem:$0x1FD70];
	[sflag:s18] =	ssyncadd.s32 $0xFFFFC000  }
0x124: {  	v24 =	vld [tilespmem:s23+$0x0];
	_ =	sdelay $0x4  }
0x125: {  	v2 =	vadd.s32 v25, v24  }
0x126: {  	v26 =	vadd.s32 v27, v24;
	[tilespmem:$0x900] =	vst v2  }
0x127: {  	v27 =	vadd.s32 v28, v24;
	[tilespmem:$0x910] =	vst v26  }
0x128: {  	v28 =	vadd.s32 v29, v24;
	[tilespmem:$0x920] =	vst v27  }
0x129: {  	v29 =	vadd.s32 v30, v24;
	[tilespmem:$0x930] =	vst v28  }
0x12a: {  	v30 =	vadd.s32 v31, v24;
	[tilespmem:$0x940] =	vst v29  }
0x12b: {  	v31 =	vadd.s32 v32, v24;
	[tilespmem:$0x950] =	vst v30  }
0x12c: {  	v1 =	vadd.s32 v33, v24;
	[tilespmem:$0x960] =	vst v31  }
0x12d: {  	[tilespmem:$0x970] =	vst v1  }
0x12e: {  	[tilespmem:s16], [sflag:$0x1] =	stream.indirect.gather [hbm4b:s1+s8], $0x80, s28, s8, $0xb8;
	[tilespmem:$0x10B80] =	vst v63  }
0x12f: {  	_ =	swait.ge [sflag:s17], $0x4000  }
0x130: {  	[sflag:s17] =	ssyncset.done $0x0  }
0x131: {  	s0 =	rddreg [dreg:$0xd];
	[sflag:s17] =	ssyncadd.s32 $0xFFFFC000  }
0x132: {  	[hbm4b:s0+s3] =	stream.linear.scatter [tilespmem:s10], [sflag:$0x2], $0x4000, $0x38;
	[tilespmem:$0x10B80] =	vst v63  }
0x133: {  	_ =	swait.ge [sflag:s18], $0x4000  }
0x134: {  	[sflag:s18] =	ssyncset.done $0x0  }
0x135: {  	[sflag:s18] =	ssyncadd.s32 $0xFFFFC000  }
0x136: {  	v32 =	vld [tilespmem:s23+$0x0];
	_ =	sdelay $0x4  }
0x137: {  	v33 =	vadd.s32 v34, v32  }
0x138: {  	v34 =	vadd.s32 v35, v32;
	[tilespmem:$0x980] =	vst v33  }
0x139: {  	v35 =	vadd.s32 v36, v32;
	[tilespmem:$0x990] =	vst v34  }
0x13a: {  	v36 =	vadd.s32 v37, v32;
	[tilespmem:$0x9A0] =	vst v35  }
0x13b: {  	v37 =	vadd.s32 v38, v32;
	[tilespmem:$0x9B0] =	vst v36  }
0x13c: {  	v38 =	vadd.s32 v39, v32;
	[tilespmem:$0x9C0] =	vst v37  }
0x13d: {  	v39 =	vadd.s32 v40, v32;
	[tilespmem:$0x9D0] =	vst v38  }
0x13e: {  	v1 =	vadd.s32 v41, v32;
	[tilespmem:$0x9E0] =	vst v39  }
0x13f: {  	[tilespmem:$0x9F0] =	vst v1  }
0x140: {  	[tilespmem:s10], [sflag:$0x1] =	stream.indirect.gather [hbm4b:s1+s8], $0x80, s29, s8, $0xb8;
	[tilespmem:$0x10B80] =	vst v63  }
0x141: {  	_ =	swait.ge [sflag:s17], $0x4000  }
0x142: {  	[sflag:s17] =	ssyncset.done $0x0  }
0x143: {  	s0 =	rddreg [dreg:$0xe];
	[sflag:s17] =	ssyncadd.s32 $0xFFFFC000  }
0x144: {  	[hbm4b:s0+s3] =	stream.linear.scatter [tilespmem:s12], [sflag:$0x2], $0x4000, $0x38;
	[tilespmem:$0x10B80] =	vst v63  }
0x145: {  	_ =	swait.ge [sflag:s18], $0x4000  }
0x146: {  	[sflag:s18] =	ssyncset.done $0x0  }
0x147: {  	[sflag:s18] =	ssyncadd.s32 $0xFFFFC000  }
0x148: {  	v40 =	vld [tilespmem:s23+$0x0];
	_ =	sdelay $0x4  }
0x149: {  	v41 =	vadd.s32 v42, v40  }
0x14a: {  	v42 =	vadd.s32 v43, v40;
	[tilespmem:$0xA00] =	vst v41  }
0x14b: {  	v43 =	vadd.s32 v44, v40;
	[tilespmem:$0xA10] =	vst v42  }
0x14c: {  	v44 =	vadd.s32 v45, v40;
	[tilespmem:$0xA20] =	vst v43  }
0x14d: {  	v45 =	vadd.s32 v46, v40;
	[tilespmem:$0xA30] =	vst v44  }
0x14e: {  	v46 =	vadd.s32 v47, v40;
	[tilespmem:$0xA40] =	vst v45  }
0x14f: {  	v47 =	vadd.s32 v48, v40;
	[tilespmem:$0xA50] =	vst v46  }
0x150: {  	v1 =	vadd.s32 v49, v40;
	[tilespmem:$0xA60] =	vst v47  }
0x151: {  	[tilespmem:$0xA70] =	vst v1  }
0x152: {  	[tilespmem:s12], [sflag:$0x1] =	stream.indirect.gather [hbm4b:s1+s8], $0x80, s30, s8, $0xb8;
	[tilespmem:$0x10B80] =	vst v63  }
0x153: {  	_ =	swait.ge [sflag:s17], $0x4000  }
0x154: {  	[sflag:s17] =	ssyncset.done $0x0  }
0x155: {  	s0 =	rddreg [dreg:$0xf];
	[sflag:s17] =	ssyncadd.s32 $0xFFFFC000  }
0x156: {  	[hbm4b:s0+s3] =	stream.linear.scatter [tilespmem:s14], [sflag:$0x2], $0x4000, $0x38;
	[tilespmem:$0x10B80] =	vst v63  }
0x157: {  	_ =	swait.ge [sflag:s18], $0x4000  }
0x158: {  	[sflag:s18] =	ssyncset.done $0x0  }
0x159: {  	[sflag:s18] =	ssyncadd.s32 $0xFFFFC000  }
0x15a: {  	v48 =	vld [tilespmem:s23+$0x0];
	_ =	sdelay $0x4  }
0x15b: {  	v49 =	vadd.s32 v50, v48  }
0x15c: {  	v50 =	vadd.s32 v51, v48;
	[tilespmem:$0xA80] =	vst v49  }
0x15d: {  	v51 =	vadd.s32 v52, v48;
	[tilespmem:$0xA90] =	vst v50  }
0x15e: {  	v52 =	vadd.s32 v53, v48;
	[tilespmem:$0xAA0] =	vst v51  }
0x15f: {  	v53 =	vadd.s32 v54, v48;
	[tilespmem:$0xAB0] =	vst v52  }
0x160: {  	v54 =	vadd.s32 v55, v48;
	[tilespmem:$0xAC0] =	vst v53  }
0x161: {  	v55 =	vadd.s32 v56, v48;
	[tilespmem:$0xAD0] =	vst v54  }
0x162: {  	v1 =	vadd.s32 v57, v48;
	[tilespmem:$0xAE0] =	vst v55  }
0x163: {  	[tilespmem:$0xAF0] =	vst v1  }
0x164: {  	[tilespmem:s14], [sflag:$0x1] =	stream.indirect.gather [hbm4b:s1+s8], $0x80, s31, s8, $0xb8;
	[tilespmem:$0x10B80] =	vst v63  }
0x165: {  	_ =	swait.ge [sflag:s17], $0x4000  }
0x166: {  	[sflag:s17] =	ssyncset.done $0x0  }
0x167: {  	s0 =	rddreg [dreg:$0x10];
	[sflag:s17] =	ssyncadd.s32 $0xFFFFC000  }
0x168: {  	[hbm4b:s0+s3] =	stream.linear.scatter [tilespmem:s16], [sflag:$0x2], $0x4000, $0x38;
	[tilespmem:$0x10B80] =	vst v63  }
0x169: {  	_ =	swait.ge [sflag:s18], $0x4000  }
0x16a: {  	[sflag:s18] =	ssyncset.done $0x0  }
0x16b: {  	[sflag:s18] =	ssyncadd.s32 $0xFFFFC000  }
0x16c: {  	v56 =	vld [tilespmem:s23+$0x0];
	_ =	sdelay $0x4  }
0x16d: {  	v57 =	vadd.s32 v58, v56  }
0x16e: {  	v58 =	vadd.s32 v59, v56;
	v59 =	vadd.s32 v60, v56;
	[tilespmem:$0xB00] =	vst v57  }
0x16f: {  	v60 =	vadd.s32 v61, v56;
	v61 =	vadd.s32 v62, v56;
	v62 =	vadd.s32 v63, v56;
	v63 =	vld [tilespmem:$0x1FFD0];
	[tilespmem:$0xB10] =	vst v58  }
0x170: {  	[tilespmem:$0xB20] =	vst v59  }
0x171: {  	[tilespmem:$0xB30] =	vst v60  }
0x172: {  	[tilespmem:$0xB40] =	vst v61  }
0x173: {  	v1 =	vadd.s32 v0, v56;
	[tilespmem:$0xB50] =	vst v62  }
0x174: {  	[tilespmem:$0xB70] =	vst v1;
	v2 =	vadd.s32 v63, v56  }
0x175: {  	[tilespmem:$0xB60] =	vst v2  }
0x176: {  	[tilespmem:s16], [sflag:$0x1] =	stream.indirect.gather [hbm4b:s1+s8], $0x80, s2, s8, $0xb8;
	[tilespmem:$0x10B80] =	vst v63  }
0x177: {  	_ =	swait.ge [sflag:s17], $0x4000  }
0x178: {  	[sflag:s17] =	ssyncset.done $0x0  }
0x179: {  	s0 =	rddreg [dreg:$0x11];
	[sflag:s17] =	ssyncadd.s32 $0xFFFFC000  }
0x17a: {  	[hbm4b:s0+s3] =	stream.linear.scatter [tilespmem:s10], [sflag:$0x2], $0x4000, $0x38;
	[tilespmem:$0x10B80] =	vst v63  }
0x17b: {  	_ =	swait.ge [sflag:s17], $0x4000  }
0x17c: {  	[sflag:s17] =	ssyncset.done $0x0  }
0x17d: {  	s0 =	rddreg [dreg:$0x12];
	[sflag:s17] =	ssyncadd.s32 $0xFFFFC000  }
0x17e: {  	[hbm4b:s0+s3] =	stream.linear.scatter [tilespmem:s12], [sflag:$0x2], $0x4000, $0x38;
	[tilespmem:$0x10B80] =	vst v63  }
0x17f: {  	_ =	swait.ge [sflag:s17], $0x4000  }
0x180: {  	[sflag:s17] =	ssyncset.done $0x0  }
0x181: {  	s0 =	rddreg [dreg:$0x13];
	[sflag:s17] =	ssyncadd.s32 $0xFFFFC000  }
0x182: {  	[hbm4b:s0+s3] =	stream.linear.scatter [tilespmem:s14], [sflag:$0x2], $0x4000, $0x38;
	[tilespmem:$0x10B80] =	vst v63  }
0x183: {  	_ =	swait.ge [sflag:s17], $0x4000  }
0x184: {  	[sflag:s17] =	ssyncset.done $0x0  }
0x185: {  	[sflag:s17] =	ssyncadd.s32 $0xFFFFC000  }
0x186: {  	[hbm4b:s4+s3] =	stream.linear.scatter [tilespmem:s16], [sflag:$0x2], $0x4000, $0x38;
	[tilespmem:$0x10B80] =	vst v63  }
0x187: {  	_ =	swait.ge [sflag:s18], $0x4000  }
0x188: {  	[sflag:s18] =	ssyncset.done $0x0  }
0x189: {  	[sflag:s18] =	ssyncadd.s32 $0xFFFFC000  }
0x18a: {  	_ =	swait.ge [sflag:s18], $0x4000  }
0x18b: {  	[sflag:s18] =	ssyncset.done $0x0  }
0x18c: {  	[sflag:s18] =	ssyncadd.s32 $0xFFFFC000  }
0x18d: {  	p0 =	sne.s32 s5, $0x1;
	_ =	swait.ge [sflag:s18], $0x4000  }
.Ltmp1:
0x18e: {  	[sflag:s18] =	ssyncset.done $0x0;
	(pc) =	sbr.rel @p0 .LBB2_2-.Ltmp1, $4  }
0x18f: {  	[sflag:s18] =	ssyncadd.s32 $0xFFFFC000  }
0x190: {  	_ =	swait.ge [sflag:s18], $0x4000  }
0x191: {  	[sflag:s18] =	ssyncset.done $0x0  }
0x192: {  	s5 =	sadd.s32 $0xFFFFFFFF, s5;
	[sflag:s18] =	ssyncadd.s32 $0xFFFFC000  }
.LBB2_3:
0x193: {  	_ =	sfence.sel $0x180000  }
0x194: {  	[bflag:$0x0] =	sbarrier.arrive $0xFFFF  }
0x195: {  	_ =	strace $0x90000047  }
0x196: {  	s0 =	stileid.u32;
	[bflag:$0x2] =	sbarrier.arrive $0xFFFF  }
0x197: {  	p0 =	sne.s32 s0, $0x0;
	s0 =	rddreg [dreg:$0x3]  }
0x198: {  	s0 =	sadd.s32 @!p0 $0x100000, s0  }
0x199: {  	[sflag:s0] =	ssyncadd.tile.s32 @!p0 $0x1;
	_ =	shalt  }
.Lfunc_end2:
_tile_overlayer_lowered:
.L_overlay_start_2:
0x19a: {  	(tag) =	ssettag $0x2  }
0x19b: {  	s0 =	rddreg [dreg:$0x0];
	s2 =	stileid.u32  }
0x19c: {  	s1 =	rddreg [dreg:$0x1];
	p0 =	sne.s32 s2, $0x0  }
0x19d: {  	s3 =	rddreg [dreg:$0x2];
	[bflag:$0x3] =	sbarrier.arrive $0xFFFF;
	s2 =	simm.s32 @!p0 $0x1C03  }
0x19e: {  	[timem:s3], [sflag:s2] =	dma.local @!p0 [hbm:s0], s1  }
0x19f: {  	s0 =	simm.s32 @!p0 $0x3  }
0x1a0: {  	_ =	swait.ge @!p0 [sflag:s0], s1  }
0x1a1: {  	s1 =	ssub.s32 @!p0 $0x0, s1;
	[sflag:s0] =	ssyncset.done @!p0 $0x0  }
0x1a2: {  	[sflag:s0] =	ssyncadd.s32 @!p0 s1  }
0x1a3: {  	[bflag:$0x3] =	sbarrier.arrive $0xFFFF  }
0x1a4: {  	_ =	shalt  }

</sc_bundles>
